<compile_context>
chip_gen: v7x
topology: tpu7x:2x2x1
jax: 0.10.2.dev20260603
libtpu: 0.0.44.dev20260713+nightly
codegen_flags: <defaults>
</compile_context>

<pallas_src>
import jax
import jax.numpy as jnp
import numpy as np
from jax import lax
from jax.experimental import pallas as pl
from jax.experimental.pallas import tpu as pltpu
from jax.experimental.pallas import tpu_sc as plsc

_B, _NG, _L, _NE, _D_EDGE = 4, 128, 4, 512, 256
_NT = _B * _NG
_NW = 32
_ROWS_PER_W = _NT // _NW
_SCALE = float(np.float32(1.0) / (np.float32(_L) + np.float32(1e-9)))

_RPB = 2
_NBLK = _ROWS_PER_W // _RPB
_NBUF = 2


def _scores_body(ev_ref, ea_ref, o_ref):
    o_ref[...] = lax.dot_general(
        ev_ref[...], ea_ref[...],
        dimension_numbers=(((1,), (1,)), ((), ())),
        preferred_element_type=jnp.float32) * _SCALE


def _sc_body(paths_hbm, scores_hbm, out_hbm, row_a, row_b,
             sc0, sc1, sc2, sc3, out_v, dsem_a, dsem_b, ssem, osem):
    wid = lax.axis_index("c") * 16 + lax.axis_index("s")
    b = wid // (_NW // _B)
    n0 = (wid % (_NW // _B)) * _ROWS_PER_W
    scv = [sc0, sc1, sc2, sc3]
    rows = [row_a, row_b]
    dsems = [dsem_a, dsem_b]

    cps = {}
    for k in range(_NBUF):
        cps[k] = pltpu.async_copy(
            paths_hbm.at[b, pl.ds(n0 + k * _RPB, _RPB)], rows[k], dsems[k])
    scps = [pltpu.async_copy(scores_hbm.at[l, pl.ds(b * _NE, _NE)], scv[l], ssem)
            for l in range(_L)]

    lane = lax.iota(jnp.int32, 16)
    zeros16 = jnp.zeros((16,), jnp.float32)
    lvecs = [jnp.full((16,), l, jnp.int32) for l in range(_L)]

    @plsc.parallel_loop(0, _ROWS_PER_W * _NT // 16, unroll=8)
    def zero_body(j):
        out_v[pl.ds(j * 16, 16)] = zeros16

    for scp in scps:
        scp.wait()

    col0 = b * _NG
    ocps = []

    for k in range(_NBLK):
        row_v = rows[k % _NBUF]
        cps[k].wait()

        for rr in range(_RPB):
            r = k * _RPB + rr
            row_r = row_v.at[rr]

            @plsc.parallel_loop(0, _NG // 16, unroll=8)
            def body(c):
                mvec = c * 16 + lane
                acc = zeros16
                for l in range(_L):
                    pidx = plsc.load_gather(row_r, [mvec, lvecs[l]])
                    acc = acc + plsc.load_gather(scv[l], [pidx])
                out_v[pl.ds(r * _NT + col0 + c * 16, 16)] = acc

        if k + _NBUF < _NBLK:
            cps[k + _NBUF] = pltpu.async_copy(
                paths_hbm.at[b, pl.ds(n0 + (k + _NBUF) * _RPB, _RPB)],
                rows[(k + _NBUF) % _NBUF], dsems[(k + _NBUF) % _NBUF])
        ocps.append(pltpu.async_copy(
            out_v.at[pl.ds(k * _RPB * _NT, _RPB * _NT)],
            out_hbm.at[pl.ds((wid * _ROWS_PER_W + k * _RPB) * _NT, _RPB * _NT)],
            osem))

    for ocp in ocps:
        ocp.wait()


_sc_call = pl.kernel(
    _sc_body,
    mesh=plsc.VectorSubcoreMesh(core_axis_name="c", subcore_axis_name="s"),
    out_type=jax.ShapeDtypeStruct((_NT * _NT,), jnp.float32),
    scratch_types=[
        pltpu.VMEM((_RPB, _NG, _L), jnp.int32),
        pltpu.VMEM((_RPB, _NG, _L), jnp.int32),
        pltpu.VMEM((_NE,), jnp.float32),
        pltpu.VMEM((_NE,), jnp.float32),
        pltpu.VMEM((_NE,), jnp.float32),
        pltpu.VMEM((_NE,), jnp.float32),
        pltpu.VMEM((_ROWS_PER_W * _NT,), jnp.float32),
        pltpu.SemaphoreType.DMA,
        pltpu.SemaphoreType.DMA,
        pltpu.SemaphoreType.DMA,
        pltpu.SemaphoreType.DMA,
    ],
    compiler_params=pltpu.CompilerParams(
        needs_layout_passes=False,
        disable_bounds_checks=True,
        disable_semaphore_checks=True,
    ),
)


def kernel(x, edge_attr, edge_paths, edge_vector):
    ea = edge_attr.reshape(_B * _NE, _D_EDGE)
    scores_t = pl.pallas_call(
        _scores_body,
        out_shape=jax.ShapeDtypeStruct((_L, _B * _NE), jnp.float32),
    )(edge_vector, ea)
    out_flat = _sc_call(edge_paths.astype(jnp.int32), scores_t)
    return out_flat.reshape(_NT, _NT)

# --- scband reference (transcript-rebuilt; emitter-appended) ---
"""Pipeline reference for scband-edge-encoding-38517266710632 (READ-ONLY COPY).

The authoritative reference and input builder live on the scoring server;
editing this copy changes nothing except your own understanding.
"""

import jax, jax.numpy as jnp
import numpy as np

B, NG, L, NE, D_EDGE, D_NODE = 4, 128, 4, 512, 256, 128
N_TOTAL = B * NG
EPS = 1e-09


def setup_inputs(seed: int = 0) -> dict:
    key = jax.random.key(seed)
    k1, k2, k3, k4 = jax.random.split(key, 4)
    x = jax.random.normal(k1, (N_TOTAL, D_NODE), dtype=jnp.float32)
    edge_attr = jax.random.normal(k2, (B, NE, D_EDGE), dtype=jnp.float32)
    edge_paths = jax.random.randint(k3, (B, NG, NG, L), 0, NE, dtype=jnp.int64)
    edge_vector = jax.random.normal(k4, (L, D_EDGE), dtype=jnp.float32)
    return {"x": x, "edge_attr": edge_attr, "edge_paths": edge_paths, "edge_vector": edge_vector}


def reference(x, edge_attr, edge_paths, edge_vector):
    batch_size = edge_paths.shape[0]
    num_nodes = x.shape[0]
    edge_attr = edge_attr.reshape((batch_size, -1, edge_attr.shape[-1]))
    edge_mask = edge_paths == -1
    edge_paths_clamped = jnp.clip(edge_paths, 0, None)
    batch_indices = jnp.arange(batch_size)[:, None, None, None]
    # gather: [B, NG, NG, L, D_EDGE]
    edge_path_embeddings = edge_attr[batch_indices, edge_paths_clamped, :]
    edge_path_embeddings = jnp.where(edge_mask[..., None], 0.0, edge_path_embeddings)
    path_lengths = (~edge_mask).sum(axis=-1).astype(jnp.float32) + EPS
    edge_path_encoding = jnp.einsum('bnmld,ld->bnm', edge_path_embeddings, edge_vector)
    enc = edge_path_encoding / path_lengths
    num_node = edge_paths.shape[1]
    out = jnp.zeros((num_nodes, num_nodes), dtype=jnp.float32)
    for i in range(batch_size):
        start = i * num_node
        end = start + num_node
        out = out.at[start:end, start:end].set(enc[i])
    return out

if __name__ == "__main__":
    import jax
    _d = setup_inputs()
    print(jax.jit(kernel)(*tuple(_d.values())))

</pallas_src>

<mosaic_0001>
#map = affine_map<(d0, d1) -> (0, 0, 0, 0)>
#map1 = affine_map<(d0, d1) -> (0, 0)>
#map2 = affine_map<(d0, d1) -> (0)>
module attributes {stable_mosaic.version = 14 : i64} {
  func.func @_sc_body(%arg0: i32, %arg1: i32, %arg2: memref<4x128x128x4xi32, #tpu.memory_space<hbm>>, %arg3: memref<4x2048xf32, #tpu.memory_space<hbm>>, %arg4: memref<262144xf32, #tpu.memory_space<hbm>>, %arg5: memref<2x128x4xi32, #tpu.memory_space<vmem>>, %arg6: memref<2x128x4xi32, #tpu.memory_space<vmem>>, %arg7: memref<512xf32, #tpu.memory_space<vmem>>, %arg8: memref<512xf32, #tpu.memory_space<vmem>>, %arg9: memref<512xf32, #tpu.memory_space<vmem>>, %arg10: memref<512xf32, #tpu.memory_space<vmem>>, %arg11: memref<8192xf32, #tpu.memory_space<vmem>>, %arg12: memref<!tpu.dma_semaphore, #tpu.memory_space<semaphore_mem>>, %arg13: memref<!tpu.dma_semaphore, #tpu.memory_space<semaphore_mem>>, %arg14: memref<!tpu.dma_semaphore, #tpu.memory_space<semaphore_mem>>, %arg15: memref<!tpu.dma_semaphore, #tpu.memory_space<semaphore_mem>>) attributes {dimension_semantics = [#tpu.dimension_semantics<core_parallel>, #tpu.dimension_semantics<subcore_parallel>], iteration_bounds = array<i64: 2, 16>, scalar_prefetch = 0 : i64, scratch_operands = 11 : i64, tpu.core_type = #tpu.core_type<sc_vector_subcore>, window_params = [{transform_indices = #map}, {transform_indices = #map1}, {transform_indices = #map2}]} {
    %mul3A = arith.constant 16 : i32
    %mul3A_0 = arith.muli %arg0, %mul3A : i32
    %add3A = arith.addi %mul3A_0, %arg1 : i32
    %jit3A = arith.constant 8 : i32
    %div3A = arith.divsi %add3A, %jit3A : i32
    %sign3A = arith.constant 0 : i32
    %sign3A_1 = arith.cmpi sgt, %add3A, %sign3A : i32
    %sign3A_2 = arith.extui %sign3A_1 : i1 to i32
    %sign3A_3 = arith.constant 0 : i32
    %sign3A_4 = arith.cmpi slt, %add3A, %sign3A_3 : i32
    %sign3A_5 = arith.extui %sign3A_4 : i1 to i32
    %sign3A_6 = arith.subi %sign3A_2, %sign3A_5 : i32
    %sign3A_7 = arith.constant 0 : i32
    %sign3A_8 = arith.cmpi sgt, %jit3A, %sign3A_7 : i32
    %sign3A_9 = arith.extui %sign3A_8 : i1 to i32
    %sign3A_10 = arith.constant 0 : i32
    %sign3A_11 = arith.cmpi slt, %jit3A, %sign3A_10 : i32
    %sign3A_12 = arith.extui %sign3A_11 : i1 to i32
    %sign3A_13 = arith.subi %sign3A_9, %sign3A_12 : i32
    %ne3A = arith.cmpi ne, %sign3A_6, %sign3A_13 : i32
    %rem3A = arith.remsi %add3A, %jit3A : i32
    %ne3A_14 = arith.constant 0 : i32
    %ne3A_15 = arith.cmpi ne, %rem3A, %ne3A_14 : i32
    %and3A = arith.andi %ne3A, %ne3A_15 : i1
    %sub3A = arith.constant 1 : i32
    %sub3A_16 = arith.subi %div3A, %sub3A : i32
    %select_n3A = arith.select %and3A, %sub3A_16, %div3A : i32
    %jit3A_17 = arith.constant 8 : i32
    %eq3A = arith.constant 0 : i32
    %eq3A_18 = arith.cmpi eq, %jit3A_17, %eq3A : i32
    %jit3A_19 = arith.constant 1 : i32
    %select_n3A_20 = arith.select %eq3A_18, %jit3A_19, %jit3A_17 : i32
    %rem3A_21 = arith.remsi %add3A, %select_n3A_20 : i32
    %ne3A_22 = arith.constant 0 : i32
    %ne3A_23 = arith.cmpi ne, %rem3A_21, %ne3A_22 : i32
    %lt3A = arith.constant 0 : i32
    %lt3A_24 = arith.cmpi slt, %rem3A_21, %lt3A : i32
    %lt3A_25 = arith.constant 0 : i32
    %lt3A_26 = arith.cmpi slt, %select_n3A_20, %lt3A_25 : i32
    %ne3A_27 = arith.xori %lt3A_24, %lt3A_26 : i1
    %and3A_28 = arith.andi %ne3A_27, %ne3A_23 : i1
    %add3A_29 = arith.addi %rem3A_21, %select_n3A_20 : i32
    %select_n3A_30 = arith.select %and3A_28, %add3A_29, %rem3A_21 : i32
    %mul3A_31 = arith.constant 16 : i32
    %mul3A_32 = arith.muli %select_n3A_30, %mul3A_31 : i32
    %add3A_33 = arith.constant 0 : i32
    %add3A_34 = arith.addi %mul3A_32, %add3A_33 : i32
    %dma_start3A = arith.constant 0 : i32
    %dma_start3A_35 = arith.constant 0 : i32
    %dma_start3A_36 = tpu.memref_slice %arg2[%select_n3A, %add3A_34, %dma_start3A, %dma_start3A_35] : memref<4x128x128x4xi32, #tpu.memory_space<hbm>> -> memref<1x2x128x4xi32, #tpu.memory_space<hbm>>
    %dma_start3A_37 = tpu.memref_squeeze %dma_start3A_36 : memref<1x2x128x4xi32, #tpu.memory_space<hbm>> -> memref<2x128x4xi32, #tpu.memory_space<hbm>>
    %dma_start3A_38 = arith.constant 0 : i32
    %dma_start3A_39 = arith.constant 0 : i32
    %dma_start3A_40 = tpu.memref_slice %arg2[%select_n3A, %add3A_34, %dma_start3A_38, %dma_start3A_39] : memref<4x128x128x4xi32, #tpu.memory_space<hbm>> -> memref<1x2x128x4xi32, #tpu.memory_space<hbm>>
    %dma_start3A_41 = tpu.memref_squeeze %dma_start3A_40 : memref<1x2x128x4xi32, #tpu.memory_space<hbm>> -> memref<2x128x4xi32, #tpu.memory_space<hbm>>
    tpu.enqueue_dma source(%dma_start3A_41 : memref<2x128x4xi32, #tpu.memory_space<hbm>>) target(%arg5 : memref<2x128x4xi32, #tpu.memory_space<vmem>>) target_semaphore(%arg12 : memref<!tpu.dma_semaphore, #tpu.memory_space<semaphore_mem>>)
    %add3A_42 = arith.constant 2 : i32
    %add3A_43 = arith.addi %mul3A_32, %add3A_42 : i32
    %dma_start3A_44 = arith.constant 0 : i32
    %dma_start3A_45 = arith.constant 0 : i32
    %dma_start3A_46 = tpu.memref_slice %arg2[%select_n3A, %add3A_43, %dma_start3A_44, %dma_start3A_45] : memref<4x128x128x4xi32, #tpu.memory_space<hbm>> -> memref<1x2x128x4xi32, #tpu.memory_space<hbm>>
    %dma_start3A_47 = tpu.memref_squeeze %dma_start3A_46 : memref<1x2x128x4xi32, #tpu.memory_space<hbm>> -> memref<2x128x4xi32, #tpu.memory_space<hbm>>
    %dma_start3A_48 = arith.constant 0 : i32
    %dma_start3A_49 = arith.constant 0 : i32
    %dma_start3A_50 = tpu.memref_slice %arg2[%select_n3A, %add3A_43, %dma_start3A_48, %dma_start3A_49] : memref<4x128x128x4xi32, #tpu.memory_space<hbm>> -> memref<1x2x128x4xi32, #tpu.memory_space<hbm>>
    %dma_start3A_51 = tpu.memref_squeeze %dma_start3A_50 : memref<1x2x128x4xi32, #tpu.memory_space<hbm>> -> memref<2x128x4xi32, #tpu.memory_space<hbm>>
    tpu.enqueue_dma source(%dma_start3A_51 : memref<2x128x4xi32, #tpu.memory_space<hbm>>) target(%arg6 : memref<2x128x4xi32, #tpu.memory_space<vmem>>) target_semaphore(%arg13 : memref<!tpu.dma_semaphore, #tpu.memory_space<semaphore_mem>>)
    %mul3A_52 = arith.constant 512 : i32
    %mul3A_53 = arith.muli %select_n3A, %mul3A_52 : i32
    %dma_start3A_54 = arith.constant 0 : i32
    %dma_start3A_55 = tpu.memref_slice %arg3[%dma_start3A_54, %mul3A_53] : memref<4x2048xf32, #tpu.memory_space<hbm>> -> memref<1x512xf32, #tpu.memory_space<hbm>>
    %dma_start3A_56 = tpu.memref_squeeze %dma_start3A_55 : memref<1x512xf32, #tpu.memory_space<hbm>> -> memref<512xf32, #tpu.memory_space<hbm>>
    %dma_start3A_57 = tpu.memref_slice %arg3[%dma_start3A_54, %mul3A_53] : memref<4x2048xf32, #tpu.memory_space<hbm>> -> memref<1x512xf32, #tpu.memory_space<hbm>>
    %dma_start3A_58 = tpu.memref_squeeze %dma_start3A_57 : memref<1x512xf32, #tpu.memory_space<hbm>> -> memref<512xf32, #tpu.memory_space<hbm>>
    tpu.enqueue_dma source(%dma_start3A_58 : memref<512xf32, #tpu.memory_space<hbm>>) target(%arg7 : memref<512xf32, #tpu.memory_space<vmem>>) target_semaphore(%arg14 : memref<!tpu.dma_semaphore, #tpu.memory_space<semaphore_mem>>)
    %mul3A_59 = arith.constant 512 : i32
    %mul3A_60 = arith.muli %select_n3A, %mul3A_59 : i32
    %dma_start3A_61 = arith.constant 1 : i32
    %dma_start3A_62 = tpu.memref_slice %arg3[%dma_start3A_61, %mul3A_60] : memref<4x2048xf32, #tpu.memory_space<hbm>> -> memref<1x512xf32, #tpu.memory_space<hbm>>
    %dma_start3A_63 = tpu.memref_squeeze %dma_start3A_62 : memref<1x512xf32, #tpu.memory_space<hbm>> -> memref<512xf32, #tpu.memory_space<hbm>>
    %dma_start3A_64 = tpu.memref_slice %arg3[%dma_start3A_61, %mul3A_60] : memref<4x2048xf32, #tpu.memory_space<hbm>> -> memref<1x512xf32, #tpu.memory_space<hbm>>
    %dma_start3A_65 = tpu.memref_squeeze %dma_start3A_64 : memref<1x512xf32, #tpu.memory_space<hbm>> -> memref<512xf32, #tpu.memory_space<hbm>>
    tpu.enqueue_dma source(%dma_start3A_65 : memref<512xf32, #tpu.memory_space<hbm>>) target(%arg8 : memref<512xf32, #tpu.memory_space<vmem>>) target_semaphore(%arg14 : memref<!tpu.dma_semaphore, #tpu.memory_space<semaphore_mem>>)
    %mul3A_66 = arith.constant 512 : i32
    %mul3A_67 = arith.muli %select_n3A, %mul3A_66 : i32
    %dma_start3A_68 = arith.constant 2 : i32
    %dma_start3A_69 = tpu.memref_slice %arg3[%dma_start3A_68, %mul3A_67] : memref<4x2048xf32, #tpu.memory_space<hbm>> -> memref<1x512xf32, #tpu.memory_space<hbm>>
    %dma_start3A_70 = tpu.memref_squeeze %dma_start3A_69 : memref<1x512xf32, #tpu.memory_space<hbm>> -> memref<512xf32, #tpu.memory_space<hbm>>
    %dma_start3A_71 = tpu.memref_slice %arg3[%dma_start3A_68, %mul3A_67] : memref<4x2048xf32, #tpu.memory_space<hbm>> -> memref<1x512xf32, #tpu.memory_space<hbm>>
    %dma_start3A_72 = tpu.memref_squeeze %dma_start3A_71 : memref<1x512xf32, #tpu.memory_space<hbm>> -> memref<512xf32, #tpu.memory_space<hbm>>
    tpu.enqueue_dma source(%dma_start3A_72 : memref<512xf32, #tpu.memory_space<hbm>>) target(%arg9 : memref<512xf32, #tpu.memory_space<vmem>>) target_semaphore(%arg14 : memref<!tpu.dma_semaphore, #tpu.memory_space<semaphore_mem>>)
    %mul3A_73 = arith.constant 512 : i32
    %mul3A_74 = arith.muli %select_n3A, %mul3A_73 : i32
    %dma_start3A_75 = arith.constant 3 : i32
    %dma_start3A_76 = tpu.memref_slice %arg3[%dma_start3A_75, %mul3A_74] : memref<4x2048xf32, #tpu.memory_space<hbm>> -> memref<1x512xf32, #tpu.memory_space<hbm>>
    %dma_start3A_77 = tpu.memref_squeeze %dma_start3A_76 : memref<1x512xf32, #tpu.memory_space<hbm>> -> memref<512xf32, #tpu.memory_space<hbm>>
    %dma_start3A_78 = tpu.memref_slice %arg3[%dma_start3A_75, %mul3A_74] : memref<4x2048xf32, #tpu.memory_space<hbm>> -> memref<1x512xf32, #tpu.memory_space<hbm>>
    %dma_start3A_79 = tpu.memref_squeeze %dma_start3A_78 : memref<1x512xf32, #tpu.memory_space<hbm>> -> memref<512xf32, #tpu.memory_space<hbm>>
    tpu.enqueue_dma source(%dma_start3A_79 : memref<512xf32, #tpu.memory_space<hbm>>) target(%arg10 : memref<512xf32, #tpu.memory_space<vmem>>) target_semaphore(%arg14 : memref<!tpu.dma_semaphore, #tpu.memory_space<semaphore_mem>>)
    %iota3A = tpu.iota {dimensions = array<i32: 0>} : vector<16xi32>
    %broadcast_in_dim3A = arith.constant 0.000000e+00 : f32
    %broadcast_in_dim3A_80 = vector.broadcast %broadcast_in_dim3A : f32 to vector<16xf32>
    %broadcast_in_dim3A_81 = arith.constant 0 : i32
    %broadcast_in_dim3A_82 = vector.broadcast %broadcast_in_dim3A_81 : i32 to vector<16xi32>
    %broadcast_in_dim3A_83 = arith.constant 1 : i32
    %broadcast_in_dim3A_84 = vector.broadcast %broadcast_in_dim3A_83 : i32 to vector<16xi32>
    %broadcast_in_dim3A_85 = arith.constant 2 : i32
    %broadcast_in_dim3A_86 = vector.broadcast %broadcast_in_dim3A_85 : i32 to vector<16xi32>
    %broadcast_in_dim3A_87 = arith.constant 3 : i32
    %broadcast_in_dim3A_88 = vector.broadcast %broadcast_in_dim3A_87 : i32 to vector<16xi32>
    %parallel_loop3A = arith.constant 0 : i32
    %parallel_loop3A_89 = arith.constant 512 : i32
    %parallel_loop3A_90 = arith.constant 1 : i32
    scf.for %parallel_loop3A_444 = %parallel_loop3A to %parallel_loop3A_89 step %parallel_loop3A_90  : i32 {
      %parallel_loop3A_445 = arith.constant 16 : i32
      %parallel_loop3A_446 = arith.muli %parallel_loop3A_444, %parallel_loop3A_445 : i32
      %parallel_loop3A_447 = arith.index_cast %parallel_loop3A_446 : i32 to index
      %parallel_loop3A_448 = tpu.vector_load %arg11[%parallel_loop3A_447] {strides = array<i32>} : memref<8192xf32, #tpu.memory_space<vmem>>, vector<16xf32>,
      tpu.vector_store %arg11[%parallel_loop3A_447], %broadcast_in_dim3A_80 {strides = array<i32>} : memref<8192xf32, #tpu.memory_space<vmem>>, vector<16xf32>,
    } {sc.loop_unroll_factor = 8 : i64, sc.parallel_access}
    %dma_wait3A = arith.constant 0 : i32
    %dma_wait3A_91 = tpu.memref_slice %arg3[%dma_wait3A, %mul3A_53] : memref<4x2048xf32, #tpu.memory_space<hbm>> -> memref<1x512xf32, #tpu.memory_space<hbm>>
    %dma_wait3A_92 = tpu.memref_squeeze %dma_wait3A_91 : memref<1x512xf32, #tpu.memory_space<hbm>> -> memref<512xf32, #tpu.memory_space<hbm>>
    %dma_wait3A_93 = tpu.memref_slice %arg3[%dma_wait3A, %mul3A_53] : memref<4x2048xf32, #tpu.memory_space<hbm>> -> memref<1x512xf32, #tpu.memory_space<hbm>>
    %dma_wait3A_94 = tpu.memref_squeeze %dma_wait3A_93 : memref<1x512xf32, #tpu.memory_space<hbm>> -> memref<512xf32, #tpu.memory_space<hbm>>
    tpu.wait_dma2 semaphore(%arg14 : memref<!tpu.dma_semaphore, #tpu.memory_space<semaphore_mem>>) src(%dma_wait3A_94 : memref<512xf32, #tpu.memory_space<hbm>>) dst(%arg7 : memref<512xf32, #tpu.memory_space<vmem>>)
    %dma_wait3A_95 = arith.constant 1 : i32
    %dma_wait3A_96 = tpu.memref_slice %arg3[%dma_wait3A_95, %mul3A_60] : memref<4x2048xf32, #tpu.memory_space<hbm>> -> memref<1x512xf32, #tpu.memory_space<hbm>>
    %dma_wait3A_97 = tpu.memref_squeeze %dma_wait3A_96 : memref<1x512xf32, #tpu.memory_space<hbm>> -> memref<512xf32, #tpu.memory_space<hbm>>
    %dma_wait3A_98 = tpu.memref_slice %arg3[%dma_wait3A_95, %mul3A_60] : memref<4x2048xf32, #tpu.memory_space<hbm>> -> memref<1x512xf32, #tpu.memory_space<hbm>>
    %dma_wait3A_99 = tpu.memref_squeeze %dma_wait3A_98 : memref<1x512xf32, #tpu.memory_space<hbm>> -> memref<512xf32, #tpu.memory_space<hbm>>
    tpu.wait_dma2 semaphore(%arg14 : memref<!tpu.dma_semaphore, #tpu.memory_space<semaphore_mem>>) src(%dma_wait3A_99 : memref<512xf32, #tpu.memory_space<hbm>>) dst(%arg8 : memref<512xf32, #tpu.memory_space<vmem>>)
    %dma_wait3A_100 = arith.constant 2 : i32
    %dma_wait3A_101 = tpu.memref_slice %arg3[%dma_wait3A_100, %mul3A_67] : memref<4x2048xf32, #tpu.memory_space<hbm>> -> memref<1x512xf32, #tpu.memory_space<hbm>>
    %dma_wait3A_102 = tpu.memref_squeeze %dma_wait3A_101 : memref<1x512xf32, #tpu.memory_space<hbm>> -> memref<512xf32, #tpu.memory_space<hbm>>
    %dma_wait3A_103 = tpu.memref_slice %arg3[%dma_wait3A_100, %mul3A_67] : memref<4x2048xf32, #tpu.memory_space<hbm>> -> memref<1x512xf32, #tpu.memory_space<hbm>>
    %dma_wait3A_104 = tpu.memref_squeeze %dma_wait3A_103 : memref<1x512xf32, #tpu.memory_space<hbm>> -> memref<512xf32, #tpu.memory_space<hbm>>
    tpu.wait_dma2 semaphore(%arg14 : memref<!tpu.dma_semaphore, #tpu.memory_space<semaphore_mem>>) src(%dma_wait3A_104 : memref<512xf32, #tpu.memory_space<hbm>>) dst(%arg9 : memref<512xf32, #tpu.memory_space<vmem>>)
    %dma_wait3A_105 = arith.constant 3 : i32
    %dma_wait3A_106 = tpu.memref_slice %arg3[%dma_wait3A_105, %mul3A_74] : memref<4x2048xf32, #tpu.memory_space<hbm>> -> memref<1x512xf32, #tpu.memory_space<hbm>>
    %dma_wait3A_107 = tpu.memref_squeeze %dma_wait3A_106 : memref<1x512xf32, #tpu.memory_space<hbm>> -> memref<512xf32, #tpu.memory_space<hbm>>
    %dma_wait3A_108 = tpu.memref_slice %arg3[%dma_wait3A_105, %mul3A_74] : memref<4x2048xf32, #tpu.memory_space<hbm>> -> memref<1x512xf32, #tpu.memory_space<hbm>>
    %dma_wait3A_109 = tpu.memref_squeeze %dma_wait3A_108 : memref<1x512xf32, #tpu.memory_space<hbm>> -> memref<512xf32, #tpu.memory_space<hbm>>
    tpu.wait_dma2 semaphore(%arg14 : memref<!tpu.dma_semaphore, #tpu.memory_space<semaphore_mem>>) src(%dma_wait3A_109 : memref<512xf32, #tpu.memory_space<hbm>>) dst(%arg10 : memref<512xf32, #tpu.memory_space<vmem>>)
    %mul3A_110 = arith.constant 128 : i32
    %mul3A_111 = arith.muli %select_n3A, %mul3A_110 : i32
    %dma_wait3A_112 = arith.constant 0 : i32
    %dma_wait3A_113 = arith.constant 0 : i32
    %dma_wait3A_114 = tpu.memref_slice %arg2[%select_n3A, %add3A_34, %dma_wait3A_112, %dma_wait3A_113] : memref<4x128x128x4xi32, #tpu.memory_space<hbm>> -> memref<1x2x128x4xi32, #tpu.memory_space<hbm>>
    %dma_wait3A_115 = tpu.memref_squeeze %dma_wait3A_114 : memref<1x2x128x4xi32, #tpu.memory_space<hbm>> -> memref<2x128x4xi32, #tpu.memory_space<hbm>>
    %dma_wait3A_116 = arith.constant 0 : i32
    %dma_wait3A_117 = arith.constant 0 : i32
    %dma_wait3A_118 = tpu.memref_slice %arg2[%select_n3A, %add3A_34, %dma_wait3A_116, %dma_wait3A_117] : memref<4x128x128x4xi32, #tpu.memory_space<hbm>> -> memref<1x2x128x4xi32, #tpu.memory_space<hbm>>
    %dma_wait3A_119 = tpu.memref_squeeze %dma_wait3A_118 : memref<1x2x128x4xi32, #tpu.memory_space<hbm>> -> memref<2x128x4xi32, #tpu.memory_space<hbm>>
    tpu.wait_dma2 semaphore(%arg12 : memref<!tpu.dma_semaphore, #tpu.memory_space<semaphore_mem>>) src(%dma_wait3A_119 : memref<2x128x4xi32, #tpu.memory_space<hbm>>) dst(%arg5 : memref<2x128x4xi32, #tpu.memory_space<vmem>>)
    %parallel_loop3A_120 = arith.constant 0 : i32
    %parallel_loop3A_121 = arith.constant 8 : i32
    %parallel_loop3A_122 = arith.constant 1 : i32
    %parallel_loop3A_123 = arith.constant 0 : i32
    scf.for %parallel_loop3A_444 = %parallel_loop3A_120 to %parallel_loop3A_121 step %parallel_loop3A_122  : i32 {
      %parallel_loop3A_445 = arith.constant 16 : i32
      %parallel_loop3A_446 = arith.muli %parallel_loop3A_444, %parallel_loop3A_445 : i32
      %parallel_loop3A_447 = vector.broadcast %parallel_loop3A_446 : i32 to vector<16xi32>
      %parallel_loop3A_448 = arith.addi %parallel_loop3A_447, %iota3A : vector<16xi32>
      %parallel_loop3A_449 = arith.constant 0 : i32
      %parallel_loop3A_450 = arith.constant 0 : i32
      %parallel_loop3A_451 = tpu.memref_slice %arg5[%parallel_loop3A_123, %parallel_loop3A_449, %parallel_loop3A_450] : memref<2x128x4xi32, #tpu.memory_space<vmem>> -> memref<1x128x4xi32, #tpu.memory_space<vmem>>
      %parallel_loop3A_452 = tpu.memref_squeeze %parallel_loop3A_451 : memref<1x128x4xi32, #tpu.memory_space<vmem>> -> memref<128x4xi32, #tpu.memory_space<vmem>>
      %parallel_loop3A_453 = tpu.vector_load_idx %parallel_loop3A_452[%parallel_loop3A_448, %broadcast_in_dim3A_82] : memref<128x4xi32, #tpu.memory_space<vmem>>[vector<16xi32>, vector<16xi32>], vector<16xi32>,
      %parallel_loop3A_454 = tpu.vector_load_idx %arg7[%parallel_loop3A_453] : memref<512xf32, #tpu.memory_space<vmem>>[vector<16xi32>], vector<16xf32>,
      %parallel_loop3A_455 = arith.addf %broadcast_in_dim3A_80, %parallel_loop3A_454 : vector<16xf32>
      %parallel_loop3A_456 = arith.constant 0 : i32
      %parallel_loop3A_457 = arith.constant 0 : i32
      %parallel_loop3A_458 = tpu.memref_slice %arg5[%parallel_loop3A_123, %parallel_loop3A_456, %parallel_loop3A_457] : memref<2x128x4xi32, #tpu.memory_space<vmem>> -> memref<1x128x4xi32, #tpu.memory_space<vmem>>
      %parallel_loop3A_459 = tpu.memref_squeeze %parallel_loop3A_458 : memref<1x128x4xi32, #tpu.memory_space<vmem>> -> memref<128x4xi32, #tpu.memory_space<vmem>>
      %parallel_loop3A_460 = tpu.vector_load_idx %parallel_loop3A_459[%parallel_loop3A_448, %broadcast_in_dim3A_84] : memref<128x4xi32, #tpu.memory_space<vmem>>[vector<16xi32>, vector<16xi32>], vector<16xi32>,
      %parallel_loop3A_461 = tpu.vector_load_idx %arg8[%parallel_loop3A_460] : memref<512xf32, #tpu.memory_space<vmem>>[vector<16xi32>], vector<16xf32>,
      %parallel_loop3A_462 = arith.addf %parallel_loop3A_455, %parallel_loop3A_461 : vector<16xf32>
      %parallel_loop3A_463 = arith.constant 0 : i32
      %parallel_loop3A_464 = arith.constant 0 : i32
      %parallel_loop3A_465 = tpu.memref_slice %arg5[%parallel_loop3A_123, %parallel_loop3A_463, %parallel_loop3A_464] : memref<2x128x4xi32, #tpu.memory_space<vmem>> -> memref<1x128x4xi32, #tpu.memory_space<vmem>>
      %parallel_loop3A_466 = tpu.memref_squeeze %parallel_loop3A_465 : memref<1x128x4xi32, #tpu.memory_space<vmem>> -> memref<128x4xi32, #tpu.memory_space<vmem>>
      %parallel_loop3A_467 = tpu.vector_load_idx %parallel_loop3A_466[%parallel_loop3A_448, %broadcast_in_dim3A_86] : memref<128x4xi32, #tpu.memory_space<vmem>>[vector<16xi32>, vector<16xi32>], vector<16xi32>,
      %parallel_loop3A_468 = tpu.vector_load_idx %arg9[%parallel_loop3A_467] : memref<512xf32, #tpu.memory_space<vmem>>[vector<16xi32>], vector<16xf32>,
      %parallel_loop3A_469 = arith.addf %parallel_loop3A_462, %parallel_loop3A_468 : vector<16xf32>
      %parallel_loop3A_470 = arith.constant 0 : i32
      %parallel_loop3A_471 = arith.constant 0 : i32
      %parallel_loop3A_472 = tpu.memref_slice %arg5[%parallel_loop3A_123, %parallel_loop3A_470, %parallel_loop3A_471] : memref<2x128x4xi32, #tpu.memory_space<vmem>> -> memref<1x128x4xi32, #tpu.memory_space<vmem>>
      %parallel_loop3A_473 = tpu.memref_squeeze %parallel_loop3A_472 : memref<1x128x4xi32, #tpu.memory_space<vmem>> -> memref<128x4xi32, #tpu.memory_space<vmem>>
      %parallel_loop3A_474 = tpu.vector_load_idx %parallel_loop3A_473[%parallel_loop3A_448, %broadcast_in_dim3A_88] : memref<128x4xi32, #tpu.memory_space<vmem>>[vector<16xi32>, vector<16xi32>], vector<16xi32>,
      %parallel_loop3A_475 = tpu.vector_load_idx %arg10[%parallel_loop3A_474] : memref<512xf32, #tpu.memory_space<vmem>>[vector<16xi32>], vector<16xf32>,
      %parallel_loop3A_476 = arith.addf %parallel_loop3A_469, %parallel_loop3A_475 : vector<16xf32>
      %parallel_loop3A_477 = arith.constant 0 : i32
      %parallel_loop3A_478 = arith.addi %parallel_loop3A_477, %mul3A_111 : i32
      %parallel_loop3A_479 = arith.constant 16 : i32
      %parallel_loop3A_480 = arith.muli %parallel_loop3A_444, %parallel_loop3A_479 : i32
      %parallel_loop3A_481 = arith.addi %parallel_loop3A_478, %parallel_loop3A_480 : i32
      %parallel_loop3A_482 = arith.index_cast %parallel_loop3A_481 : i32 to index
      %parallel_loop3A_483 = tpu.vector_load %arg11[%parallel_loop3A_482] {strides = array<i32>} : memref<8192xf32, #tpu.memory_space<vmem>>, vector<16xf32>,
      tpu.vector_store %arg11[%parallel_loop3A_482], %parallel_loop3A_476 {strides = array<i32>} : memref<8192xf32, #tpu.memory_space<vmem>>, vector<16xf32>,
    } {sc.loop_unroll_factor = 8 : i64, sc.parallel_access}
    %parallel_loop3A_124 = arith.constant 0 : i32
    %parallel_loop3A_125 = arith.constant 8 : i32
    %parallel_loop3A_126 = arith.constant 1 : i32
    %parallel_loop3A_127 = arith.constant 1 : i32
    scf.for %parallel_loop3A_444 = %parallel_loop3A_124 to %parallel_loop3A_125 step %parallel_loop3A_126  : i32 {
      %parallel_loop3A_445 = arith.constant 16 : i32
      %parallel_loop3A_446 = arith.muli %parallel_loop3A_444, %parallel_loop3A_445 : i32
      %parallel_loop3A_447 = vector.broadcast %parallel_loop3A_446 : i32 to vector<16xi32>
      %parallel_loop3A_448 = arith.addi %parallel_loop3A_447, %iota3A : vector<16xi32>
      %parallel_loop3A_449 = arith.constant 0 : i32
      %parallel_loop3A_450 = arith.constant 0 : i32
      %parallel_loop3A_451 = tpu.memref_slice %arg5[%parallel_loop3A_127, %parallel_loop3A_449, %parallel_loop3A_450] : memref<2x128x4xi32, #tpu.memory_space<vmem>> -> memref<1x128x4xi32, #tpu.memory_space<vmem>>
      %parallel_loop3A_452 = tpu.memref_squeeze %parallel_loop3A_451 : memref<1x128x4xi32, #tpu.memory_space<vmem>> -> memref<128x4xi32, #tpu.memory_space<vmem>>
      %parallel_loop3A_453 = tpu.vector_load_idx %parallel_loop3A_452[%parallel_loop3A_448, %broadcast_in_dim3A_82] : memref<128x4xi32, #tpu.memory_space<vmem>>[vector<16xi32>, vector<16xi32>], vector<16xi32>,
      %parallel_loop3A_454 = tpu.vector_load_idx %arg7[%parallel_loop3A_453] : memref<512xf32, #tpu.memory_space<vmem>>[vector<16xi32>], vector<16xf32>,
      %parallel_loop3A_455 = arith.addf %broadcast_in_dim3A_80, %parallel_loop3A_454 : vector<16xf32>
      %parallel_loop3A_456 = arith.constant 0 : i32
      %parallel_loop3A_457 = arith.constant 0 : i32
      %parallel_loop3A_458 = tpu.memref_slice %arg5[%parallel_loop3A_127, %parallel_loop3A_456, %parallel_loop3A_457] : memref<2x128x4xi32, #tpu.memory_space<vmem>> -> memref<1x128x4xi32, #tpu.memory_space<vmem>>
      %parallel_loop3A_459 = tpu.memref_squeeze %parallel_loop3A_458 : memref<1x128x4xi32, #tpu.memory_space<vmem>> -> memref<128x4xi32, #tpu.memory_space<vmem>>
      %parallel_loop3A_460 = tpu.vector_load_idx %parallel_loop3A_459[%parallel_loop3A_448, %broadcast_in_dim3A_84] : memref<128x4xi32, #tpu.memory_space<vmem>>[vector<16xi32>, vector<16xi32>], vector<16xi32>,
      %parallel_loop3A_461 = tpu.vector_load_idx %arg8[%parallel_loop3A_460] : memref<512xf32, #tpu.memory_space<vmem>>[vector<16xi32>], vector<16xf32>,
      %parallel_loop3A_462 = arith.addf %parallel_loop3A_455, %parallel_loop3A_461 : vector<16xf32>
      %parallel_loop3A_463 = arith.constant 0 : i32
      %parallel_loop3A_464 = arith.constant 0 : i32
      %parallel_loop3A_465 = tpu.memref_slice %arg5[%parallel_loop3A_127, %parallel_loop3A_463, %parallel_loop3A_464] : memref<2x128x4xi32, #tpu.memory_space<vmem>> -> memref<1x128x4xi32, #tpu.memory_space<vmem>>
      %parallel_loop3A_466 = tpu.memref_squeeze %parallel_loop3A_465 : memref<1x128x4xi32, #tpu.memory_space<vmem>> -> memref<128x4xi32, #tpu.memory_space<vmem>>
      %parallel_loop3A_467 = tpu.vector_load_idx %parallel_loop3A_466[%parallel_loop3A_448, %broadcast_in_dim3A_86] : memref<128x4xi32, #tpu.memory_space<vmem>>[vector<16xi32>, vector<16xi32>], vector<16xi32>,
      %parallel_loop3A_468 = tpu.vector_load_idx %arg9[%parallel_loop3A_467] : memref<512xf32, #tpu.memory_space<vmem>>[vector<16xi32>], vector<16xf32>,
      %parallel_loop3A_469 = arith.addf %parallel_loop3A_462, %parallel_loop3A_468 : vector<16xf32>
      %parallel_loop3A_470 = arith.constant 0 : i32
      %parallel_loop3A_471 = arith.constant 0 : i32
      %parallel_loop3A_472 = tpu.memref_slice %arg5[%parallel_loop3A_127, %parallel_loop3A_470, %parallel_loop3A_471] : memref<2x128x4xi32, #tpu.memory_space<vmem>> -> memref<1x128x4xi32, #tpu.memory_space<vmem>>
      %parallel_loop3A_473 = tpu.memref_squeeze %parallel_loop3A_472 : memref<1x128x4xi32, #tpu.memory_space<vmem>> -> memref<128x4xi32, #tpu.memory_space<vmem>>
      %parallel_loop3A_474 = tpu.vector_load_idx %parallel_loop3A_473[%parallel_loop3A_448, %broadcast_in_dim3A_88] : memref<128x4xi32, #tpu.memory_space<vmem>>[vector<16xi32>, vector<16xi32>], vector<16xi32>,
      %parallel_loop3A_475 = tpu.vector_load_idx %arg10[%parallel_loop3A_474] : memref<512xf32, #tpu.memory_space<vmem>>[vector<16xi32>], vector<16xf32>,
      %parallel_loop3A_476 = arith.addf %parallel_loop3A_469, %parallel_loop3A_475 : vector<16xf32>
      %parallel_loop3A_477 = arith.constant 512 : i32
      %parallel_loop3A_478 = arith.addi %parallel_loop3A_477, %mul3A_111 : i32
      %parallel_loop3A_479 = arith.constant 16 : i32
      %parallel_loop3A_480 = arith.muli %parallel_loop3A_444, %parallel_loop3A_479 : i32
      %parallel_loop3A_481 = arith.addi %parallel_loop3A_478, %parallel_loop3A_480 : i32
      %parallel_loop3A_482 = arith.index_cast %parallel_loop3A_481 : i32 to index
      %parallel_loop3A_483 = tpu.vector_load %arg11[%parallel_loop3A_482] {strides = array<i32>} : memref<8192xf32, #tpu.memory_space<vmem>>, vector<16xf32>,
      tpu.vector_store %arg11[%parallel_loop3A_482], %parallel_loop3A_476 {strides = array<i32>} : memref<8192xf32, #tpu.memory_space<vmem>>, vector<16xf32>,
    } {sc.loop_unroll_factor = 8 : i64, sc.parallel_access}
    %add3A_128 = arith.constant 4 : i32
    %add3A_129 = arith.addi %mul3A_32, %add3A_128 : i32
    %dma_start3A_130 = arith.constant 0 : i32
    %dma_start3A_131 = arith.constant 0 : i32
    %dma_start3A_132 = tpu.memref_slice %arg2[%select_n3A, %add3A_129, %dma_start3A_130, %dma_start3A_131] : memref<4x128x128x4xi32, #tpu.memory_space<hbm>> -> memref<1x2x128x4xi32, #tpu.memory_space<hbm>>
    %dma_start3A_133 = tpu.memref_squeeze %dma_start3A_132 : memref<1x2x128x4xi32, #tpu.memory_space<hbm>> -> memref<2x128x4xi32, #tpu.memory_space<hbm>>
    %dma_start3A_134 = arith.constant 0 : i32
    %dma_start3A_135 = arith.constant 0 : i32
    %dma_start3A_136 = tpu.memref_slice %arg2[%select_n3A, %add3A_129, %dma_start3A_134, %dma_start3A_135] : memref<4x128x128x4xi32, #tpu.memory_space<hbm>> -> memref<1x2x128x4xi32, #tpu.memory_space<hbm>>
    %dma_start3A_137 = tpu.memref_squeeze %dma_start3A_136 : memref<1x2x128x4xi32, #tpu.memory_space<hbm>> -> memref<2x128x4xi32, #tpu.memory_space<hbm>>
    tpu.enqueue_dma source(%dma_start3A_137 : memref<2x128x4xi32, #tpu.memory_space<hbm>>) target(%arg5 : memref<2x128x4xi32, #tpu.memory_space<vmem>>) target_semaphore(%arg12 : memref<!tpu.dma_semaphore, #tpu.memory_space<semaphore_mem>>)
    %mul3A_138 = arith.constant 16 : i32
    %mul3A_139 = arith.muli %add3A, %mul3A_138 : i32
    %add3A_140 = arith.constant 0 : i32
    %add3A_141 = arith.addi %mul3A_139, %add3A_140 : i32
    %mul3A_142 = arith.constant 512 : i32
    %mul3A_143 = arith.muli %add3A_141, %mul3A_142 : i32
    %dma_start3A_144 = arith.constant 0 : i32
    %dma_start3A_145 = tpu.memref_slice %arg11[%dma_start3A_144] : memref<8192xf32, #tpu.memory_space<vmem>> -> memref<1024xf32, #tpu.memory_space<vmem>>
    %dma_start3A_146 = tpu.memref_slice %arg4[%mul3A_143] : memref<262144xf32, #tpu.memory_space<hbm>> -> memref<1024xf32, #tpu.memory_space<hbm>>
    %dma_start3A_147 = tpu.memref_slice %arg4[%mul3A_143] : memref<262144xf32, #tpu.memory_space<hbm>> -> memref<1024xf32, #tpu.memory_space<hbm>>
    %dma_start3A_148 = arith.constant 0 : i32
    %dma_start3A_149 = tpu.memref_slice %arg11[%dma_start3A_148] : memref<8192xf32, #tpu.memory_space<vmem>> -> memref<1024xf32, #tpu.memory_space<vmem>>
    tpu.enqueue_dma source(%dma_start3A_149 : memref<1024xf32, #tpu.memory_space<vmem>>) target(%dma_start3A_147 : memref<1024xf32, #tpu.memory_space<hbm>>) target_semaphore(%arg15 : memref<!tpu.dma_semaphore, #tpu.memory_space<semaphore_mem>>)
    %dma_wait3A_150 = arith.constant 0 : i32
    %dma_wait3A_151 = arith.constant 0 : i32
    %dma_wait3A_152 = tpu.memref_slice %arg2[%select_n3A, %add3A_43, %dma_wait3A_150, %dma_wait3A_151] : memref<4x128x128x4xi32, #tpu.memory_space<hbm>> -> memref<1x2x128x4xi32, #tpu.memory_space<hbm>>
    %dma_wait3A_153 = tpu.memref_squeeze %dma_wait3A_152 : memref<1x2x128x4xi32, #tpu.memory_space<hbm>> -> memref<2x128x4xi32, #tpu.memory_space<hbm>>
    %dma_wait3A_154 = arith.constant 0 : i32
    %dma_wait3A_155 = arith.constant 0 : i32
    %dma_wait3A_156 = tpu.memref_slice %arg2[%select_n3A, %add3A_43, %dma_wait3A_154, %dma_wait3A_155] : memref<4x128x128x4xi32, #tpu.memory_space<hbm>> -> memref<1x2x128x4xi32, #tpu.memory_space<hbm>>
    %dma_wait3A_157 = tpu.memref_squeeze %dma_wait3A_156 : memref<1x2x128x4xi32, #tpu.memory_space<hbm>> -> memref<2x128x4xi32, #tpu.memory_space<hbm>>
    tpu.wait_dma2 semaphore(%arg13 : memref<!tpu.dma_semaphore, #tpu.memory_space<semaphore_mem>>) src(%dma_wait3A_157 : memref<2x128x4xi32, #tpu.memory_space<hbm>>) dst(%arg6 : memref<2x128x4xi32, #tpu.memory_space<vmem>>)
    %parallel_loop3A_158 = arith.constant 0 : i32
    %parallel_loop3A_159 = arith.constant 8 : i32
    %parallel_loop3A_160 = arith.constant 1 : i32
    %parallel_loop3A_161 = arith.constant 0 : i32
    scf.for %parallel_loop3A_444 = %parallel_loop3A_158 to %parallel_loop3A_159 step %parallel_loop3A_160  : i32 {
      %parallel_loop3A_445 = arith.constant 16 : i32
      %parallel_loop3A_446 = arith.muli %parallel_loop3A_444, %parallel_loop3A_445 : i32
      %parallel_loop3A_447 = vector.broadcast %parallel_loop3A_446 : i32 to vector<16xi32>
      %parallel_loop3A_448 = arith.addi %parallel_loop3A_447, %iota3A : vector<16xi32>
      %parallel_loop3A_449 = arith.constant 0 : i32
      %parallel_loop3A_450 = arith.constant 0 : i32
      %parallel_loop3A_451 = tpu.memref_slice %arg6[%parallel_loop3A_161, %parallel_loop3A_449, %parallel_loop3A_450] : memref<2x128x4xi32, #tpu.memory_space<vmem>> -> memref<1x128x4xi32, #tpu.memory_space<vmem>>
      %parallel_loop3A_452 = tpu.memref_squeeze %parallel_loop3A_451 : memref<1x128x4xi32, #tpu.memory_space<vmem>> -> memref<128x4xi32, #tpu.memory_space<vmem>>
      %parallel_loop3A_453 = tpu.vector_load_idx %parallel_loop3A_452[%parallel_loop3A_448, %broadcast_in_dim3A_82] : memref<128x4xi32, #tpu.memory_space<vmem>>[vector<16xi32>, vector<16xi32>], vector<16xi32>,
      %parallel_loop3A_454 = tpu.vector_load_idx %arg7[%parallel_loop3A_453] : memref<512xf32, #tpu.memory_space<vmem>>[vector<16xi32>], vector<16xf32>,
      %parallel_loop3A_455 = arith.addf %broadcast_in_dim3A_80, %parallel_loop3A_454 : vector<16xf32>
      %parallel_loop3A_456 = arith.constant 0 : i32
      %parallel_loop3A_457 = arith.constant 0 : i32
      %parallel_loop3A_458 = tpu.memref_slice %arg6[%parallel_loop3A_161, %parallel_loop3A_456, %parallel_loop3A_457] : memref<2x128x4xi32, #tpu.memory_space<vmem>> -> memref<1x128x4xi32, #tpu.memory_space<vmem>>
      %parallel_loop3A_459 = tpu.memref_squeeze %parallel_loop3A_458 : memref<1x128x4xi32, #tpu.memory_space<vmem>> -> memref<128x4xi32, #tpu.memory_space<vmem>>
      %parallel_loop3A_460 = tpu.vector_load_idx %parallel_loop3A_459[%parallel_loop3A_448, %broadcast_in_dim3A_84] : memref<128x4xi32, #tpu.memory_space<vmem>>[vector<16xi32>, vector<16xi32>], vector<16xi32>,
      %parallel_loop3A_461 = tpu.vector_load_idx %arg8[%parallel_loop3A_460] : memref<512xf32, #tpu.memory_space<vmem>>[vector<16xi32>], vector<16xf32>,
      %parallel_loop3A_462 = arith.addf %parallel_loop3A_455, %parallel_loop3A_461 : vector<16xf32>
      %parallel_loop3A_463 = arith.constant 0 : i32
      %parallel_loop3A_464 = arith.constant 0 : i32
      %parallel_loop3A_465 = tpu.memref_slice %arg6[%parallel_loop3A_161, %parallel_loop3A_463, %parallel_loop3A_464] : memref<2x128x4xi32, #tpu.memory_space<vmem>> -> memref<1x128x4xi32, #tpu.memory_space<vmem>>
      %parallel_loop3A_466 = tpu.memref_squeeze %parallel_loop3A_465 : memref<1x128x4xi32, #tpu.memory_space<vmem>> -> memref<128x4xi32, #tpu.memory_space<vmem>>
      %parallel_loop3A_467 = tpu.vector_load_idx %parallel_loop3A_466[%parallel_loop3A_448, %broadcast_in_dim3A_86] : memref<128x4xi32, #tpu.memory_space<vmem>>[vector<16xi32>, vector<16xi32>], vector<16xi32>,
      %parallel_loop3A_468 = tpu.vector_load_idx %arg9[%parallel_loop3A_467] : memref<512xf32, #tpu.memory_space<vmem>>[vector<16xi32>], vector<16xf32>,
      %parallel_loop3A_469 = arith.addf %parallel_loop3A_462, %parallel_loop3A_468 : vector<16xf32>
      %parallel_loop3A_470 = arith.constant 0 : i32
      %parallel_loop3A_471 = arith.constant 0 : i32
      %parallel_loop3A_472 = tpu.memref_slice %arg6[%parallel_loop3A_161, %parallel_loop3A_470, %parallel_loop3A_471] : memref<2x128x4xi32, #tpu.memory_space<vmem>> -> memref<1x128x4xi32, #tpu.memory_space<vmem>>
      %parallel_loop3A_473 = tpu.memref_squeeze %parallel_loop3A_472 : memref<1x128x4xi32, #tpu.memory_space<vmem>> -> memref<128x4xi32, #tpu.memory_space<vmem>>
      %parallel_loop3A_474 = tpu.vector_load_idx %parallel_loop3A_473[%parallel_loop3A_448, %broadcast_in_dim3A_88] : memref<128x4xi32, #tpu.memory_space<vmem>>[vector<16xi32>, vector<16xi32>], vector<16xi32>,
      %parallel_loop3A_475 = tpu.vector_load_idx %arg10[%parallel_loop3A_474] : memref<512xf32, #tpu.memory_space<vmem>>[vector<16xi32>], vector<16xf32>,
      %parallel_loop3A_476 = arith.addf %parallel_loop3A_469, %parallel_loop3A_475 : vector<16xf32>
      %parallel_loop3A_477 = arith.constant 1024 : i32
      %parallel_loop3A_478 = arith.addi %parallel_loop3A_477, %mul3A_111 : i32
      %parallel_loop3A_479 = arith.constant 16 : i32
      %parallel_loop3A_480 = arith.muli %parallel_loop3A_444, %parallel_loop3A_479 : i32
      %parallel_loop3A_481 = arith.addi %parallel_loop3A_478, %parallel_loop3A_480 : i32
      %parallel_loop3A_482 = arith.index_cast %parallel_loop3A_481 : i32 to index
      %parallel_loop3A_483 = tpu.vector_load %arg11[%parallel_loop3A_482] {strides = array<i32>} : memref<8192xf32, #tpu.memory_space<vmem>>, vector<16xf32>,
      tpu.vector_store %arg11[%parallel_loop3A_482], %parallel_loop3A_476 {strides = array<i32>} : memref<8192xf32, #tpu.memory_space<vmem>>, vector<16xf32>,
    } {sc.loop_unroll_factor = 8 : i64, sc.parallel_access}
    %parallel_loop3A_162 = arith.constant 0 : i32
    %parallel_loop3A_163 = arith.constant 8 : i32
    %parallel_loop3A_164 = arith.constant 1 : i32
    %parallel_loop3A_165 = arith.constant 1 : i32
    scf.for %parallel_loop3A_444 = %parallel_loop3A_162 to %parallel_loop3A_163 step %parallel_loop3A_164  : i32 {
      %parallel_loop3A_445 = arith.constant 16 : i32
      %parallel_loop3A_446 = arith.muli %parallel_loop3A_444, %parallel_loop3A_445 : i32
      %parallel_loop3A_447 = vector.broadcast %parallel_loop3A_446 : i32 to vector<16xi32>
      %parallel_loop3A_448 = arith.addi %parallel_loop3A_447, %iota3A : vector<16xi32>
      %parallel_loop3A_449 = arith.constant 0 : i32
      %parallel_loop3A_450 = arith.constant 0 : i32
      %parallel_loop3A_451 = tpu.memref_slice %arg6[%parallel_loop3A_165, %parallel_loop3A_449, %parallel_loop3A_450] : memref<2x128x4xi32, #tpu.memory_space<vmem>> -> memref<1x128x4xi32, #tpu.memory_space<vmem>>
      %parallel_loop3A_452 = tpu.memref_squeeze %parallel_loop3A_451 : memref<1x128x4xi32, #tpu.memory_space<vmem>> -> memref<128x4xi32, #tpu.memory_space<vmem>>
      %parallel_loop3A_453 = tpu.vector_load_idx %parallel_loop3A_452[%parallel_loop3A_448, %broadcast_in_dim3A_82] : memref<128x4xi32, #tpu.memory_space<vmem>>[vector<16xi32>, vector<16xi32>], vector<16xi32>,
      %parallel_loop3A_454 = tpu.vector_load_idx %arg7[%parallel_loop3A_453] : memref<512xf32, #tpu.memory_space<vmem>>[vector<16xi32>], vector<16xf32>,
      %parallel_loop3A_455 = arith.addf %broadcast_in_dim3A_80, %parallel_loop3A_454 : vector<16xf32>
      %parallel_loop3A_456 = arith.constant 0 : i32
      %parallel_loop3A_457 = arith.constant 0 : i32
      %parallel_loop3A_458 = tpu.memref_slice %arg6[%parallel_loop3A_165, %parallel_loop3A_456, %parallel_loop3A_457] : memref<2x128x4xi32, #tpu.memory_space<vmem>> -> memref<1x128x4xi32, #tpu.memory_space<vmem>>
      %parallel_loop3A_459 = tpu.memref_squeeze %parallel_loop3A_458 : memref<1x128x4xi32, #tpu.memory_space<vmem>> -> memref<128x4xi32, #tpu.memory_space<vmem>>
      %parallel_loop3A_460 = tpu.vector_load_idx %parallel_loop3A_459[%parallel_loop3A_448, %broadcast_in_dim3A_84] : memref<128x4xi32, #tpu.memory_space<vmem>>[vector<16xi32>, vector<16xi32>], vector<16xi32>,
      %parallel_loop3A_461 = tpu.vector_load_idx %arg8[%parallel_loop3A_460] : memref<512xf32, #tpu.memory_space<vmem>>[vector<16xi32>], vector<16xf32>,
      %parallel_loop3A_462 = arith.addf %parallel_loop3A_455, %parallel_loop3A_461 : vector<16xf32>
      %parallel_loop3A_463 = arith.constant 0 : i32
      %parallel_loop3A_464 = arith.constant 0 : i32
      %parallel_loop3A_465 = tpu.memref_slice %arg6[%parallel_loop3A_165, %parallel_loop3A_463, %parallel_loop3A_464] : memref<2x128x4xi32, #tpu.memory_space<vmem>> -> memref<1x128x4xi32, #tpu.memory_space<vmem>>
      %parallel_loop3A_466 = tpu.memref_squeeze %parallel_loop3A_465 : memref<1x128x4xi32, #tpu.memory_space<vmem>> -> memref<128x4xi32, #tpu.memory_space<vmem>>
      %parallel_loop3A_467 = tpu.vector_load_idx %parallel_loop3A_466[%parallel_loop3A_448, %broadcast_in_dim3A_86] : memref<128x4xi32, #tpu.memory_space<vmem>>[vector<16xi32>, vector<16xi32>], vector<16xi32>,
      %parallel_loop3A_468 = tpu.vector_load_idx %arg9[%parallel_loop3A_467] : memref<512xf32, #tpu.memory_space<vmem>>[vector<16xi32>], vector<16xf32>,
      %parallel_loop3A_469 = arith.addf %parallel_loop3A_462, %parallel_loop3A_468 : vector<16xf32>
      %parallel_loop3A_470 = arith.constant 0 : i32
      %parallel_loop3A_471 = arith.constant 0 : i32
      %parallel_loop3A_472 = tpu.memref_slice %arg6[%parallel_loop3A_165, %parallel_loop3A_470, %parallel_loop3A_471] : memref<2x128x4xi32, #tpu.memory_space<vmem>> -> memref<1x128x4xi32, #tpu.memory_space<vmem>>
      %parallel_loop3A_473 = tpu.memref_squeeze %parallel_loop3A_472 : memref<1x128x4xi32, #tpu.memory_space<vmem>> -> memref<128x4xi32, #tpu.memory_space<vmem>>
      %parallel_loop3A_474 = tpu.vector_load_idx %parallel_loop3A_473[%parallel_loop3A_448, %broadcast_in_dim3A_88] : memref<128x4xi32, #tpu.memory_space<vmem>>[vector<16xi32>, vector<16xi32>], vector<16xi32>,
      %parallel_loop3A_475 = tpu.vector_load_idx %arg10[%parallel_loop3A_474] : memref<512xf32, #tpu.memory_space<vmem>>[vector<16xi32>], vector<16xf32>,
      %parallel_loop3A_476 = arith.addf %parallel_loop3A_469, %parallel_loop3A_475 : vector<16xf32>
      %parallel_loop3A_477 = arith.constant 1536 : i32
      %parallel_loop3A_478 = arith.addi %parallel_loop3A_477, %mul3A_111 : i32
      %parallel_loop3A_479 = arith.constant 16 : i32
      %parallel_loop3A_480 = arith.muli %parallel_loop3A_444, %parallel_loop3A_479 : i32
      %parallel_loop3A_481 = arith.addi %parallel_loop3A_478, %parallel_loop3A_480 : i32
      %parallel_loop3A_482 = arith.index_cast %parallel_loop3A_481 : i32 to index
      %parallel_loop3A_483 = tpu.vector_load %arg11[%parallel_loop3A_482] {strides = array<i32>} : memref<8192xf32, #tpu.memory_space<vmem>>, vector<16xf32>,
      tpu.vector_store %arg11[%parallel_loop3A_482], %parallel_loop3A_476 {strides = array<i32>} : memref<8192xf32, #tpu.memory_space<vmem>>, vector<16xf32>,
    } {sc.loop_unroll_factor = 8 : i64, sc.parallel_access}
    %add3A_166 = arith.constant 6 : i32
    %add3A_167 = arith.addi %mul3A_32, %add3A_166 : i32
    %dma_start3A_168 = arith.constant 0 : i32
    %dma_start3A_169 = arith.constant 0 : i32
    %dma_start3A_170 = tpu.memref_slice %arg2[%select_n3A, %add3A_167, %dma_start3A_168, %dma_start3A_169] : memref<4x128x128x4xi32, #tpu.memory_space<hbm>> -> memref<1x2x128x4xi32, #tpu.memory_space<hbm>>
    %dma_start3A_171 = tpu.memref_squeeze %dma_start3A_170 : memref<1x2x128x4xi32, #tpu.memory_space<hbm>> -> memref<2x128x4xi32, #tpu.memory_space<hbm>>
    %dma_start3A_172 = arith.constant 0 : i32
    %dma_start3A_173 = arith.constant 0 : i32
    %dma_start3A_174 = tpu.memref_slice %arg2[%select_n3A, %add3A_167, %dma_start3A_172, %dma_start3A_173] : memref<4x128x128x4xi32, #tpu.memory_space<hbm>> -> memref<1x2x128x4xi32, #tpu.memory_space<hbm>>
    %dma_start3A_175 = tpu.memref_squeeze %dma_start3A_174 : memref<1x2x128x4xi32, #tpu.memory_space<hbm>> -> memref<2x128x4xi32, #tpu.memory_space<hbm>>
    tpu.enqueue_dma source(%dma_start3A_175 : memref<2x128x4xi32, #tpu.memory_space<hbm>>) target(%arg6 : memref<2x128x4xi32, #tpu.memory_space<vmem>>) target_semaphore(%arg13 : memref<!tpu.dma_semaphore, #tpu.memory_space<semaphore_mem>>)
    %mul3A_176 = arith.constant 16 : i32
    %mul3A_177 = arith.muli %add3A, %mul3A_176 : i32
    %add3A_178 = arith.constant 2 : i32
    %add3A_179 = arith.addi %mul3A_177, %add3A_178 : i32
    %mul3A_180 = arith.constant 512 : i32
    %mul3A_181 = arith.muli %add3A_179, %mul3A_180 : i32
    %dma_start3A_182 = arith.constant 1024 : i32
    %dma_start3A_183 = tpu.memref_slice %arg11[%dma_start3A_182] : memref<8192xf32, #tpu.memory_space<vmem>> -> memref<1024xf32, #tpu.memory_space<vmem>>
    %dma_start3A_184 = tpu.memref_slice %arg4[%mul3A_181] : memref<262144xf32, #tpu.memory_space<hbm>> -> memref<1024xf32, #tpu.memory_space<hbm>>
    %dma_start3A_185 = tpu.memref_slice %arg4[%mul3A_181] : memref<262144xf32, #tpu.memory_space<hbm>> -> memref<1024xf32, #tpu.memory_space<hbm>>
    %dma_start3A_186 = arith.constant 1024 : i32
    %dma_start3A_187 = tpu.memref_slice %arg11[%dma_start3A_186] : memref<8192xf32, #tpu.memory_space<vmem>> -> memref<1024xf32, #tpu.memory_space<vmem>>
    tpu.enqueue_dma source(%dma_start3A_187 : memref<1024xf32, #tpu.memory_space<vmem>>) target(%dma_start3A_185 : memref<1024xf32, #tpu.memory_space<hbm>>) target_semaphore(%arg15 : memref<!tpu.dma_semaphore, #tpu.memory_space<semaphore_mem>>)
    %dma_wait3A_188 = arith.constant 0 : i32
    %dma_wait3A_189 = arith.constant 0 : i32
    %dma_wait3A_190 = tpu.memref_slice %arg2[%select_n3A, %add3A_129, %dma_wait3A_188, %dma_wait3A_189] : memref<4x128x128x4xi32, #tpu.memory_space<hbm>> -> memref<1x2x128x4xi32, #tpu.memory_space<hbm>>
    %dma_wait3A_191 = tpu.memref_squeeze %dma_wait3A_190 : memref<1x2x128x4xi32, #tpu.memory_space<hbm>> -> memref<2x128x4xi32, #tpu.memory_space<hbm>>
    %dma_wait3A_192 = arith.constant 0 : i32
    %dma_wait3A_193 = arith.constant 0 : i32
    %dma_wait3A_194 = tpu.memref_slice %arg2[%select_n3A, %add3A_129, %dma_wait3A_192, %dma_wait3A_193] : memref<4x128x128x4xi32, #tpu.memory_space<hbm>> -> memref<1x2x128x4xi32, #tpu.memory_space<hbm>>
    %dma_wait3A_195 = tpu.memref_squeeze %dma_wait3A_194 : memref<1x2x128x4xi32, #tpu.memory_space<hbm>> -> memref<2x128x4xi32, #tpu.memory_space<hbm>>
    tpu.wait_dma2 semaphore(%arg12 : memref<!tpu.dma_semaphore, #tpu.memory_space<semaphore_mem>>) src(%dma_wait3A_195 : memref<2x128x4xi32, #tpu.memory_space<hbm>>) dst(%arg5 : memref<2x128x4xi32, #tpu.memory_space<vmem>>)
    %parallel_loop3A_196 = arith.constant 0 : i32
    %parallel_loop3A_197 = arith.constant 8 : i32
    %parallel_loop3A_198 = arith.constant 1 : i32
    %parallel_loop3A_199 = arith.constant 0 : i32
    scf.for %parallel_loop3A_444 = %parallel_loop3A_196 to %parallel_loop3A_197 step %parallel_loop3A_198  : i32 {
      %parallel_loop3A_445 = arith.constant 16 : i32
      %parallel_loop3A_446 = arith.muli %parallel_loop3A_444, %parallel_loop3A_445 : i32
      %parallel_loop3A_447 = vector.broadcast %parallel_loop3A_446 : i32 to vector<16xi32>
      %parallel_loop3A_448 = arith.addi %parallel_loop3A_447, %iota3A : vector<16xi32>
      %parallel_loop3A_449 = arith.constant 0 : i32
      %parallel_loop3A_450 = arith.constant 0 : i32
      %parallel_loop3A_451 = tpu.memref_slice %arg5[%parallel_loop3A_199, %parallel_loop3A_449, %parallel_loop3A_450] : memref<2x128x4xi32, #tpu.memory_space<vmem>> -> memref<1x128x4xi32, #tpu.memory_space<vmem>>
      %parallel_loop3A_452 = tpu.memref_squeeze %parallel_loop3A_451 : memref<1x128x4xi32, #tpu.memory_space<vmem>> -> memref<128x4xi32, #tpu.memory_space<vmem>>
      %parallel_loop3A_453 = tpu.vector_load_idx %parallel_loop3A_452[%parallel_loop3A_448, %broadcast_in_dim3A_82] : memref<128x4xi32, #tpu.memory_space<vmem>>[vector<16xi32>, vector<16xi32>], vector<16xi32>,
      %parallel_loop3A_454 = tpu.vector_load_idx %arg7[%parallel_loop3A_453] : memref<512xf32, #tpu.memory_space<vmem>>[vector<16xi32>], vector<16xf32>,
      %parallel_loop3A_455 = arith.addf %broadcast_in_dim3A_80, %parallel_loop3A_454 : vector<16xf32>
      %parallel_loop3A_456 = arith.constant 0 : i32
      %parallel_loop3A_457 = arith.constant 0 : i32
      %parallel_loop3A_458 = tpu.memref_slice %arg5[%parallel_loop3A_199, %parallel_loop3A_456, %parallel_loop3A_457] : memref<2x128x4xi32, #tpu.memory_space<vmem>> -> memref<1x128x4xi32, #tpu.memory_space<vmem>>
      %parallel_loop3A_459 = tpu.memref_squeeze %parallel_loop3A_458 : memref<1x128x4xi32, #tpu.memory_space<vmem>> -> memref<128x4xi32, #tpu.memory_space<vmem>>
      %parallel_loop3A_460 = tpu.vector_load_idx %parallel_loop3A_459[%parallel_loop3A_448, %broadcast_in_dim3A_84] : memref<128x4xi32, #tpu.memory_space<vmem>>[vector<16xi32>, vector<16xi32>], vector<16xi32>,
      %parallel_loop3A_461 = tpu.vector_load_idx %arg8[%parallel_loop3A_460] : memref<512xf32, #tpu.memory_space<vmem>>[vector<16xi32>], vector<16xf32>,
      %parallel_loop3A_462 = arith.addf %parallel_loop3A_455, %parallel_loop3A_461 : vector<16xf32>
      %parallel_loop3A_463 = arith.constant 0 : i32
      %parallel_loop3A_464 = arith.constant 0 : i32
      %parallel_loop3A_465 = tpu.memref_slice %arg5[%parallel_loop3A_199, %parallel_loop3A_463, %parallel_loop3A_464] : memref<2x128x4xi32, #tpu.memory_space<vmem>> -> memref<1x128x4xi32, #tpu.memory_space<vmem>>
      %parallel_loop3A_466 = tpu.memref_squeeze %parallel_loop3A_465 : memref<1x128x4xi32, #tpu.memory_space<vmem>> -> memref<128x4xi32, #tpu.memory_space<vmem>>
      %parallel_loop3A_467 = tpu.vector_load_idx %parallel_loop3A_466[%parallel_loop3A_448, %broadcast_in_dim3A_86] : memref<128x4xi32, #tpu.memory_space<vmem>>[vector<16xi32>, vector<16xi32>], vector<16xi32>,
      %parallel_loop3A_468 = tpu.vector_load_idx %arg9[%parallel_loop3A_467] : memref<512xf32, #tpu.memory_space<vmem>>[vector<16xi32>], vector<16xf32>,
      %parallel_loop3A_469 = arith.addf %parallel_loop3A_462, %parallel_loop3A_468 : vector<16xf32>
      %parallel_loop3A_470 = arith.constant 0 : i32
      %parallel_loop3A_471 = arith.constant 0 : i32
      %parallel_loop3A_472 = tpu.memref_slice %arg5[%parallel_loop3A_199, %parallel_loop3A_470, %parallel_loop3A_471] : memref<2x128x4xi32, #tpu.memory_space<vmem>> -> memref<1x128x4xi32, #tpu.memory_space<vmem>>
      %parallel_loop3A_473 = tpu.memref_squeeze %parallel_loop3A_472 : memref<1x128x4xi32, #tpu.memory_space<vmem>> -> memref<128x4xi32, #tpu.memory_space<vmem>>
      %parallel_loop3A_474 = tpu.vector_load_idx %parallel_loop3A_473[%parallel_loop3A_448, %broadcast_in_dim3A_88] : memref<128x4xi32, #tpu.memory_space<vmem>>[vector<16xi32>, vector<16xi32>], vector<16xi32>,
      %parallel_loop3A_475 = tpu.vector_load_idx %arg10[%parallel_loop3A_474] : memref<512xf32, #tpu.memory_space<vmem>>[vector<16xi32>], vector<16xf32>,
      %parallel_loop3A_476 = arith.addf %parallel_loop3A_469, %parallel_loop3A_475 : vector<16xf32>
      %parallel_loop3A_477 = arith.constant 2048 : i32
      %parallel_loop3A_478 = arith.addi %parallel_loop3A_477, %mul3A_111 : i32
      %parallel_loop3A_479 = arith.constant 16 : i32
      %parallel_loop3A_480 = arith.muli %parallel_loop3A_444, %parallel_loop3A_479 : i32
      %parallel_loop3A_481 = arith.addi %parallel_loop3A_478, %parallel_loop3A_480 : i32
      %parallel_loop3A_482 = arith.index_cast %parallel_loop3A_481 : i32 to index
      %parallel_loop3A_483 = tpu.vector_load %arg11[%parallel_loop3A_482] {strides = array<i32>} : memref<8192xf32, #tpu.memory_space<vmem>>, vector<16xf32>,
      tpu.vector_store %arg11[%parallel_loop3A_482], %parallel_loop3A_476 {strides = array<i32>} : memref<8192xf32, #tpu.memory_space<vmem>>, vector<16xf32>,
    } {sc.loop_unroll_factor = 8 : i64, sc.parallel_access}
    %parallel_loop3A_200 = arith.constant 0 : i32
    %parallel_loop3A_201 = arith.constant 8 : i32
    %parallel_loop3A_202 = arith.constant 1 : i32
    %parallel_loop3A_203 = arith.constant 1 : i32
    scf.for %parallel_loop3A_444 = %parallel_loop3A_200 to %parallel_loop3A_201 step %parallel_loop3A_202  : i32 {
      %parallel_loop3A_445 = arith.constant 16 : i32
      %parallel_loop3A_446 = arith.muli %parallel_loop3A_444, %parallel_loop3A_445 : i32
      %parallel_loop3A_447 = vector.broadcast %parallel_loop3A_446 : i32 to vector<16xi32>
      %parallel_loop3A_448 = arith.addi %parallel_loop3A_447, %iota3A : vector<16xi32>
      %parallel_loop3A_449 = arith.constant 0 : i32
      %parallel_loop3A_450 = arith.constant 0 : i32
      %parallel_loop3A_451 = tpu.memref_slice %arg5[%parallel_loop3A_203, %parallel_loop3A_449, %parallel_loop3A_450] : memref<2x128x4xi32, #tpu.memory_space<vmem>> -> memref<1x128x4xi32, #tpu.memory_space<vmem>>
      %parallel_loop3A_452 = tpu.memref_squeeze %parallel_loop3A_451 : memref<1x128x4xi32, #tpu.memory_space<vmem>> -> memref<128x4xi32, #tpu.memory_space<vmem>>
      %parallel_loop3A_453 = tpu.vector_load_idx %parallel_loop3A_452[%parallel_loop3A_448, %broadcast_in_dim3A_82] : memref<128x4xi32, #tpu.memory_space<vmem>>[vector<16xi32>, vector<16xi32>], vector<16xi32>,
      %parallel_loop3A_454 = tpu.vector_load_idx %arg7[%parallel_loop3A_453] : memref<512xf32, #tpu.memory_space<vmem>>[vector<16xi32>], vector<16xf32>,
      %parallel_loop3A_455 = arith.addf %broadcast_in_dim3A_80, %parallel_loop3A_454 : vector<16xf32>
      %parallel_loop3A_456 = arith.constant 0 : i32
      %parallel_loop3A_457 = arith.constant 0 : i32
      %parallel_loop3A_458 = tpu.memref_slice %arg5[%parallel_loop3A_203, %parallel_loop3A_456, %parallel_loop3A_457] : memref<2x128x4xi32, #tpu.memory_space<vmem>> -> memref<1x128x4xi32, #tpu.memory_space<vmem>>
      %parallel_loop3A_459 = tpu.memref_squeeze %parallel_loop3A_458 : memref<1x128x4xi32, #tpu.memory_space<vmem>> -> memref<128x4xi32, #tpu.memory_space<vmem>>
      %parallel_loop3A_460 = tpu.vector_load_idx %parallel_loop3A_459[%parallel_loop3A_448, %broadcast_in_dim3A_84] : memref<128x4xi32, #tpu.memory_space<vmem>>[vector<16xi32>, vector<16xi32>], vector<16xi32>,
      %parallel_loop3A_461 = tpu.vector_load_idx %arg8[%parallel_loop3A_460] : memref<512xf32, #tpu.memory_space<vmem>>[vector<16xi32>], vector<16xf32>,
      %parallel_loop3A_462 = arith.addf %parallel_loop3A_455, %parallel_loop3A_461 : vector<16xf32>
      %parallel_loop3A_463 = arith.constant 0 : i32
      %parallel_loop3A_464 = arith.constant 0 : i32
      %parallel_loop3A_465 = tpu.memref_slice %arg5[%parallel_loop3A_203, %parallel_loop3A_463, %parallel_loop3A_464] : memref<2x128x4xi32, #tpu.memory_space<vmem>> -> memref<1x128x4xi32, #tpu.memory_space<vmem>>
      %parallel_loop3A_466 = tpu.memref_squeeze %parallel_loop3A_465 : memref<1x128x4xi32, #tpu.memory_space<vmem>> -> memref<128x4xi32, #tpu.memory_space<vmem>>
      %parallel_loop3A_467 = tpu.vector_load_idx %parallel_loop3A_466[%parallel_loop3A_448, %broadcast_in_dim3A_86] : memref<128x4xi32, #tpu.memory_space<vmem>>[vector<16xi32>, vector<16xi32>], vector<16xi32>,
      %parallel_loop3A_468 = tpu.vector_load_idx %arg9[%parallel_loop3A_467] : memref<512xf32, #tpu.memory_space<vmem>>[vector<16xi32>], vector<16xf32>,
      %parallel_loop3A_469 = arith.addf %parallel_loop3A_462, %parallel_loop3A_468 : vector<16xf32>
      %parallel_loop3A_470 = arith.constant 0 : i32
      %parallel_loop3A_471 = arith.constant 0 : i32
      %parallel_loop3A_472 = tpu.memref_slice %arg5[%parallel_loop3A_203, %parallel_loop3A_470, %parallel_loop3A_471] : memref<2x128x4xi32, #tpu.memory_space<vmem>> -> memref<1x128x4xi32, #tpu.memory_space<vmem>>
      %parallel_loop3A_473 = tpu.memref_squeeze %parallel_loop3A_472 : memref<1x128x4xi32, #tpu.memory_space<vmem>> -> memref<128x4xi32, #tpu.memory_space<vmem>>
      %parallel_loop3A_474 = tpu.vector_load_idx %parallel_loop3A_473[%parallel_loop3A_448, %broadcast_in_dim3A_88] : memref<128x4xi32, #tpu.memory_space<vmem>>[vector<16xi32>, vector<16xi32>], vector<16xi32>,
      %parallel_loop3A_475 = tpu.vector_load_idx %arg10[%parallel_loop3A_474] : memref<512xf32, #tpu.memory_space<vmem>>[vector<16xi32>], vector<16xf32>,
      %parallel_loop3A_476 = arith.addf %parallel_loop3A_469, %parallel_loop3A_475 : vector<16xf32>
      %parallel_loop3A_477 = arith.constant 2560 : i32
      %parallel_loop3A_478 = arith.addi %parallel_loop3A_477, %mul3A_111 : i32
      %parallel_loop3A_479 = arith.constant 16 : i32
      %parallel_loop3A_480 = arith.muli %parallel_loop3A_444, %parallel_loop3A_479 : i32
      %parallel_loop3A_481 = arith.addi %parallel_loop3A_478, %parallel_loop3A_480 : i32
      %parallel_loop3A_482 = arith.index_cast %parallel_loop3A_481 : i32 to index
      %parallel_loop3A_483 = tpu.vector_load %arg11[%parallel_loop3A_482] {strides = array<i32>} : memref<8192xf32, #tpu.memory_space<vmem>>, vector<16xf32>,
      tpu.vector_store %arg11[%parallel_loop3A_482], %parallel_loop3A_476 {strides = array<i32>} : memref<8192xf32, #tpu.memory_space<vmem>>, vector<16xf32>,
    } {sc.loop_unroll_factor = 8 : i64, sc.parallel_access}
    %add3A_204 = arith.constant 8 : i32
    %add3A_205 = arith.addi %mul3A_32, %add3A_204 : i32
    %dma_start3A_206 = arith.constant 0 : i32
    %dma_start3A_207 = arith.constant 0 : i32
    %dma_start3A_208 = tpu.memref_slice %arg2[%select_n3A, %add3A_205, %dma_start3A_206, %dma_start3A_207] : memref<4x128x128x4xi32, #tpu.memory_space<hbm>> -> memref<1x2x128x4xi32, #tpu.memory_space<hbm>>
    %dma_start3A_209 = tpu.memref_squeeze %dma_start3A_208 : memref<1x2x128x4xi32, #tpu.memory_space<hbm>> -> memref<2x128x4xi32, #tpu.memory_space<hbm>>
    %dma_start3A_210 = arith.constant 0 : i32
    %dma_start3A_211 = arith.constant 0 : i32
    %dma_start3A_212 = tpu.memref_slice %arg2[%select_n3A, %add3A_205, %dma_start3A_210, %dma_start3A_211] : memref<4x128x128x4xi32, #tpu.memory_space<hbm>> -> memref<1x2x128x4xi32, #tpu.memory_space<hbm>>
    %dma_start3A_213 = tpu.memref_squeeze %dma_start3A_212 : memref<1x2x128x4xi32, #tpu.memory_space<hbm>> -> memref<2x128x4xi32, #tpu.memory_space<hbm>>
    tpu.enqueue_dma source(%dma_start3A_213 : memref<2x128x4xi32, #tpu.memory_space<hbm>>) target(%arg5 : memref<2x128x4xi32, #tpu.memory_space<vmem>>) target_semaphore(%arg12 : memref<!tpu.dma_semaphore, #tpu.memory_space<semaphore_mem>>)
    %mul3A_214 = arith.constant 16 : i32
    %mul3A_215 = arith.muli %add3A, %mul3A_214 : i32
    %add3A_216 = arith.constant 4 : i32
    %add3A_217 = arith.addi %mul3A_215, %add3A_216 : i32
    %mul3A_218 = arith.constant 512 : i32
    %mul3A_219 = arith.muli %add3A_217, %mul3A_218 : i32
    %dma_start3A_220 = arith.constant 2048 : i32
    %dma_start3A_221 = tpu.memref_slice %arg11[%dma_start3A_220] : memref<8192xf32, #tpu.memory_space<vmem>> -> memref<1024xf32, #tpu.memory_space<vmem>>
    %dma_start3A_222 = tpu.memref_slice %arg4[%mul3A_219] : memref<262144xf32, #tpu.memory_space<hbm>> -> memref<1024xf32, #tpu.memory_space<hbm>>
    %dma_start3A_223 = tpu.memref_slice %arg4[%mul3A_219] : memref<262144xf32, #tpu.memory_space<hbm>> -> memref<1024xf32, #tpu.memory_space<hbm>>
    %dma_start3A_224 = arith.constant 2048 : i32
    %dma_start3A_225 = tpu.memref_slice %arg11[%dma_start3A_224] : memref<8192xf32, #tpu.memory_space<vmem>> -> memref<1024xf32, #tpu.memory_space<vmem>>
    tpu.enqueue_dma source(%dma_start3A_225 : memref<1024xf32, #tpu.memory_space<vmem>>) target(%dma_start3A_223 : memref<1024xf32, #tpu.memory_space<hbm>>) target_semaphore(%arg15 : memref<!tpu.dma_semaphore, #tpu.memory_space<semaphore_mem>>)
    %dma_wait3A_226 = arith.constant 0 : i32
    %dma_wait3A_227 = arith.constant 0 : i32
    %dma_wait3A_228 = tpu.memref_slice %arg2[%select_n3A, %add3A_167, %dma_wait3A_226, %dma_wait3A_227] : memref<4x128x128x4xi32, #tpu.memory_space<hbm>> -> memref<1x2x128x4xi32, #tpu.memory_space<hbm>>
    %dma_wait3A_229 = tpu.memref_squeeze %dma_wait3A_228 : memref<1x2x128x4xi32, #tpu.memory_space<hbm>> -> memref<2x128x4xi32, #tpu.memory_space<hbm>>
    %dma_wait3A_230 = arith.constant 0 : i32
    %dma_wait3A_231 = arith.constant 0 : i32
    %dma_wait3A_232 = tpu.memref_slice %arg2[%select_n3A, %add3A_167, %dma_wait3A_230, %dma_wait3A_231] : memref<4x128x128x4xi32, #tpu.memory_space<hbm>> -> memref<1x2x128x4xi32, #tpu.memory_space<hbm>>
    %dma_wait3A_233 = tpu.memref_squeeze %dma_wait3A_232 : memref<1x2x128x4xi32, #tpu.memory_space<hbm>> -> memref<2x128x4xi32, #tpu.memory_space<hbm>>
    tpu.wait_dma2 semaphore(%arg13 : memref<!tpu.dma_semaphore, #tpu.memory_space<semaphore_mem>>) src(%dma_wait3A_233 : memref<2x128x4xi32, #tpu.memory_space<hbm>>) dst(%arg6 : memref<2x128x4xi32, #tpu.memory_space<vmem>>)
    %parallel_loop3A_234 = arith.constant 0 : i32
    %parallel_loop3A_235 = arith.constant 8 : i32
    %parallel_loop3A_236 = arith.constant 1 : i32
    %parallel_loop3A_237 = arith.constant 0 : i32
    scf.for %parallel_loop3A_444 = %parallel_loop3A_234 to %parallel_loop3A_235 step %parallel_loop3A_236  : i32 {
      %parallel_loop3A_445 = arith.constant 16 : i32
      %parallel_loop3A_446 = arith.muli %parallel_loop3A_444, %parallel_loop3A_445 : i32
      %parallel_loop3A_447 = vector.broadcast %parallel_loop3A_446 : i32 to vector<16xi32>
      %parallel_loop3A_448 = arith.addi %parallel_loop3A_447, %iota3A : vector<16xi32>
      %parallel_loop3A_449 = arith.constant 0 : i32
      %parallel_loop3A_450 = arith.constant 0 : i32
      %parallel_loop3A_451 = tpu.memref_slice %arg6[%parallel_loop3A_237, %parallel_loop3A_449, %parallel_loop3A_450] : memref<2x128x4xi32, #tpu.memory_space<vmem>> -> memref<1x128x4xi32, #tpu.memory_space<vmem>>
      %parallel_loop3A_452 = tpu.memref_squeeze %parallel_loop3A_451 : memref<1x128x4xi32, #tpu.memory_space<vmem>> -> memref<128x4xi32, #tpu.memory_space<vmem>>
      %parallel_loop3A_453 = tpu.vector_load_idx %parallel_loop3A_452[%parallel_loop3A_448, %broadcast_in_dim3A_82] : memref<128x4xi32, #tpu.memory_space<vmem>>[vector<16xi32>, vector<16xi32>], vector<16xi32>,
      %parallel_loop3A_454 = tpu.vector_load_idx %arg7[%parallel_loop3A_453] : memref<512xf32, #tpu.memory_space<vmem>>[vector<16xi32>], vector<16xf32>,
      %parallel_loop3A_455 = arith.addf %broadcast_in_dim3A_80, %parallel_loop3A_454 : vector<16xf32>
      %parallel_loop3A_456 = arith.constant 0 : i32
      %parallel_loop3A_457 = arith.constant 0 : i32
      %parallel_loop3A_458 = tpu.memref_slice %arg6[%parallel_loop3A_237, %parallel_loop3A_456, %parallel_loop3A_457] : memref<2x128x4xi32, #tpu.memory_space<vmem>> -> memref<1x128x4xi32, #tpu.memory_space<vmem>>
      %parallel_loop3A_459 = tpu.memref_squeeze %parallel_loop3A_458 : memref<1x128x4xi32, #tpu.memory_space<vmem>> -> memref<128x4xi32, #tpu.memory_space<vmem>>
      %parallel_loop3A_460 = tpu.vector_load_idx %parallel_loop3A_459[%parallel_loop3A_448, %broadcast_in_dim3A_84] : memref<128x4xi32, #tpu.memory_space<vmem>>[vector<16xi32>, vector<16xi32>], vector<16xi32>,
      %parallel_loop3A_461 = tpu.vector_load_idx %arg8[%parallel_loop3A_460] : memref<512xf32, #tpu.memory_space<vmem>>[vector<16xi32>], vector<16xf32>,
      %parallel_loop3A_462 = arith.addf %parallel_loop3A_455, %parallel_loop3A_461 : vector<16xf32>
      %parallel_loop3A_463 = arith.constant 0 : i32
      %parallel_loop3A_464 = arith.constant 0 : i32
      %parallel_loop3A_465 = tpu.memref_slice %arg6[%parallel_loop3A_237, %parallel_loop3A_463, %parallel_loop3A_464] : memref<2x128x4xi32, #tpu.memory_space<vmem>> -> memref<1x128x4xi32, #tpu.memory_space<vmem>>
      %parallel_loop3A_466 = tpu.memref_squeeze %parallel_loop3A_465 : memref<1x128x4xi32, #tpu.memory_space<vmem>> -> memref<128x4xi32, #tpu.memory_space<vmem>>
      %parallel_loop3A_467 = tpu.vector_load_idx %parallel_loop3A_466[%parallel_loop3A_448, %broadcast_in_dim3A_86] : memref<128x4xi32, #tpu.memory_space<vmem>>[vector<16xi32>, vector<16xi32>], vector<16xi32>,
      %parallel_loop3A_468 = tpu.vector_load_idx %arg9[%parallel_loop3A_467] : memref<512xf32, #tpu.memory_space<vmem>>[vector<16xi32>], vector<16xf32>,
      %parallel_loop3A_469 = arith.addf %parallel_loop3A_462, %parallel_loop3A_468 : vector<16xf32>
      %parallel_loop3A_470 = arith.constant 0 : i32
      %parallel_loop3A_471 = arith.constant 0 : i32
      %parallel_loop3A_472 = tpu.memref_slice %arg6[%parallel_loop3A_237, %parallel_loop3A_470, %parallel_loop3A_471] : memref<2x128x4xi32, #tpu.memory_space<vmem>> -> memref<1x128x4xi32, #tpu.memory_space<vmem>>
      %parallel_loop3A_473 = tpu.memref_squeeze %parallel_loop3A_472 : memref<1x128x4xi32, #tpu.memory_space<vmem>> -> memref<128x4xi32, #tpu.memory_space<vmem>>
      %parallel_loop3A_474 = tpu.vector_load_idx %parallel_loop3A_473[%parallel_loop3A_448, %broadcast_in_dim3A_88] : memref<128x4xi32, #tpu.memory_space<vmem>>[vector<16xi32>, vector<16xi32>], vector<16xi32>,
      %parallel_loop3A_475 = tpu.vector_load_idx %arg10[%parallel_loop3A_474] : memref<512xf32, #tpu.memory_space<vmem>>[vector<16xi32>], vector<16xf32>,
      %parallel_loop3A_476 = arith.addf %parallel_loop3A_469, %parallel_loop3A_475 : vector<16xf32>
      %parallel_loop3A_477 = arith.constant 3072 : i32
      %parallel_loop3A_478 = arith.addi %parallel_loop3A_477, %mul3A_111 : i32
      %parallel_loop3A_479 = arith.constant 16 : i32
      %parallel_loop3A_480 = arith.muli %parallel_loop3A_444, %parallel_loop3A_479 : i32
      %parallel_loop3A_481 = arith.addi %parallel_loop3A_478, %parallel_loop3A_480 : i32
      %parallel_loop3A_482 = arith.index_cast %parallel_loop3A_481 : i32 to index
      %parallel_loop3A_483 = tpu.vector_load %arg11[%parallel_loop3A_482] {strides = array<i32>} : memref<8192xf32, #tpu.memory_space<vmem>>, vector<16xf32>,
      tpu.vector_store %arg11[%parallel_loop3A_482], %parallel_loop3A_476 {strides = array<i32>} : memref<8192xf32, #tpu.memory_space<vmem>>, vector<16xf32>,
    } {sc.loop_unroll_factor = 8 : i64, sc.parallel_access}
    %parallel_loop3A_238 = arith.constant 0 : i32
    %parallel_loop3A_239 = arith.constant 8 : i32
    %parallel_loop3A_240 = arith.constant 1 : i32
    %parallel_loop3A_241 = arith.constant 1 : i32
    scf.for %parallel_loop3A_444 = %parallel_loop3A_238 to %parallel_loop3A_239 step %parallel_loop3A_240  : i32 {
      %parallel_loop3A_445 = arith.constant 16 : i32
      %parallel_loop3A_446 = arith.muli %parallel_loop3A_444, %parallel_loop3A_445 : i32
      %parallel_loop3A_447 = vector.broadcast %parallel_loop3A_446 : i32 to vector<16xi32>
      %parallel_loop3A_448 = arith.addi %parallel_loop3A_447, %iota3A : vector<16xi32>
      %parallel_loop3A_449 = arith.constant 0 : i32
      %parallel_loop3A_450 = arith.constant 0 : i32
      %parallel_loop3A_451 = tpu.memref_slice %arg6[%parallel_loop3A_241, %parallel_loop3A_449, %parallel_loop3A_450] : memref<2x128x4xi32, #tpu.memory_space<vmem>> -> memref<1x128x4xi32, #tpu.memory_space<vmem>>
      %parallel_loop3A_452 = tpu.memref_squeeze %parallel_loop3A_451 : memref<1x128x4xi32, #tpu.memory_space<vmem>> -> memref<128x4xi32, #tpu.memory_space<vmem>>
      %parallel_loop3A_453 = tpu.vector_load_idx %parallel_loop3A_452[%parallel_loop3A_448, %broadcast_in_dim3A_82] : memref<128x4xi32, #tpu.memory_space<vmem>>[vector<16xi32>, vector<16xi32>], vector<16xi32>,
      %parallel_loop3A_454 = tpu.vector_load_idx %arg7[%parallel_loop3A_453] : memref<512xf32, #tpu.memory_space<vmem>>[vector<16xi32>], vector<16xf32>,
      %parallel_loop3A_455 = arith.addf %broadcast_in_dim3A_80, %parallel_loop3A_454 : vector<16xf32>
      %parallel_loop3A_456 = arith.constant 0 : i32
      %parallel_loop3A_457 = arith.constant 0 : i32
      %parallel_loop3A_458 = tpu.memref_slice %arg6[%parallel_loop3A_241, %parallel_loop3A_456, %parallel_loop3A_457] : memref<2x128x4xi32, #tpu.memory_space<vmem>> -> memref<1x128x4xi32, #tpu.memory_space<vmem>>
      %parallel_loop3A_459 = tpu.memref_squeeze %parallel_loop3A_458 : memref<1x128x4xi32, #tpu.memory_space<vmem>> -> memref<128x4xi32, #tpu.memory_space<vmem>>
      %parallel_loop3A_460 = tpu.vector_load_idx %parallel_loop3A_459[%parallel_loop3A_448, %broadcast_in_dim3A_84] : memref<128x4xi32, #tpu.memory_space<vmem>>[vector<16xi32>, vector<16xi32>], vector<16xi32>,
      %parallel_loop3A_461 = tpu.vector_load_idx %arg8[%parallel_loop3A_460] : memref<512xf32, #tpu.memory_space<vmem>>[vector<16xi32>], vector<16xf32>,
      %parallel_loop3A_462 = arith.addf %parallel_loop3A_455, %parallel_loop3A_461 : vector<16xf32>
      %parallel_loop3A_463 = arith.constant 0 : i32
      %parallel_loop3A_464 = arith.constant 0 : i32
      %parallel_loop3A_465 = tpu.memref_slice %arg6[%parallel_loop3A_241, %parallel_loop3A_463, %parallel_loop3A_464] : memref<2x128x4xi32, #tpu.memory_space<vmem>> -> memref<1x128x4xi32, #tpu.memory_space<vmem>>
      %parallel_loop3A_466 = tpu.memref_squeeze %parallel_loop3A_465 : memref<1x128x4xi32, #tpu.memory_space<vmem>> -> memref<128x4xi32, #tpu.memory_space<vmem>>
      %parallel_loop3A_467 = tpu.vector_load_idx %parallel_loop3A_466[%parallel_loop3A_448, %broadcast_in_dim3A_86] : memref<128x4xi32, #tpu.memory_space<vmem>>[vector<16xi32>, vector<16xi32>], vector<16xi32>,
      %parallel_loop3A_468 = tpu.vector_load_idx %arg9[%parallel_loop3A_467] : memref<512xf32, #tpu.memory_space<vmem>>[vector<16xi32>], vector<16xf32>,
      %parallel_loop3A_469 = arith.addf %parallel_loop3A_462, %parallel_loop3A_468 : vector<16xf32>
      %parallel_loop3A_470 = arith.constant 0 : i32
      %parallel_loop3A_471 = arith.constant 0 : i32
      %parallel_loop3A_472 = tpu.memref_slice %arg6[%parallel_loop3A_241, %parallel_loop3A_470, %parallel_loop3A_471] : memref<2x128x4xi32, #tpu.memory_space<vmem>> -> memref<1x128x4xi32, #tpu.memory_space<vmem>>
      %parallel_loop3A_473 = tpu.memref_squeeze %parallel_loop3A_472 : memref<1x128x4xi32, #tpu.memory_space<vmem>> -> memref<128x4xi32, #tpu.memory_space<vmem>>
      %parallel_loop3A_474 = tpu.vector_load_idx %parallel_loop3A_473[%parallel_loop3A_448, %broadcast_in_dim3A_88] : memref<128x4xi32, #tpu.memory_space<vmem>>[vector<16xi32>, vector<16xi32>], vector<16xi32>,
      %parallel_loop3A_475 = tpu.vector_load_idx %arg10[%parallel_loop3A_474] : memref<512xf32, #tpu.memory_space<vmem>>[vector<16xi32>], vector<16xf32>,
      %parallel_loop3A_476 = arith.addf %parallel_loop3A_469, %parallel_loop3A_475 : vector<16xf32>
      %parallel_loop3A_477 = arith.constant 3584 : i32
      %parallel_loop3A_478 = arith.addi %parallel_loop3A_477, %mul3A_111 : i32
      %parallel_loop3A_479 = arith.constant 16 : i32
      %parallel_loop3A_480 = arith.muli %parallel_loop3A_444, %parallel_loop3A_479 : i32
      %parallel_loop3A_481 = arith.addi %parallel_loop3A_478, %parallel_loop3A_480 : i32
      %parallel_loop3A_482 = arith.index_cast %parallel_loop3A_481 : i32 to index
      %parallel_loop3A_483 = tpu.vector_load %arg11[%parallel_loop3A_482] {strides = array<i32>} : memref<8192xf32, #tpu.memory_space<vmem>>, vector<16xf32>,
      tpu.vector_store %arg11[%parallel_loop3A_482], %parallel_loop3A_476 {strides = array<i32>} : memref<8192xf32, #tpu.memory_space<vmem>>, vector<16xf32>,
    } {sc.loop_unroll_factor = 8 : i64, sc.parallel_access}
    %add3A_242 = arith.constant 10 : i32
    %add3A_243 = arith.addi %mul3A_32, %add3A_242 : i32
    %dma_start3A_244 = arith.constant 0 : i32
    %dma_start3A_245 = arith.constant 0 : i32
    %dma_start3A_246 = tpu.memref_slice %arg2[%select_n3A, %add3A_243, %dma_start3A_244, %dma_start3A_245] : memref<4x128x128x4xi32, #tpu.memory_space<hbm>> -> memref<1x2x128x4xi32, #tpu.memory_space<hbm>>
    %dma_start3A_247 = tpu.memref_squeeze %dma_start3A_246 : memref<1x2x128x4xi32, #tpu.memory_space<hbm>> -> memref<2x128x4xi32, #tpu.memory_space<hbm>>
    %dma_start3A_248 = arith.constant 0 : i32
    %dma_start3A_249 = arith.constant 0 : i32
    %dma_start3A_250 = tpu.memref_slice %arg2[%select_n3A, %add3A_243, %dma_start3A_248, %dma_start3A_249] : memref<4x128x128x4xi32, #tpu.memory_space<hbm>> -> memref<1x2x128x4xi32, #tpu.memory_space<hbm>>
    %dma_start3A_251 = tpu.memref_squeeze %dma_start3A_250 : memref<1x2x128x4xi32, #tpu.memory_space<hbm>> -> memref<2x128x4xi32, #tpu.memory_space<hbm>>
    tpu.enqueue_dma source(%dma_start3A_251 : memref<2x128x4xi32, #tpu.memory_space<hbm>>) target(%arg6 : memref<2x128x4xi32, #tpu.memory_space<vmem>>) target_semaphore(%arg13 : memref<!tpu.dma_semaphore, #tpu.memory_space<semaphore_mem>>)
    %mul3A_252 = arith.constant 16 : i32
    %mul3A_253 = arith.muli %add3A, %mul3A_252 : i32
    %add3A_254 = arith.constant 6 : i32
    %add3A_255 = arith.addi %mul3A_253, %add3A_254 : i32
    %mul3A_256 = arith.constant 512 : i32
    %mul3A_257 = arith.muli %add3A_255, %mul3A_256 : i32
    %dma_start3A_258 = arith.constant 3072 : i32
    %dma_start3A_259 = tpu.memref_slice %arg11[%dma_start3A_258] : memref<8192xf32, #tpu.memory_space<vmem>> -> memref<1024xf32, #tpu.memory_space<vmem>>
    %dma_start3A_260 = tpu.memref_slice %arg4[%mul3A_257] : memref<262144xf32, #tpu.memory_space<hbm>> -> memref<1024xf32, #tpu.memory_space<hbm>>
    %dma_start3A_261 = tpu.memref_slice %arg4[%mul3A_257] : memref<262144xf32, #tpu.memory_space<hbm>> -> memref<1024xf32, #tpu.memory_space<hbm>>
    %dma_start3A_262 = arith.constant 3072 : i32
    %dma_start3A_263 = tpu.memref_slice %arg11[%dma_start3A_262] : memref<8192xf32, #tpu.memory_space<vmem>> -> memref<1024xf32, #tpu.memory_space<vmem>>
    tpu.enqueue_dma source(%dma_start3A_263 : memref<1024xf32, #tpu.memory_space<vmem>>) target(%dma_start3A_261 : memref<1024xf32, #tpu.memory_space<hbm>>) target_semaphore(%arg15 : memref<!tpu.dma_semaphore, #tpu.memory_space<semaphore_mem>>)
    %dma_wait3A_264 = arith.constant 0 : i32
    %dma_wait3A_265 = arith.constant 0 : i32
    %dma_wait3A_266 = tpu.memref_slice %arg2[%select_n3A, %add3A_205, %dma_wait3A_264, %dma_wait3A_265] : memref<4x128x128x4xi32, #tpu.memory_space<hbm>> -> memref<1x2x128x4xi32, #tpu.memory_space<hbm>>
    %dma_wait3A_267 = tpu.memref_squeeze %dma_wait3A_266 : memref<1x2x128x4xi32, #tpu.memory_space<hbm>> -> memref<2x128x4xi32, #tpu.memory_space<hbm>>
    %dma_wait3A_268 = arith.constant 0 : i32
    %dma_wait3A_269 = arith.constant 0 : i32
    %dma_wait3A_270 = tpu.memref_slice %arg2[%select_n3A, %add3A_205, %dma_wait3A_268, %dma_wait3A_269] : memref<4x128x128x4xi32, #tpu.memory_space<hbm>> -> memref<1x2x128x4xi32, #tpu.memory_space<hbm>>
    %dma_wait3A_271 = tpu.memref_squeeze %dma_wait3A_270 : memref<1x2x128x4xi32, #tpu.memory_space<hbm>> -> memref<2x128x4xi32, #tpu.memory_space<hbm>>
    tpu.wait_dma2 semaphore(%arg12 : memref<!tpu.dma_semaphore, #tpu.memory_space<semaphore_mem>>) src(%dma_wait3A_271 : memref<2x128x4xi32, #tpu.memory_space<hbm>>) dst(%arg5 : memref<2x128x4xi32, #tpu.memory_space<vmem>>)
    %parallel_loop3A_272 = arith.constant 0 : i32
    %parallel_loop3A_273 = arith.constant 8 : i32
    %parallel_loop3A_274 = arith.constant 1 : i32
    %parallel_loop3A_275 = arith.constant 0 : i32
    scf.for %parallel_loop3A_444 = %parallel_loop3A_272 to %parallel_loop3A_273 step %parallel_loop3A_274  : i32 {
      %parallel_loop3A_445 = arith.constant 16 : i32
      %parallel_loop3A_446 = arith.muli %parallel_loop3A_444, %parallel_loop3A_445 : i32
      %parallel_loop3A_447 = vector.broadcast %parallel_loop3A_446 : i32 to vector<16xi32>
      %parallel_loop3A_448 = arith.addi %parallel_loop3A_447, %iota3A : vector<16xi32>
      %parallel_loop3A_449 = arith.constant 0 : i32
      %parallel_loop3A_450 = arith.constant 0 : i32
      %parallel_loop3A_451 = tpu.memref_slice %arg5[%parallel_loop3A_275, %parallel_loop3A_449, %parallel_loop3A_450] : memref<2x128x4xi32, #tpu.memory_space<vmem>> -> memref<1x128x4xi32, #tpu.memory_space<vmem>>
      %parallel_loop3A_452 = tpu.memref_squeeze %parallel_loop3A_451 : memref<1x128x4xi32, #tpu.memory_space<vmem>> -> memref<128x4xi32, #tpu.memory_space<vmem>>
      %parallel_loop3A_453 = tpu.vector_load_idx %parallel_loop3A_452[%parallel_loop3A_448, %broadcast_in_dim3A_82] : memref<128x4xi32, #tpu.memory_space<vmem>>[vector<16xi32>, vector<16xi32>], vector<16xi32>,
      %parallel_loop3A_454 = tpu.vector_load_idx %arg7[%parallel_loop3A_453] : memref<512xf32, #tpu.memory_space<vmem>>[vector<16xi32>], vector<16xf32>,
      %parallel_loop3A_455 = arith.addf %broadcast_in_dim3A_80, %parallel_loop3A_454 : vector<16xf32>
      %parallel_loop3A_456 = arith.constant 0 : i32
      %parallel_loop3A_457 = arith.constant 0 : i32
      %parallel_loop3A_458 = tpu.memref_slice %arg5[%parallel_loop3A_275, %parallel_loop3A_456, %parallel_loop3A_457] : memref<2x128x4xi32, #tpu.memory_space<vmem>> -> memref<1x128x4xi32, #tpu.memory_space<vmem>>
      %parallel_loop3A_459 = tpu.memref_squeeze %parallel_loop3A_458 : memref<1x128x4xi32, #tpu.memory_space<vmem>> -> memref<128x4xi32, #tpu.memory_space<vmem>>
      %parallel_loop3A_460 = tpu.vector_load_idx %parallel_loop3A_459[%parallel_loop3A_448, %broadcast_in_dim3A_84] : memref<128x4xi32, #tpu.memory_space<vmem>>[vector<16xi32>, vector<16xi32>], vector<16xi32>,
      %parallel_loop3A_461 = tpu.vector_load_idx %arg8[%parallel_loop3A_460] : memref<512xf32, #tpu.memory_space<vmem>>[vector<16xi32>], vector<16xf32>,
      %parallel_loop3A_462 = arith.addf %parallel_loop3A_455, %parallel_loop3A_461 : vector<16xf32>
      %parallel_loop3A_463 = arith.constant 0 : i32
      %parallel_loop3A_464 = arith.constant 0 : i32
      %parallel_loop3A_465 = tpu.memref_slice %arg5[%parallel_loop3A_275, %parallel_loop3A_463, %parallel_loop3A_464] : memref<2x128x4xi32, #tpu.memory_space<vmem>> -> memref<1x128x4xi32, #tpu.memory_space<vmem>>
      %parallel_loop3A_466 = tpu.memref_squeeze %parallel_loop3A_465 : memref<1x128x4xi32, #tpu.memory_space<vmem>> -> memref<128x4xi32, #tpu.memory_space<vmem>>
      %parallel_loop3A_467 = tpu.vector_load_idx %parallel_loop3A_466[%parallel_loop3A_448, %broadcast_in_dim3A_86] : memref<128x4xi32, #tpu.memory_space<vmem>>[vector<16xi32>, vector<16xi32>], vector<16xi32>,
      %parallel_loop3A_468 = tpu.vector_load_idx %arg9[%parallel_loop3A_467] : memref<512xf32, #tpu.memory_space<vmem>>[vector<16xi32>], vector<16xf32>,
      %parallel_loop3A_469 = arith.addf %parallel_loop3A_462, %parallel_loop3A_468 : vector<16xf32>
      %parallel_loop3A_470 = arith.constant 0 : i32
      %parallel_loop3A_471 = arith.constant 0 : i32
      %parallel_loop3A_472 = tpu.memref_slice %arg5[%parallel_loop3A_275, %parallel_loop3A_470, %parallel_loop3A_471] : memref<2x128x4xi32, #tpu.memory_space<vmem>> -> memref<1x128x4xi32, #tpu.memory_space<vmem>>
      %parallel_loop3A_473 = tpu.memref_squeeze %parallel_loop3A_472 : memref<1x128x4xi32, #tpu.memory_space<vmem>> -> memref<128x4xi32, #tpu.memory_space<vmem>>
      %parallel_loop3A_474 = tpu.vector_load_idx %parallel_loop3A_473[%parallel_loop3A_448, %broadcast_in_dim3A_88] : memref<128x4xi32, #tpu.memory_space<vmem>>[vector<16xi32>, vector<16xi32>], vector<16xi32>,
      %parallel_loop3A_475 = tpu.vector_load_idx %arg10[%parallel_loop3A_474] : memref<512xf32, #tpu.memory_space<vmem>>[vector<16xi32>], vector<16xf32>,
      %parallel_loop3A_476 = arith.addf %parallel_loop3A_469, %parallel_loop3A_475 : vector<16xf32>
      %parallel_loop3A_477 = arith.constant 4096 : i32
      %parallel_loop3A_478 = arith.addi %parallel_loop3A_477, %mul3A_111 : i32
      %parallel_loop3A_479 = arith.constant 16 : i32
      %parallel_loop3A_480 = arith.muli %parallel_loop3A_444, %parallel_loop3A_479 : i32
      %parallel_loop3A_481 = arith.addi %parallel_loop3A_478, %parallel_loop3A_480 : i32
      %parallel_loop3A_482 = arith.index_cast %parallel_loop3A_481 : i32 to index
      %parallel_loop3A_483 = tpu.vector_load %arg11[%parallel_loop3A_482] {strides = array<i32>} : memref<8192xf32, #tpu.memory_space<vmem>>, vector<16xf32>,
      tpu.vector_store %arg11[%parallel_loop3A_482], %parallel_loop3A_476 {strides = array<i32>} : memref<8192xf32, #tpu.memory_space<vmem>>, vector<16xf32>,
    } {sc.loop_unroll_factor = 8 : i64, sc.parallel_access}
    %parallel_loop3A_276 = arith.constant 0 : i32
    %parallel_loop3A_277 = arith.constant 8 : i32
    %parallel_loop3A_278 = arith.constant 1 : i32
    %parallel_loop3A_279 = arith.constant 1 : i32
    scf.for %parallel_loop3A_444 = %parallel_loop3A_276 to %parallel_loop3A_277 step %parallel_loop3A_278  : i32 {
      %parallel_loop3A_445 = arith.constant 16 : i32
      %parallel_loop3A_446 = arith.muli %parallel_loop3A_444, %parallel_loop3A_445 : i32
      %parallel_loop3A_447 = vector.broadcast %parallel_loop3A_446 : i32 to vector<16xi32>
      %parallel_loop3A_448 = arith.addi %parallel_loop3A_447, %iota3A : vector<16xi32>
      %parallel_loop3A_449 = arith.constant 0 : i32
      %parallel_loop3A_450 = arith.constant 0 : i32
      %parallel_loop3A_451 = tpu.memref_slice %arg5[%parallel_loop3A_279, %parallel_loop3A_449, %parallel_loop3A_450] : memref<2x128x4xi32, #tpu.memory_space<vmem>> -> memref<1x128x4xi32, #tpu.memory_space<vmem>>
      %parallel_loop3A_452 = tpu.memref_squeeze %parallel_loop3A_451 : memref<1x128x4xi32, #tpu.memory_space<vmem>> -> memref<128x4xi32, #tpu.memory_space<vmem>>
      %parallel_loop3A_453 = tpu.vector_load_idx %parallel_loop3A_452[%parallel_loop3A_448, %broadcast_in_dim3A_82] : memref<128x4xi32, #tpu.memory_space<vmem>>[vector<16xi32>, vector<16xi32>], vector<16xi32>,
      %parallel_loop3A_454 = tpu.vector_load_idx %arg7[%parallel_loop3A_453] : memref<512xf32, #tpu.memory_space<vmem>>[vector<16xi32>], vector<16xf32>,
      %parallel_loop3A_455 = arith.addf %broadcast_in_dim3A_80, %parallel_loop3A_454 : vector<16xf32>
      %parallel_loop3A_456 = arith.constant 0 : i32
      %parallel_loop3A_457 = arith.constant 0 : i32
      %parallel_loop3A_458 = tpu.memref_slice %arg5[%parallel_loop3A_279, %parallel_loop3A_456, %parallel_loop3A_457] : memref<2x128x4xi32, #tpu.memory_space<vmem>> -> memref<1x128x4xi32, #tpu.memory_space<vmem>>
      %parallel_loop3A_459 = tpu.memref_squeeze %parallel_loop3A_458 : memref<1x128x4xi32, #tpu.memory_space<vmem>> -> memref<128x4xi32, #tpu.memory_space<vmem>>
      %parallel_loop3A_460 = tpu.vector_load_idx %parallel_loop3A_459[%parallel_loop3A_448, %broadcast_in_dim3A_84] : memref<128x4xi32, #tpu.memory_space<vmem>>[vector<16xi32>, vector<16xi32>], vector<16xi32>,
      %parallel_loop3A_461 = tpu.vector_load_idx %arg8[%parallel_loop3A_460] : memref<512xf32, #tpu.memory_space<vmem>>[vector<16xi32>], vector<16xf32>,
      %parallel_loop3A_462 = arith.addf %parallel_loop3A_455, %parallel_loop3A_461 : vector<16xf32>
      %parallel_loop3A_463 = arith.constant 0 : i32
      %parallel_loop3A_464 = arith.constant 0 : i32
      %parallel_loop3A_465 = tpu.memref_slice %arg5[%parallel_loop3A_279, %parallel_loop3A_463, %parallel_loop3A_464] : memref<2x128x4xi32, #tpu.memory_space<vmem>> -> memref<1x128x4xi32, #tpu.memory_space<vmem>>
      %parallel_loop3A_466 = tpu.memref_squeeze %parallel_loop3A_465 : memref<1x128x4xi32, #tpu.memory_space<vmem>> -> memref<128x4xi32, #tpu.memory_space<vmem>>
      %parallel_loop3A_467 = tpu.vector_load_idx %parallel_loop3A_466[%parallel_loop3A_448, %broadcast_in_dim3A_86] : memref<128x4xi32, #tpu.memory_space<vmem>>[vector<16xi32>, vector<16xi32>], vector<16xi32>,
      %parallel_loop3A_468 = tpu.vector_load_idx %arg9[%parallel_loop3A_467] : memref<512xf32, #tpu.memory_space<vmem>>[vector<16xi32>], vector<16xf32>,
      %parallel_loop3A_469 = arith.addf %parallel_loop3A_462, %parallel_loop3A_468 : vector<16xf32>
      %parallel_loop3A_470 = arith.constant 0 : i32
      %parallel_loop3A_471 = arith.constant 0 : i32
      %parallel_loop3A_472 = tpu.memref_slice %arg5[%parallel_loop3A_279, %parallel_loop3A_470, %parallel_loop3A_471] : memref<2x128x4xi32, #tpu.memory_space<vmem>> -> memref<1x128x4xi32, #tpu.memory_space<vmem>>
      %parallel_loop3A_473 = tpu.memref_squeeze %parallel_loop3A_472 : memref<1x128x4xi32, #tpu.memory_space<vmem>> -> memref<128x4xi32, #tpu.memory_space<vmem>>
      %parallel_loop3A_474 = tpu.vector_load_idx %parallel_loop3A_473[%parallel_loop3A_448, %broadcast_in_dim3A_88] : memref<128x4xi32, #tpu.memory_space<vmem>>[vector<16xi32>, vector<16xi32>], vector<16xi32>,
      %parallel_loop3A_475 = tpu.vector_load_idx %arg10[%parallel_loop3A_474] : memref<512xf32, #tpu.memory_space<vmem>>[vector<16xi32>], vector<16xf32>,
      %parallel_loop3A_476 = arith.addf %parallel_loop3A_469, %parallel_loop3A_475 : vector<16xf32>
      %parallel_loop3A_477 = arith.constant 4608 : i32
      %parallel_loop3A_478 = arith.addi %parallel_loop3A_477, %mul3A_111 : i32
      %parallel_loop3A_479 = arith.constant 16 : i32
      %parallel_loop3A_480 = arith.muli %parallel_loop3A_444, %parallel_loop3A_479 : i32
      %parallel_loop3A_481 = arith.addi %parallel_loop3A_478, %parallel_loop3A_480 : i32
      %parallel_loop3A_482 = arith.index_cast %parallel_loop3A_481 : i32 to index
      %parallel_loop3A_483 = tpu.vector_load %arg11[%parallel_loop3A_482] {strides = array<i32>} : memref<8192xf32, #tpu.memory_space<vmem>>, vector<16xf32>,
      tpu.vector_store %arg11[%parallel_loop3A_482], %parallel_loop3A_476 {strides = array<i32>} : memref<8192xf32, #tpu.memory_space<vmem>>, vector<16xf32>,
    } {sc.loop_unroll_factor = 8 : i64, sc.parallel_access}
    %add3A_280 = arith.constant 12 : i32
    %add3A_281 = arith.addi %mul3A_32, %add3A_280 : i32
    %dma_start3A_282 = arith.constant 0 : i32
    %dma_start3A_283 = arith.constant 0 : i32
    %dma_start3A_284 = tpu.memref_slice %arg2[%select_n3A, %add3A_281, %dma_start3A_282, %dma_start3A_283] : memref<4x128x128x4xi32, #tpu.memory_space<hbm>> -> memref<1x2x128x4xi32, #tpu.memory_space<hbm>>
    %dma_start3A_285 = tpu.memref_squeeze %dma_start3A_284 : memref<1x2x128x4xi32, #tpu.memory_space<hbm>> -> memref<2x128x4xi32, #tpu.memory_space<hbm>>
    %dma_start3A_286 = arith.constant 0 : i32
    %dma_start3A_287 = arith.constant 0 : i32
    %dma_start3A_288 = tpu.memref_slice %arg2[%select_n3A, %add3A_281, %dma_start3A_286, %dma_start3A_287] : memref<4x128x128x4xi32, #tpu.memory_space<hbm>> -> memref<1x2x128x4xi32, #tpu.memory_space<hbm>>
    %dma_start3A_289 = tpu.memref_squeeze %dma_start3A_288 : memref<1x2x128x4xi32, #tpu.memory_space<hbm>> -> memref<2x128x4xi32, #tpu.memory_space<hbm>>
    tpu.enqueue_dma source(%dma_start3A_289 : memref<2x128x4xi32, #tpu.memory_space<hbm>>) target(%arg5 : memref<2x128x4xi32, #tpu.memory_space<vmem>>) target_semaphore(%arg12 : memref<!tpu.dma_semaphore, #tpu.memory_space<semaphore_mem>>)
    %mul3A_290 = arith.constant 16 : i32
    %mul3A_291 = arith.muli %add3A, %mul3A_290 : i32
    %add3A_292 = arith.constant 8 : i32
    %add3A_293 = arith.addi %mul3A_291, %add3A_292 : i32
    %mul3A_294 = arith.constant 512 : i32
    %mul3A_295 = arith.muli %add3A_293, %mul3A_294 : i32
    %dma_start3A_296 = arith.constant 4096 : i32
    %dma_start3A_297 = tpu.memref_slice %arg11[%dma_start3A_296] : memref<8192xf32, #tpu.memory_space<vmem>> -> memref<1024xf32, #tpu.memory_space<vmem>>
    %dma_start3A_298 = tpu.memref_slice %arg4[%mul3A_295] : memref<262144xf32, #tpu.memory_space<hbm>> -> memref<1024xf32, #tpu.memory_space<hbm>>
    %dma_start3A_299 = tpu.memref_slice %arg4[%mul3A_295] : memref<262144xf32, #tpu.memory_space<hbm>> -> memref<1024xf32, #tpu.memory_space<hbm>>
    %dma_start3A_300 = arith.constant 4096 : i32
    %dma_start3A_301 = tpu.memref_slice %arg11[%dma_start3A_300] : memref<8192xf32, #tpu.memory_space<vmem>> -> memref<1024xf32, #tpu.memory_space<vmem>>
    tpu.enqueue_dma source(%dma_start3A_301 : memref<1024xf32, #tpu.memory_space<vmem>>) target(%dma_start3A_299 : memref<1024xf32, #tpu.memory_space<hbm>>) target_semaphore(%arg15 : memref<!tpu.dma_semaphore, #tpu.memory_space<semaphore_mem>>)
    %dma_wait3A_302 = arith.constant 0 : i32
    %dma_wait3A_303 = arith.constant 0 : i32
    %dma_wait3A_304 = tpu.memref_slice %arg2[%select_n3A, %add3A_243, %dma_wait3A_302, %dma_wait3A_303] : memref<4x128x128x4xi32, #tpu.memory_space<hbm>> -> memref<1x2x128x4xi32, #tpu.memory_space<hbm>>
    %dma_wait3A_305 = tpu.memref_squeeze %dma_wait3A_304 : memref<1x2x128x4xi32, #tpu.memory_space<hbm>> -> memref<2x128x4xi32, #tpu.memory_space<hbm>>
    %dma_wait3A_306 = arith.constant 0 : i32
    %dma_wait3A_307 = arith.constant 0 : i32
    %dma_wait3A_308 = tpu.memref_slice %arg2[%select_n3A, %add3A_243, %dma_wait3A_306, %dma_wait3A_307] : memref<4x128x128x4xi32, #tpu.memory_space<hbm>> -> memref<1x2x128x4xi32, #tpu.memory_space<hbm>>
    %dma_wait3A_309 = tpu.memref_squeeze %dma_wait3A_308 : memref<1x2x128x4xi32, #tpu.memory_space<hbm>> -> memref<2x128x4xi32, #tpu.memory_space<hbm>>
    tpu.wait_dma2 semaphore(%arg13 : memref<!tpu.dma_semaphore, #tpu.memory_space<semaphore_mem>>) src(%dma_wait3A_309 : memref<2x128x4xi32, #tpu.memory_space<hbm>>) dst(%arg6 : memref<2x128x4xi32, #tpu.memory_space<vmem>>)
    %parallel_loop3A_310 = arith.constant 0 : i32
    %parallel_loop3A_311 = arith.constant 8 : i32
    %parallel_loop3A_312 = arith.constant 1 : i32
    %parallel_loop3A_313 = arith.constant 0 : i32
    scf.for %parallel_loop3A_444 = %parallel_loop3A_310 to %parallel_loop3A_311 step %parallel_loop3A_312  : i32 {
      %parallel_loop3A_445 = arith.constant 16 : i32
      %parallel_loop3A_446 = arith.muli %parallel_loop3A_444, %parallel_loop3A_445 : i32
      %parallel_loop3A_447 = vector.broadcast %parallel_loop3A_446 : i32 to vector<16xi32>
      %parallel_loop3A_448 = arith.addi %parallel_loop3A_447, %iota3A : vector<16xi32>
      %parallel_loop3A_449 = arith.constant 0 : i32
      %parallel_loop3A_450 = arith.constant 0 : i32
      %parallel_loop3A_451 = tpu.memref_slice %arg6[%parallel_loop3A_313, %parallel_loop3A_449, %parallel_loop3A_450] : memref<2x128x4xi32, #tpu.memory_space<vmem>> -> memref<1x128x4xi32, #tpu.memory_space<vmem>>
      %parallel_loop3A_452 = tpu.memref_squeeze %parallel_loop3A_451 : memref<1x128x4xi32, #tpu.memory_space<vmem>> -> memref<128x4xi32, #tpu.memory_space<vmem>>
      %parallel_loop3A_453 = tpu.vector_load_idx %parallel_loop3A_452[%parallel_loop3A_448, %broadcast_in_dim3A_82] : memref<128x4xi32, #tpu.memory_space<vmem>>[vector<16xi32>, vector<16xi32>], vector<16xi32>,
      %parallel_loop3A_454 = tpu.vector_load_idx %arg7[%parallel_loop3A_453] : memref<512xf32, #tpu.memory_space<vmem>>[vector<16xi32>], vector<16xf32>,
      %parallel_loop3A_455 = arith.addf %broadcast_in_dim3A_80, %parallel_loop3A_454 : vector<16xf32>
      %parallel_loop3A_456 = arith.constant 0 : i32
      %parallel_loop3A_457 = arith.constant 0 : i32
      %parallel_loop3A_458 = tpu.memref_slice %arg6[%parallel_loop3A_313, %parallel_loop3A_456, %parallel_loop3A_457] : memref<2x128x4xi32, #tpu.memory_space<vmem>> -> memref<1x128x4xi32, #tpu.memory_space<vmem>>
      %parallel_loop3A_459 = tpu.memref_squeeze %parallel_loop3A_458 : memref<1x128x4xi32, #tpu.memory_space<vmem>> -> memref<128x4xi32, #tpu.memory_space<vmem>>
      %parallel_loop3A_460 = tpu.vector_load_idx %parallel_loop3A_459[%parallel_loop3A_448, %broadcast_in_dim3A_84] : memref<128x4xi32, #tpu.memory_space<vmem>>[vector<16xi32>, vector<16xi32>], vector<16xi32>,
      %parallel_loop3A_461 = tpu.vector_load_idx %arg8[%parallel_loop3A_460] : memref<512xf32, #tpu.memory_space<vmem>>[vector<16xi32>], vector<16xf32>,
      %parallel_loop3A_462 = arith.addf %parallel_loop3A_455, %parallel_loop3A_461 : vector<16xf32>
      %parallel_loop3A_463 = arith.constant 0 : i32
      %parallel_loop3A_464 = arith.constant 0 : i32
      %parallel_loop3A_465 = tpu.memref_slice %arg6[%parallel_loop3A_313, %parallel_loop3A_463, %parallel_loop3A_464] : memref<2x128x4xi32, #tpu.memory_space<vmem>> -> memref<1x128x4xi32, #tpu.memory_space<vmem>>
      %parallel_loop3A_466 = tpu.memref_squeeze %parallel_loop3A_465 : memref<1x128x4xi32, #tpu.memory_space<vmem>> -> memref<128x4xi32, #tpu.memory_space<vmem>>
      %parallel_loop3A_467 = tpu.vector_load_idx %parallel_loop3A_466[%parallel_loop3A_448, %broadcast_in_dim3A_86] : memref<128x4xi32, #tpu.memory_space<vmem>>[vector<16xi32>, vector<16xi32>], vector<16xi32>,
      %parallel_loop3A_468 = tpu.vector_load_idx %arg9[%parallel_loop3A_467] : memref<512xf32, #tpu.memory_space<vmem>>[vector<16xi32>], vector<16xf32>,
      %parallel_loop3A_469 = arith.addf %parallel_loop3A_462, %parallel_loop3A_468 : vector<16xf32>
      %parallel_loop3A_470 = arith.constant 0 : i32
      %parallel_loop3A_471 = arith.constant 0 : i32
      %parallel_loop3A_472 = tpu.memref_slice %arg6[%parallel_loop3A_313, %parallel_loop3A_470, %parallel_loop3A_471] : memref<2x128x4xi32, #tpu.memory_space<vmem>> -> memref<1x128x4xi32, #tpu.memory_space<vmem>>
      %parallel_loop3A_473 = tpu.memref_squeeze %parallel_loop3A_472 : memref<1x128x4xi32, #tpu.memory_space<vmem>> -> memref<128x4xi32, #tpu.memory_space<vmem>>
      %parallel_loop3A_474 = tpu.vector_load_idx %parallel_loop3A_473[%parallel_loop3A_448, %broadcast_in_dim3A_88] : memref<128x4xi32, #tpu.memory_space<vmem>>[vector<16xi32>, vector<16xi32>], vector<16xi32>,
      %parallel_loop3A_475 = tpu.vector_load_idx %arg10[%parallel_loop3A_474] : memref<512xf32, #tpu.memory_space<vmem>>[vector<16xi32>], vector<16xf32>,
      %parallel_loop3A_476 = arith.addf %parallel_loop3A_469, %parallel_loop3A_475 : vector<16xf32>
      %parallel_loop3A_477 = arith.constant 5120 : i32
      %parallel_loop3A_478 = arith.addi %parallel_loop3A_477, %mul3A_111 : i32
      %parallel_loop3A_479 = arith.constant 16 : i32
      %parallel_loop3A_480 = arith.muli %parallel_loop3A_444, %parallel_loop3A_479 : i32
      %parallel_loop3A_481 = arith.addi %parallel_loop3A_478, %parallel_loop3A_480 : i32
      %parallel_loop3A_482 = arith.index_cast %parallel_loop3A_481 : i32 to index
      %parallel_loop3A_483 = tpu.vector_load %arg11[%parallel_loop3A_482] {strides = array<i32>} : memref<8192xf32, #tpu.memory_space<vmem>>, vector<16xf32>,
      tpu.vector_store %arg11[%parallel_loop3A_482], %parallel_loop3A_476 {strides = array<i32>} : memref<8192xf32, #tpu.memory_space<vmem>>, vector<16xf32>,
    } {sc.loop_unroll_factor = 8 : i64, sc.parallel_access}
    %parallel_loop3A_314 = arith.constant 0 : i32
    %parallel_loop3A_315 = arith.constant 8 : i32
    %parallel_loop3A_316 = arith.constant 1 : i32
    %parallel_loop3A_317 = arith.constant 1 : i32
    scf.for %parallel_loop3A_444 = %parallel_loop3A_314 to %parallel_loop3A_315 step %parallel_loop3A_316  : i32 {
      %parallel_loop3A_445 = arith.constant 16 : i32
      %parallel_loop3A_446 = arith.muli %parallel_loop3A_444, %parallel_loop3A_445 : i32
      %parallel_loop3A_447 = vector.broadcast %parallel_loop3A_446 : i32 to vector<16xi32>
      %parallel_loop3A_448 = arith.addi %parallel_loop3A_447, %iota3A : vector<16xi32>
      %parallel_loop3A_449 = arith.constant 0 : i32
      %parallel_loop3A_450 = arith.constant 0 : i32
      %parallel_loop3A_451 = tpu.memref_slice %arg6[%parallel_loop3A_317, %parallel_loop3A_449, %parallel_loop3A_450] : memref<2x128x4xi32, #tpu.memory_space<vmem>> -> memref<1x128x4xi32, #tpu.memory_space<vmem>>
      %parallel_loop3A_452 = tpu.memref_squeeze %parallel_loop3A_451 : memref<1x128x4xi32, #tpu.memory_space<vmem>> -> memref<128x4xi32, #tpu.memory_space<vmem>>
      %parallel_loop3A_453 = tpu.vector_load_idx %parallel_loop3A_452[%parallel_loop3A_448, %broadcast_in_dim3A_82] : memref<128x4xi32, #tpu.memory_space<vmem>>[vector<16xi32>, vector<16xi32>], vector<16xi32>,
      %parallel_loop3A_454 = tpu.vector_load_idx %arg7[%parallel_loop3A_453] : memref<512xf32, #tpu.memory_space<vmem>>[vector<16xi32>], vector<16xf32>,
      %parallel_loop3A_455 = arith.addf %broadcast_in_dim3A_80, %parallel_loop3A_454 : vector<16xf32>
      %parallel_loop3A_456 = arith.constant 0 : i32
      %parallel_loop3A_457 = arith.constant 0 : i32
      %parallel_loop3A_458 = tpu.memref_slice %arg6[%parallel_loop3A_317, %parallel_loop3A_456, %parallel_loop3A_457] : memref<2x128x4xi32, #tpu.memory_space<vmem>> -> memref<1x128x4xi32, #tpu.memory_space<vmem>>
      %parallel_loop3A_459 = tpu.memref_squeeze %parallel_loop3A_458 : memref<1x128x4xi32, #tpu.memory_space<vmem>> -> memref<128x4xi32, #tpu.memory_space<vmem>>
      %parallel_loop3A_460 = tpu.vector_load_idx %parallel_loop3A_459[%parallel_loop3A_448, %broadcast_in_dim3A_84] : memref<128x4xi32, #tpu.memory_space<vmem>>[vector<16xi32>, vector<16xi32>], vector<16xi32>,
      %parallel_loop3A_461 = tpu.vector_load_idx %arg8[%parallel_loop3A_460] : memref<512xf32, #tpu.memory_space<vmem>>[vector<16xi32>], vector<16xf32>,
      %parallel_loop3A_462 = arith.addf %parallel_loop3A_455, %parallel_loop3A_461 : vector<16xf32>
      %parallel_loop3A_463 = arith.constant 0 : i32
      %parallel_loop3A_464 = arith.constant 0 : i32
      %parallel_loop3A_465 = tpu.memref_slice %arg6[%parallel_loop3A_317, %parallel_loop3A_463, %parallel_loop3A_464] : memref<2x128x4xi32, #tpu.memory_space<vmem>> -> memref<1x128x4xi32, #tpu.memory_space<vmem>>
      %parallel_loop3A_466 = tpu.memref_squeeze %parallel_loop3A_465 : memref<1x128x4xi32, #tpu.memory_space<vmem>> -> memref<128x4xi32, #tpu.memory_space<vmem>>
      %parallel_loop3A_467 = tpu.vector_load_idx %parallel_loop3A_466[%parallel_loop3A_448, %broadcast_in_dim3A_86] : memref<128x4xi32, #tpu.memory_space<vmem>>[vector<16xi32>, vector<16xi32>], vector<16xi32>,
      %parallel_loop3A_468 = tpu.vector_load_idx %arg9[%parallel_loop3A_467] : memref<512xf32, #tpu.memory_space<vmem>>[vector<16xi32>], vector<16xf32>,
      %parallel_loop3A_469 = arith.addf %parallel_loop3A_462, %parallel_loop3A_468 : vector<16xf32>
      %parallel_loop3A_470 = arith.constant 0 : i32
      %parallel_loop3A_471 = arith.constant 0 : i32
      %parallel_loop3A_472 = tpu.memref_slice %arg6[%parallel_loop3A_317, %parallel_loop3A_470, %parallel_loop3A_471] : memref<2x128x4xi32, #tpu.memory_space<vmem>> -> memref<1x128x4xi32, #tpu.memory_space<vmem>>
      %parallel_loop3A_473 = tpu.memref_squeeze %parallel_loop3A_472 : memref<1x128x4xi32, #tpu.memory_space<vmem>> -> memref<128x4xi32, #tpu.memory_space<vmem>>
      %parallel_loop3A_474 = tpu.vector_load_idx %parallel_loop3A_473[%parallel_loop3A_448, %broadcast_in_dim3A_88] : memref<128x4xi32, #tpu.memory_space<vmem>>[vector<16xi32>, vector<16xi32>], vector<16xi32>,
      %parallel_loop3A_475 = tpu.vector_load_idx %arg10[%parallel_loop3A_474] : memref<512xf32, #tpu.memory_space<vmem>>[vector<16xi32>], vector<16xf32>,
      %parallel_loop3A_476 = arith.addf %parallel_loop3A_469, %parallel_loop3A_475 : vector<16xf32>
      %parallel_loop3A_477 = arith.constant 5632 : i32
      %parallel_loop3A_478 = arith.addi %parallel_loop3A_477, %mul3A_111 : i32
      %parallel_loop3A_479 = arith.constant 16 : i32
      %parallel_loop3A_480 = arith.muli %parallel_loop3A_444, %parallel_loop3A_479 : i32
      %parallel_loop3A_481 = arith.addi %parallel_loop3A_478, %parallel_loop3A_480 : i32
      %parallel_loop3A_482 = arith.index_cast %parallel_loop3A_481 : i32 to index
      %parallel_loop3A_483 = tpu.vector_load %arg11[%parallel_loop3A_482] {strides = array<i32>} : memref<8192xf32, #tpu.memory_space<vmem>>, vector<16xf32>,
      tpu.vector_store %arg11[%parallel_loop3A_482], %parallel_loop3A_476 {strides = array<i32>} : memref<8192xf32, #tpu.memory_space<vmem>>, vector<16xf32>,
    } {sc.loop_unroll_factor = 8 : i64, sc.parallel_access}
    %add3A_318 = arith.constant 14 : i32
    %add3A_319 = arith.addi %mul3A_32, %add3A_318 : i32
    %dma_start3A_320 = arith.constant 0 : i32
    %dma_start3A_321 = arith.constant 0 : i32
    %dma_start3A_322 = tpu.memref_slice %arg2[%select_n3A, %add3A_319, %dma_start3A_320, %dma_start3A_321] : memref<4x128x128x4xi32, #tpu.memory_space<hbm>> -> memref<1x2x128x4xi32, #tpu.memory_space<hbm>>
    %dma_start3A_323 = tpu.memref_squeeze %dma_start3A_322 : memref<1x2x128x4xi32, #tpu.memory_space<hbm>> -> memref<2x128x4xi32, #tpu.memory_space<hbm>>
    %dma_start3A_324 = arith.constant 0 : i32
    %dma_start3A_325 = arith.constant 0 : i32
    %dma_start3A_326 = tpu.memref_slice %arg2[%select_n3A, %add3A_319, %dma_start3A_324, %dma_start3A_325] : memref<4x128x128x4xi32, #tpu.memory_space<hbm>> -> memref<1x2x128x4xi32, #tpu.memory_space<hbm>>
    %dma_start3A_327 = tpu.memref_squeeze %dma_start3A_326 : memref<1x2x128x4xi32, #tpu.memory_space<hbm>> -> memref<2x128x4xi32, #tpu.memory_space<hbm>>
    tpu.enqueue_dma source(%dma_start3A_327 : memref<2x128x4xi32, #tpu.memory_space<hbm>>) target(%arg6 : memref<2x128x4xi32, #tpu.memory_space<vmem>>) target_semaphore(%arg13 : memref<!tpu.dma_semaphore, #tpu.memory_space<semaphore_mem>>)
    %mul3A_328 = arith.constant 16 : i32
    %mul3A_329 = arith.muli %add3A, %mul3A_328 : i32
    %add3A_330 = arith.constant 10 : i32
    %add3A_331 = arith.addi %mul3A_329, %add3A_330 : i32
    %mul3A_332 = arith.constant 512 : i32
    %mul3A_333 = arith.muli %add3A_331, %mul3A_332 : i32
    %dma_start3A_334 = arith.constant 5120 : i32
    %dma_start3A_335 = tpu.memref_slice %arg11[%dma_start3A_334] : memref<8192xf32, #tpu.memory_space<vmem>> -> memref<1024xf32, #tpu.memory_space<vmem>>
    %dma_start3A_336 = tpu.memref_slice %arg4[%mul3A_333] : memref<262144xf32, #tpu.memory_space<hbm>> -> memref<1024xf32, #tpu.memory_space<hbm>>
    %dma_start3A_337 = tpu.memref_slice %arg4[%mul3A_333] : memref<262144xf32, #tpu.memory_space<hbm>> -> memref<1024xf32, #tpu.memory_space<hbm>>
    %dma_start3A_338 = arith.constant 5120 : i32
    %dma_start3A_339 = tpu.memref_slice %arg11[%dma_start3A_338] : memref<8192xf32, #tpu.memory_space<vmem>> -> memref<1024xf32, #tpu.memory_space<vmem>>
    tpu.enqueue_dma source(%dma_start3A_339 : memref<1024xf32, #tpu.memory_space<vmem>>) target(%dma_start3A_337 : memref<1024xf32, #tpu.memory_space<hbm>>) target_semaphore(%arg15 : memref<!tpu.dma_semaphore, #tpu.memory_space<semaphore_mem>>)
    %dma_wait3A_340 = arith.constant 0 : i32
    %dma_wait3A_341 = arith.constant 0 : i32
    %dma_wait3A_342 = tpu.memref_slice %arg2[%select_n3A, %add3A_281, %dma_wait3A_340, %dma_wait3A_341] : memref<4x128x128x4xi32, #tpu.memory_space<hbm>> -> memref<1x2x128x4xi32, #tpu.memory_space<hbm>>
    %dma_wait3A_343 = tpu.memref_squeeze %dma_wait3A_342 : memref<1x2x128x4xi32, #tpu.memory_space<hbm>> -> memref<2x128x4xi32, #tpu.memory_space<hbm>>
    %dma_wait3A_344 = arith.constant 0 : i32
    %dma_wait3A_345 = arith.constant 0 : i32
    %dma_wait3A_346 = tpu.memref_slice %arg2[%select_n3A, %add3A_281, %dma_wait3A_344, %dma_wait3A_345] : memref<4x128x128x4xi32, #tpu.memory_space<hbm>> -> memref<1x2x128x4xi32, #tpu.memory_space<hbm>>
    %dma_wait3A_347 = tpu.memref_squeeze %dma_wait3A_346 : memref<1x2x128x4xi32, #tpu.memory_space<hbm>> -> memref<2x128x4xi32, #tpu.memory_space<hbm>>
    tpu.wait_dma2 semaphore(%arg12 : memref<!tpu.dma_semaphore, #tpu.memory_space<semaphore_mem>>) src(%dma_wait3A_347 : memref<2x128x4xi32, #tpu.memory_space<hbm>>) dst(%arg5 : memref<2x128x4xi32, #tpu.memory_space<vmem>>)
    %parallel_loop3A_348 = arith.constant 0 : i32
    %parallel_loop3A_349 = arith.constant 8 : i32
    %parallel_loop3A_350 = arith.constant 1 : i32
    %parallel_loop3A_351 = arith.constant 0 : i32
    scf.for %parallel_loop3A_444 = %parallel_loop3A_348 to %parallel_loop3A_349 step %parallel_loop3A_350  : i32 {
      %parallel_loop3A_445 = arith.constant 16 : i32
      %parallel_loop3A_446 = arith.muli %parallel_loop3A_444, %parallel_loop3A_445 : i32
      %parallel_loop3A_447 = vector.broadcast %parallel_loop3A_446 : i32 to vector<16xi32>
      %parallel_loop3A_448 = arith.addi %parallel_loop3A_447, %iota3A : vector<16xi32>
      %parallel_loop3A_449 = arith.constant 0 : i32
      %parallel_loop3A_450 = arith.constant 0 : i32
      %parallel_loop3A_451 = tpu.memref_slice %arg5[%parallel_loop3A_351, %parallel_loop3A_449, %parallel_loop3A_450] : memref<2x128x4xi32, #tpu.memory_space<vmem>> -> memref<1x128x4xi32, #tpu.memory_space<vmem>>
      %parallel_loop3A_452 = tpu.memref_squeeze %parallel_loop3A_451 : memref<1x128x4xi32, #tpu.memory_space<vmem>> -> memref<128x4xi32, #tpu.memory_space<vmem>>
      %parallel_loop3A_453 = tpu.vector_load_idx %parallel_loop3A_452[%parallel_loop3A_448, %broadcast_in_dim3A_82] : memref<128x4xi32, #tpu.memory_space<vmem>>[vector<16xi32>, vector<16xi32>], vector<16xi32>,
      %parallel_loop3A_454 = tpu.vector_load_idx %arg7[%parallel_loop3A_453] : memref<512xf32, #tpu.memory_space<vmem>>[vector<16xi32>], vector<16xf32>,
      %parallel_loop3A_455 = arith.addf %broadcast_in_dim3A_80, %parallel_loop3A_454 : vector<16xf32>
      %parallel_loop3A_456 = arith.constant 0 : i32
      %parallel_loop3A_457 = arith.constant 0 : i32
      %parallel_loop3A_458 = tpu.memref_slice %arg5[%parallel_loop3A_351, %parallel_loop3A_456, %parallel_loop3A_457] : memref<2x128x4xi32, #tpu.memory_space<vmem>> -> memref<1x128x4xi32, #tpu.memory_space<vmem>>
      %parallel_loop3A_459 = tpu.memref_squeeze %parallel_loop3A_458 : memref<1x128x4xi32, #tpu.memory_space<vmem>> -> memref<128x4xi32, #tpu.memory_space<vmem>>
      %parallel_loop3A_460 = tpu.vector_load_idx %parallel_loop3A_459[%parallel_loop3A_448, %broadcast_in_dim3A_84] : memref<128x4xi32, #tpu.memory_space<vmem>>[vector<16xi32>, vector<16xi32>], vector<16xi32>,
      %parallel_loop3A_461 = tpu.vector_load_idx %arg8[%parallel_loop3A_460] : memref<512xf32, #tpu.memory_space<vmem>>[vector<16xi32>], vector<16xf32>,
      %parallel_loop3A_462 = arith.addf %parallel_loop3A_455, %parallel_loop3A_461 : vector<16xf32>
      %parallel_loop3A_463 = arith.constant 0 : i32
      %parallel_loop3A_464 = arith.constant 0 : i32
      %parallel_loop3A_465 = tpu.memref_slice %arg5[%parallel_loop3A_351, %parallel_loop3A_463, %parallel_loop3A_464] : memref<2x128x4xi32, #tpu.memory_space<vmem>> -> memref<1x128x4xi32, #tpu.memory_space<vmem>>
      %parallel_loop3A_466 = tpu.memref_squeeze %parallel_loop3A_465 : memref<1x128x4xi32, #tpu.memory_space<vmem>> -> memref<128x4xi32, #tpu.memory_space<vmem>>
      %parallel_loop3A_467 = tpu.vector_load_idx %parallel_loop3A_466[%parallel_loop3A_448, %broadcast_in_dim3A_86] : memref<128x4xi32, #tpu.memory_space<vmem>>[vector<16xi32>, vector<16xi32>], vector<16xi32>,
      %parallel_loop3A_468 = tpu.vector_load_idx %arg9[%parallel_loop3A_467] : memref<512xf32, #tpu.memory_space<vmem>>[vector<16xi32>], vector<16xf32>,
      %parallel_loop3A_469 = arith.addf %parallel_loop3A_462, %parallel_loop3A_468 : vector<16xf32>
      %parallel_loop3A_470 = arith.constant 0 : i32
      %parallel_loop3A_471 = arith.constant 0 : i32
      %parallel_loop3A_472 = tpu.memref_slice %arg5[%parallel_loop3A_351, %parallel_loop3A_470, %parallel_loop3A_471] : memref<2x128x4xi32, #tpu.memory_space<vmem>> -> memref<1x128x4xi32, #tpu.memory_space<vmem>>
      %parallel_loop3A_473 = tpu.memref_squeeze %parallel_loop3A_472 : memref<1x128x4xi32, #tpu.memory_space<vmem>> -> memref<128x4xi32, #tpu.memory_space<vmem>>
      %parallel_loop3A_474 = tpu.vector_load_idx %parallel_loop3A_473[%parallel_loop3A_448, %broadcast_in_dim3A_88] : memref<128x4xi32, #tpu.memory_space<vmem>>[vector<16xi32>, vector<16xi32>], vector<16xi32>,
      %parallel_loop3A_475 = tpu.vector_load_idx %arg10[%parallel_loop3A_474] : memref<512xf32, #tpu.memory_space<vmem>>[vector<16xi32>], vector<16xf32>,
      %parallel_loop3A_476 = arith.addf %parallel_loop3A_469, %parallel_loop3A_475 : vector<16xf32>
      %parallel_loop3A_477 = arith.constant 6144 : i32
      %parallel_loop3A_478 = arith.addi %parallel_loop3A_477, %mul3A_111 : i32
      %parallel_loop3A_479 = arith.constant 16 : i32
      %parallel_loop3A_480 = arith.muli %parallel_loop3A_444, %parallel_loop3A_479 : i32
      %parallel_loop3A_481 = arith.addi %parallel_loop3A_478, %parallel_loop3A_480 : i32
      %parallel_loop3A_482 = arith.index_cast %parallel_loop3A_481 : i32 to index
      %parallel_loop3A_483 = tpu.vector_load %arg11[%parallel_loop3A_482] {strides = array<i32>} : memref<8192xf32, #tpu.memory_space<vmem>>, vector<16xf32>,
      tpu.vector_store %arg11[%parallel_loop3A_482], %parallel_loop3A_476 {strides = array<i32>} : memref<8192xf32, #tpu.memory_space<vmem>>, vector<16xf32>,
    } {sc.loop_unroll_factor = 8 : i64, sc.parallel_access}
    %parallel_loop3A_352 = arith.constant 0 : i32
    %parallel_loop3A_353 = arith.constant 8 : i32
    %parallel_loop3A_354 = arith.constant 1 : i32
    %parallel_loop3A_355 = arith.constant 1 : i32
    scf.for %parallel_loop3A_444 = %parallel_loop3A_352 to %parallel_loop3A_353 step %parallel_loop3A_354  : i32 {
      %parallel_loop3A_445 = arith.constant 16 : i32
      %parallel_loop3A_446 = arith.muli %parallel_loop3A_444, %parallel_loop3A_445 : i32
      %parallel_loop3A_447 = vector.broadcast %parallel_loop3A_446 : i32 to vector<16xi32>
      %parallel_loop3A_448 = arith.addi %parallel_loop3A_447, %iota3A : vector<16xi32>
      %parallel_loop3A_449 = arith.constant 0 : i32
      %parallel_loop3A_450 = arith.constant 0 : i32
      %parallel_loop3A_451 = tpu.memref_slice %arg5[%parallel_loop3A_355, %parallel_loop3A_449, %parallel_loop3A_450] : memref<2x128x4xi32, #tpu.memory_space<vmem>> -> memref<1x128x4xi32, #tpu.memory_space<vmem>>
      %parallel_loop3A_452 = tpu.memref_squeeze %parallel_loop3A_451 : memref<1x128x4xi32, #tpu.memory_space<vmem>> -> memref<128x4xi32, #tpu.memory_space<vmem>>
      %parallel_loop3A_453 = tpu.vector_load_idx %parallel_loop3A_452[%parallel_loop3A_448, %broadcast_in_dim3A_82] : memref<128x4xi32, #tpu.memory_space<vmem>>[vector<16xi32>, vector<16xi32>], vector<16xi32>,
      %parallel_loop3A_454 = tpu.vector_load_idx %arg7[%parallel_loop3A_453] : memref<512xf32, #tpu.memory_space<vmem>>[vector<16xi32>], vector<16xf32>,
      %parallel_loop3A_455 = arith.addf %broadcast_in_dim3A_80, %parallel_loop3A_454 : vector<16xf32>
      %parallel_loop3A_456 = arith.constant 0 : i32
      %parallel_loop3A_457 = arith.constant 0 : i32
      %parallel_loop3A_458 = tpu.memref_slice %arg5[%parallel_loop3A_355, %parallel_loop3A_456, %parallel_loop3A_457] : memref<2x128x4xi32, #tpu.memory_space<vmem>> -> memref<1x128x4xi32, #tpu.memory_space<vmem>>
      %parallel_loop3A_459 = tpu.memref_squeeze %parallel_loop3A_458 : memref<1x128x4xi32, #tpu.memory_space<vmem>> -> memref<128x4xi32, #tpu.memory_space<vmem>>
      %parallel_loop3A_460 = tpu.vector_load_idx %parallel_loop3A_459[%parallel_loop3A_448, %broadcast_in_dim3A_84] : memref<128x4xi32, #tpu.memory_space<vmem>>[vector<16xi32>, vector<16xi32>], vector<16xi32>,
      %parallel_loop3A_461 = tpu.vector_load_idx %arg8[%parallel_loop3A_460] : memref<512xf32, #tpu.memory_space<vmem>>[vector<16xi32>], vector<16xf32>,
      %parallel_loop3A_462 = arith.addf %parallel_loop3A_455, %parallel_loop3A_461 : vector<16xf32>
      %parallel_loop3A_463 = arith.constant 0 : i32
      %parallel_loop3A_464 = arith.constant 0 : i32
      %parallel_loop3A_465 = tpu.memref_slice %arg5[%parallel_loop3A_355, %parallel_loop3A_463, %parallel_loop3A_464] : memref<2x128x4xi32, #tpu.memory_space<vmem>> -> memref<1x128x4xi32, #tpu.memory_space<vmem>>
      %parallel_loop3A_466 = tpu.memref_squeeze %parallel_loop3A_465 : memref<1x128x4xi32, #tpu.memory_space<vmem>> -> memref<128x4xi32, #tpu.memory_space<vmem>>
      %parallel_loop3A_467 = tpu.vector_load_idx %parallel_loop3A_466[%parallel_loop3A_448, %broadcast_in_dim3A_86] : memref<128x4xi32, #tpu.memory_space<vmem>>[vector<16xi32>, vector<16xi32>], vector<16xi32>,
      %parallel_loop3A_468 = tpu.vector_load_idx %arg9[%parallel_loop3A_467] : memref<512xf32, #tpu.memory_space<vmem>>[vector<16xi32>], vector<16xf32>,
      %parallel_loop3A_469 = arith.addf %parallel_loop3A_462, %parallel_loop3A_468 : vector<16xf32>
      %parallel_loop3A_470 = arith.constant 0 : i32
      %parallel_loop3A_471 = arith.constant 0 : i32
      %parallel_loop3A_472 = tpu.memref_slice %arg5[%parallel_loop3A_355, %parallel_loop3A_470, %parallel_loop3A_471] : memref<2x128x4xi32, #tpu.memory_space<vmem>> -> memref<1x128x4xi32, #tpu.memory_space<vmem>>
      %parallel_loop3A_473 = tpu.memref_squeeze %parallel_loop3A_472 : memref<1x128x4xi32, #tpu.memory_space<vmem>> -> memref<128x4xi32, #tpu.memory_space<vmem>>
      %parallel_loop3A_474 = tpu.vector_load_idx %parallel_loop3A_473[%parallel_loop3A_448, %broadcast_in_dim3A_88] : memref<128x4xi32, #tpu.memory_space<vmem>>[vector<16xi32>, vector<16xi32>], vector<16xi32>,
      %parallel_loop3A_475 = tpu.vector_load_idx %arg10[%parallel_loop3A_474] : memref<512xf32, #tpu.memory_space<vmem>>[vector<16xi32>], vector<16xf32>,
      %parallel_loop3A_476 = arith.addf %parallel_loop3A_469, %parallel_loop3A_475 : vector<16xf32>
      %parallel_loop3A_477 = arith.constant 6656 : i32
      %parallel_loop3A_478 = arith.addi %parallel_loop3A_477, %mul3A_111 : i32
      %parallel_loop3A_479 = arith.constant 16 : i32
      %parallel_loop3A_480 = arith.muli %parallel_loop3A_444, %parallel_loop3A_479 : i32
      %parallel_loop3A_481 = arith.addi %parallel_loop3A_478, %parallel_loop3A_480 : i32
      %parallel_loop3A_482 = arith.index_cast %parallel_loop3A_481 : i32 to index
      %parallel_loop3A_483 = tpu.vector_load %arg11[%parallel_loop3A_482] {strides = array<i32>} : memref<8192xf32, #tpu.memory_space<vmem>>, vector<16xf32>,
      tpu.vector_store %arg11[%parallel_loop3A_482], %parallel_loop3A_476 {strides = array<i32>} : memref<8192xf32, #tpu.memory_space<vmem>>, vector<16xf32>,
    } {sc.loop_unroll_factor = 8 : i64, sc.parallel_access}
    %mul3A_356 = arith.constant 16 : i32
    %mul3A_357 = arith.muli %add3A, %mul3A_356 : i32
    %add3A_358 = arith.constant 12 : i32
    %add3A_359 = arith.addi %mul3A_357, %add3A_358 : i32
    %mul3A_360 = arith.constant 512 : i32
    %mul3A_361 = arith.muli %add3A_359, %mul3A_360 : i32
    %dma_start3A_362 = arith.constant 6144 : i32
    %dma_start3A_363 = tpu.memref_slice %arg11[%dma_start3A_362] : memref<8192xf32, #tpu.memory_space<vmem>> -> memref<1024xf32, #tpu.memory_space<vmem>>
    %dma_start3A_364 = tpu.memref_slice %arg4[%mul3A_361] : memref<262144xf32, #tpu.memory_space<hbm>> -> memref<1024xf32, #tpu.memory_space<hbm>>
    %dma_start3A_365 = tpu.memref_slice %arg4[%mul3A_361] : memref<262144xf32, #tpu.memory_space<hbm>> -> memref<1024xf32, #tpu.memory_space<hbm>>
    %dma_start3A_366 = arith.constant 6144 : i32
    %dma_start3A_367 = tpu.memref_slice %arg11[%dma_start3A_366] : memref<8192xf32, #tpu.memory_space<vmem>> -> memref<1024xf32, #tpu.memory_space<vmem>>
    tpu.enqueue_dma source(%dma_start3A_367 : memref<1024xf32, #tpu.memory_space<vmem>>) target(%dma_start3A_365 : memref<1024xf32, #tpu.memory_space<hbm>>) target_semaphore(%arg15 : memref<!tpu.dma_semaphore, #tpu.memory_space<semaphore_mem>>)
    %dma_wait3A_368 = arith.constant 0 : i32
    %dma_wait3A_369 = arith.constant 0 : i32
    %dma_wait3A_370 = tpu.memref_slice %arg2[%select_n3A, %add3A_319, %dma_wait3A_368, %dma_wait3A_369] : memref<4x128x128x4xi32, #tpu.memory_space<hbm>> -> memref<1x2x128x4xi32, #tpu.memory_space<hbm>>
    %dma_wait3A_371 = tpu.memref_squeeze %dma_wait3A_370 : memref<1x2x128x4xi32, #tpu.memory_space<hbm>> -> memref<2x128x4xi32, #tpu.memory_space<hbm>>
    %dma_wait3A_372 = arith.constant 0 : i32
    %dma_wait3A_373 = arith.constant 0 : i32
    %dma_wait3A_374 = tpu.memref_slice %arg2[%select_n3A, %add3A_319, %dma_wait3A_372, %dma_wait3A_373] : memref<4x128x128x4xi32, #tpu.memory_space<hbm>> -> memref<1x2x128x4xi32, #tpu.memory_space<hbm>>
    %dma_wait3A_375 = tpu.memref_squeeze %dma_wait3A_374 : memref<1x2x128x4xi32, #tpu.memory_space<hbm>> -> memref<2x128x4xi32, #tpu.memory_space<hbm>>
    tpu.wait_dma2 semaphore(%arg13 : memref<!tpu.dma_semaphore, #tpu.memory_space<semaphore_mem>>) src(%dma_wait3A_375 : memref<2x128x4xi32, #tpu.memory_space<hbm>>) dst(%arg6 : memref<2x128x4xi32, #tpu.memory_space<vmem>>)
    %parallel_loop3A_376 = arith.constant 0 : i32
    %parallel_loop3A_377 = arith.constant 8 : i32
    %parallel_loop3A_378 = arith.constant 1 : i32
    %parallel_loop3A_379 = arith.constant 0 : i32
    scf.for %parallel_loop3A_444 = %parallel_loop3A_376 to %parallel_loop3A_377 step %parallel_loop3A_378  : i32 {
      %parallel_loop3A_445 = arith.constant 16 : i32
      %parallel_loop3A_446 = arith.muli %parallel_loop3A_444, %parallel_loop3A_445 : i32
      %parallel_loop3A_447 = vector.broadcast %parallel_loop3A_446 : i32 to vector<16xi32>
      %parallel_loop3A_448 = arith.addi %parallel_loop3A_447, %iota3A : vector<16xi32>
      %parallel_loop3A_449 = arith.constant 0 : i32
      %parallel_loop3A_450 = arith.constant 0 : i32
      %parallel_loop3A_451 = tpu.memref_slice %arg6[%parallel_loop3A_379, %parallel_loop3A_449, %parallel_loop3A_450] : memref<2x128x4xi32, #tpu.memory_space<vmem>> -> memref<1x128x4xi32, #tpu.memory_space<vmem>>
      %parallel_loop3A_452 = tpu.memref_squeeze %parallel_loop3A_451 : memref<1x128x4xi32, #tpu.memory_space<vmem>> -> memref<128x4xi32, #tpu.memory_space<vmem>>
      %parallel_loop3A_453 = tpu.vector_load_idx %parallel_loop3A_452[%parallel_loop3A_448, %broadcast_in_dim3A_82] : memref<128x4xi32, #tpu.memory_space<vmem>>[vector<16xi32>, vector<16xi32>], vector<16xi32>,
      %parallel_loop3A_454 = tpu.vector_load_idx %arg7[%parallel_loop3A_453] : memref<512xf32, #tpu.memory_space<vmem>>[vector<16xi32>], vector<16xf32>,
      %parallel_loop3A_455 = arith.addf %broadcast_in_dim3A_80, %parallel_loop3A_454 : vector<16xf32>
      %parallel_loop3A_456 = arith.constant 0 : i32
      %parallel_loop3A_457 = arith.constant 0 : i32
      %parallel_loop3A_458 = tpu.memref_slice %arg6[%parallel_loop3A_379, %parallel_loop3A_456, %parallel_loop3A_457] : memref<2x128x4xi32, #tpu.memory_space<vmem>> -> memref<1x128x4xi32, #tpu.memory_space<vmem>>
      %parallel_loop3A_459 = tpu.memref_squeeze %parallel_loop3A_458 : memref<1x128x4xi32, #tpu.memory_space<vmem>> -> memref<128x4xi32, #tpu.memory_space<vmem>>
      %parallel_loop3A_460 = tpu.vector_load_idx %parallel_loop3A_459[%parallel_loop3A_448, %broadcast_in_dim3A_84] : memref<128x4xi32, #tpu.memory_space<vmem>>[vector<16xi32>, vector<16xi32>], vector<16xi32>,
      %parallel_loop3A_461 = tpu.vector_load_idx %arg8[%parallel_loop3A_460] : memref<512xf32, #tpu.memory_space<vmem>>[vector<16xi32>], vector<16xf32>,
      %parallel_loop3A_462 = arith.addf %parallel_loop3A_455, %parallel_loop3A_461 : vector<16xf32>
      %parallel_loop3A_463 = arith.constant 0 : i32
      %parallel_loop3A_464 = arith.constant 0 : i32
      %parallel_loop3A_465 = tpu.memref_slice %arg6[%parallel_loop3A_379, %parallel_loop3A_463, %parallel_loop3A_464] : memref<2x128x4xi32, #tpu.memory_space<vmem>> -> memref<1x128x4xi32, #tpu.memory_space<vmem>>
      %parallel_loop3A_466 = tpu.memref_squeeze %parallel_loop3A_465 : memref<1x128x4xi32, #tpu.memory_space<vmem>> -> memref<128x4xi32, #tpu.memory_space<vmem>>
      %parallel_loop3A_467 = tpu.vector_load_idx %parallel_loop3A_466[%parallel_loop3A_448, %broadcast_in_dim3A_86] : memref<128x4xi32, #tpu.memory_space<vmem>>[vector<16xi32>, vector<16xi32>], vector<16xi32>,
      %parallel_loop3A_468 = tpu.vector_load_idx %arg9[%parallel_loop3A_467] : memref<512xf32, #tpu.memory_space<vmem>>[vector<16xi32>], vector<16xf32>,
      %parallel_loop3A_469 = arith.addf %parallel_loop3A_462, %parallel_loop3A_468 : vector<16xf32>
      %parallel_loop3A_470 = arith.constant 0 : i32
      %parallel_loop3A_471 = arith.constant 0 : i32
      %parallel_loop3A_472 = tpu.memref_slice %arg6[%parallel_loop3A_379, %parallel_loop3A_470, %parallel_loop3A_471] : memref<2x128x4xi32, #tpu.memory_space<vmem>> -> memref<1x128x4xi32, #tpu.memory_space<vmem>>
      %parallel_loop3A_473 = tpu.memref_squeeze %parallel_loop3A_472 : memref<1x128x4xi32, #tpu.memory_space<vmem>> -> memref<128x4xi32, #tpu.memory_space<vmem>>
      %parallel_loop3A_474 = tpu.vector_load_idx %parallel_loop3A_473[%parallel_loop3A_448, %broadcast_in_dim3A_88] : memref<128x4xi32, #tpu.memory_space<vmem>>[vector<16xi32>, vector<16xi32>], vector<16xi32>,
      %parallel_loop3A_475 = tpu.vector_load_idx %arg10[%parallel_loop3A_474] : memref<512xf32, #tpu.memory_space<vmem>>[vector<16xi32>], vector<16xf32>,
      %parallel_loop3A_476 = arith.addf %parallel_loop3A_469, %parallel_loop3A_475 : vector<16xf32>
      %parallel_loop3A_477 = arith.constant 7168 : i32
      %parallel_loop3A_478 = arith.addi %parallel_loop3A_477, %mul3A_111 : i32
      %parallel_loop3A_479 = arith.constant 16 : i32
      %parallel_loop3A_480 = arith.muli %parallel_loop3A_444, %parallel_loop3A_479 : i32
      %parallel_loop3A_481 = arith.addi %parallel_loop3A_478, %parallel_loop3A_480 : i32
      %parallel_loop3A_482 = arith.index_cast %parallel_loop3A_481 : i32 to index
      %parallel_loop3A_483 = tpu.vector_load %arg11[%parallel_loop3A_482] {strides = array<i32>} : memref<8192xf32, #tpu.memory_space<vmem>>, vector<16xf32>,
      tpu.vector_store %arg11[%parallel_loop3A_482], %parallel_loop3A_476 {strides = array<i32>} : memref<8192xf32, #tpu.memory_space<vmem>>, vector<16xf32>,
    } {sc.loop_unroll_factor = 8 : i64, sc.parallel_access}
    %parallel_loop3A_380 = arith.constant 0 : i32
    %parallel_loop3A_381 = arith.constant 8 : i32
    %parallel_loop3A_382 = arith.constant 1 : i32
    %parallel_loop3A_383 = arith.constant 1 : i32
    scf.for %parallel_loop3A_444 = %parallel_loop3A_380 to %parallel_loop3A_381 step %parallel_loop3A_382  : i32 {
      %parallel_loop3A_445 = arith.constant 16 : i32
      %parallel_loop3A_446 = arith.muli %parallel_loop3A_444, %parallel_loop3A_445 : i32
      %parallel_loop3A_447 = vector.broadcast %parallel_loop3A_446 : i32 to vector<16xi32>
      %parallel_loop3A_448 = arith.addi %parallel_loop3A_447, %iota3A : vector<16xi32>
      %parallel_loop3A_449 = arith.constant 0 : i32
      %parallel_loop3A_450 = arith.constant 0 : i32
      %parallel_loop3A_451 = tpu.memref_slice %arg6[%parallel_loop3A_383, %parallel_loop3A_449, %parallel_loop3A_450] : memref<2x128x4xi32, #tpu.memory_space<vmem>> -> memref<1x128x4xi32, #tpu.memory_space<vmem>>
      %parallel_loop3A_452 = tpu.memref_squeeze %parallel_loop3A_451 : memref<1x128x4xi32, #tpu.memory_space<vmem>> -> memref<128x4xi32, #tpu.memory_space<vmem>>
      %parallel_loop3A_453 = tpu.vector_load_idx %parallel_loop3A_452[%parallel_loop3A_448, %broadcast_in_dim3A_82] : memref<128x4xi32, #tpu.memory_space<vmem>>[vector<16xi32>, vector<16xi32>], vector<16xi32>,
      %parallel_loop3A_454 = tpu.vector_load_idx %arg7[%parallel_loop3A_453] : memref<512xf32, #tpu.memory_space<vmem>>[vector<16xi32>], vector<16xf32>,
      %parallel_loop3A_455 = arith.addf %broadcast_in_dim3A_80, %parallel_loop3A_454 : vector<16xf32>
      %parallel_loop3A_456 = arith.constant 0 : i32
      %parallel_loop3A_457 = arith.constant 0 : i32
      %parallel_loop3A_458 = tpu.memref_slice %arg6[%parallel_loop3A_383, %parallel_loop3A_456, %parallel_loop3A_457] : memref<2x128x4xi32, #tpu.memory_space<vmem>> -> memref<1x128x4xi32, #tpu.memory_space<vmem>>
      %parallel_loop3A_459 = tpu.memref_squeeze %parallel_loop3A_458 : memref<1x128x4xi32, #tpu.memory_space<vmem>> -> memref<128x4xi32, #tpu.memory_space<vmem>>
      %parallel_loop3A_460 = tpu.vector_load_idx %parallel_loop3A_459[%parallel_loop3A_448, %broadcast_in_dim3A_84] : memref<128x4xi32, #tpu.memory_space<vmem>>[vector<16xi32>, vector<16xi32>], vector<16xi32>,
      %parallel_loop3A_461 = tpu.vector_load_idx %arg8[%parallel_loop3A_460] : memref<512xf32, #tpu.memory_space<vmem>>[vector<16xi32>], vector<16xf32>,
      %parallel_loop3A_462 = arith.addf %parallel_loop3A_455, %parallel_loop3A_461 : vector<16xf32>
      %parallel_loop3A_463 = arith.constant 0 : i32
      %parallel_loop3A_464 = arith.constant 0 : i32
      %parallel_loop3A_465 = tpu.memref_slice %arg6[%parallel_loop3A_383, %parallel_loop3A_463, %parallel_loop3A_464] : memref<2x128x4xi32, #tpu.memory_space<vmem>> -> memref<1x128x4xi32, #tpu.memory_space<vmem>>
      %parallel_loop3A_466 = tpu.memref_squeeze %parallel_loop3A_465 : memref<1x128x4xi32, #tpu.memory_space<vmem>> -> memref<128x4xi32, #tpu.memory_space<vmem>>
      %parallel_loop3A_467 = tpu.vector_load_idx %parallel_loop3A_466[%parallel_loop3A_448, %broadcast_in_dim3A_86] : memref<128x4xi32, #tpu.memory_space<vmem>>[vector<16xi32>, vector<16xi32>], vector<16xi32>,
      %parallel_loop3A_468 = tpu.vector_load_idx %arg9[%parallel_loop3A_467] : memref<512xf32, #tpu.memory_space<vmem>>[vector<16xi32>], vector<16xf32>,
      %parallel_loop3A_469 = arith.addf %parallel_loop3A_462, %parallel_loop3A_468 : vector<16xf32>
      %parallel_loop3A_470 = arith.constant 0 : i32
      %parallel_loop3A_471 = arith.constant 0 : i32
      %parallel_loop3A_472 = tpu.memref_slice %arg6[%parallel_loop3A_383, %parallel_loop3A_470, %parallel_loop3A_471] : memref<2x128x4xi32, #tpu.memory_space<vmem>> -> memref<1x128x4xi32, #tpu.memory_space<vmem>>
      %parallel_loop3A_473 = tpu.memref_squeeze %parallel_loop3A_472 : memref<1x128x4xi32, #tpu.memory_space<vmem>> -> memref<128x4xi32, #tpu.memory_space<vmem>>
      %parallel_loop3A_474 = tpu.vector_load_idx %parallel_loop3A_473[%parallel_loop3A_448, %broadcast_in_dim3A_88] : memref<128x4xi32, #tpu.memory_space<vmem>>[vector<16xi32>, vector<16xi32>], vector<16xi32>,
      %parallel_loop3A_475 = tpu.vector_load_idx %arg10[%parallel_loop3A_474] : memref<512xf32, #tpu.memory_space<vmem>>[vector<16xi32>], vector<16xf32>,
      %parallel_loop3A_476 = arith.addf %parallel_loop3A_469, %parallel_loop3A_475 : vector<16xf32>
      %parallel_loop3A_477 = arith.constant 7680 : i32
      %parallel_loop3A_478 = arith.addi %parallel_loop3A_477, %mul3A_111 : i32
      %parallel_loop3A_479 = arith.constant 16 : i32
      %parallel_loop3A_480 = arith.muli %parallel_loop3A_444, %parallel_loop3A_479 : i32
      %parallel_loop3A_481 = arith.addi %parallel_loop3A_478, %parallel_loop3A_480 : i32
      %parallel_loop3A_482 = arith.index_cast %parallel_loop3A_481 : i32 to index
      %parallel_loop3A_483 = tpu.vector_load %arg11[%parallel_loop3A_482] {strides = array<i32>} : memref<8192xf32, #tpu.memory_space<vmem>>, vector<16xf32>,
      tpu.vector_store %arg11[%parallel_loop3A_482], %parallel_loop3A_476 {strides = array<i32>} : memref<8192xf32, #tpu.memory_space<vmem>>, vector<16xf32>,
    } {sc.loop_unroll_factor = 8 : i64, sc.parallel_access}
    %mul3A_384 = arith.constant 16 : i32
    %mul3A_385 = arith.muli %add3A, %mul3A_384 : i32
    %add3A_386 = arith.constant 14 : i32
    %add3A_387 = arith.addi %mul3A_385, %add3A_386 : i32
    %mul3A_388 = arith.constant 512 : i32
    %mul3A_389 = arith.muli %add3A_387, %mul3A_388 : i32
    %dma_start3A_390 = arith.constant 7168 : i32
    %dma_start3A_391 = tpu.memref_slice %arg11[%dma_start3A_390] : memref<8192xf32, #tpu.memory_space<vmem>> -> memref<1024xf32, #tpu.memory_space<vmem>>
    %dma_start3A_392 = tpu.memref_slice %arg4[%mul3A_389] : memref<262144xf32, #tpu.memory_space<hbm>> -> memref<1024xf32, #tpu.memory_space<hbm>>
    %dma_start3A_393 = tpu.memref_slice %arg4[%mul3A_389] : memref<262144xf32, #tpu.memory_space<hbm>> -> memref<1024xf32, #tpu.memory_space<hbm>>
    %dma_start3A_394 = arith.constant 7168 : i32
    %dma_start3A_395 = tpu.memref_slice %arg11[%dma_start3A_394] : memref<8192xf32, #tpu.memory_space<vmem>> -> memref<1024xf32, #tpu.memory_space<vmem>>
    tpu.enqueue_dma source(%dma_start3A_395 : memref<1024xf32, #tpu.memory_space<vmem>>) target(%dma_start3A_393 : memref<1024xf32, #tpu.memory_space<hbm>>) target_semaphore(%arg15 : memref<!tpu.dma_semaphore, #tpu.memory_space<semaphore_mem>>)
    %dma_wait3A_396 = arith.constant 0 : i32
    %dma_wait3A_397 = tpu.memref_slice %arg11[%dma_wait3A_396] : memref<8192xf32, #tpu.memory_space<vmem>> -> memref<1024xf32, #tpu.memory_space<vmem>>
    %dma_wait3A_398 = tpu.memref_slice %arg4[%mul3A_143] : memref<262144xf32, #tpu.memory_space<hbm>> -> memref<1024xf32, #tpu.memory_space<hbm>>
    %dma_wait3A_399 = tpu.memref_slice %arg4[%mul3A_143] : memref<262144xf32, #tpu.memory_space<hbm>> -> memref<1024xf32, #tpu.memory_space<hbm>>
    %dma_wait3A_400 = arith.constant 0 : i32
    %dma_wait3A_401 = tpu.memref_slice %arg11[%dma_wait3A_400] : memref<8192xf32, #tpu.memory_space<vmem>> -> memref<1024xf32, #tpu.memory_space<vmem>>
    tpu.wait_dma2 semaphore(%arg15 : memref<!tpu.dma_semaphore, #tpu.memory_space<semaphore_mem>>) src(%dma_wait3A_401 : memref<1024xf32, #tpu.memory_space<vmem>>) dst(%dma_wait3A_399 : memref<1024xf32, #tpu.memory_space<hbm>>)
    %dma_wait3A_402 = arith.constant 1024 : i32
    %dma_wait3A_403 = tpu.memref_slice %arg11[%dma_wait3A_402] : memref<8192xf32, #tpu.memory_space<vmem>> -> memref<1024xf32, #tpu.memory_space<vmem>>
    %dma_wait3A_404 = tpu.memref_slice %arg4[%mul3A_181] : memref<262144xf32, #tpu.memory_space<hbm>> -> memref<1024xf32, #tpu.memory_space<hbm>>
    %dma_wait3A_405 = tpu.memref_slice %arg4[%mul3A_181] : memref<262144xf32, #tpu.memory_space<hbm>> -> memref<1024xf32, #tpu.memory_space<hbm>>
    %dma_wait3A_406 = arith.constant 1024 : i32
    %dma_wait3A_407 = tpu.memref_slice %arg11[%dma_wait3A_406] : memref<8192xf32, #tpu.memory_space<vmem>> -> memref<1024xf32, #tpu.memory_space<vmem>>
    tpu.wait_dma2 semaphore(%arg15 : memref<!tpu.dma_semaphore, #tpu.memory_space<semaphore_mem>>) src(%dma_wait3A_407 : memref<1024xf32, #tpu.memory_space<vmem>>) dst(%dma_wait3A_405 : memref<1024xf32, #tpu.memory_space<hbm>>)
    %dma_wait3A_408 = arith.constant 2048 : i32
    %dma_wait3A_409 = tpu.memref_slice %arg11[%dma_wait3A_408] : memref<8192xf32, #tpu.memory_space<vmem>> -> memref<1024xf32, #tpu.memory_space<vmem>>
    %dma_wait3A_410 = tpu.memref_slice %arg4[%mul3A_219] : memref<262144xf32, #tpu.memory_space<hbm>> -> memref<1024xf32, #tpu.memory_space<hbm>>
    %dma_wait3A_411 = tpu.memref_slice %arg4[%mul3A_219] : memref<262144xf32, #tpu.memory_space<hbm>> -> memref<1024xf32, #tpu.memory_space<hbm>>
    %dma_wait3A_412 = arith.constant 2048 : i32
    %dma_wait3A_413 = tpu.memref_slice %arg11[%dma_wait3A_412] : memref<8192xf32, #tpu.memory_space<vmem>> -> memref<1024xf32, #tpu.memory_space<vmem>>
    tpu.wait_dma2 semaphore(%arg15 : memref<!tpu.dma_semaphore, #tpu.memory_space<semaphore_mem>>) src(%dma_wait3A_413 : memref<1024xf32, #tpu.memory_space<vmem>>) dst(%dma_wait3A_411 : memref<1024xf32, #tpu.memory_space<hbm>>)
    %dma_wait3A_414 = arith.constant 3072 : i32
    %dma_wait3A_415 = tpu.memref_slice %arg11[%dma_wait3A_414] : memref<8192xf32, #tpu.memory_space<vmem>> -> memref<1024xf32, #tpu.memory_space<vmem>>
    %dma_wait3A_416 = tpu.memref_slice %arg4[%mul3A_257] : memref<262144xf32, #tpu.memory_space<hbm>> -> memref<1024xf32, #tpu.memory_space<hbm>>
    %dma_wait3A_417 = tpu.memref_slice %arg4[%mul3A_257] : memref<262144xf32, #tpu.memory_space<hbm>> -> memref<1024xf32, #tpu.memory_space<hbm>>
    %dma_wait3A_418 = arith.constant 3072 : i32
    %dma_wait3A_419 = tpu.memref_slice %arg11[%dma_wait3A_418] : memref<8192xf32, #tpu.memory_space<vmem>> -> memref<1024xf32, #tpu.memory_space<vmem>>
    tpu.wait_dma2 semaphore(%arg15 : memref<!tpu.dma_semaphore, #tpu.memory_space<semaphore_mem>>) src(%dma_wait3A_419 : memref<1024xf32, #tpu.memory_space<vmem>>) dst(%dma_wait3A_417 : memref<1024xf32, #tpu.memory_space<hbm>>)
    %dma_wait3A_420 = arith.constant 4096 : i32
    %dma_wait3A_421 = tpu.memref_slice %arg11[%dma_wait3A_420] : memref<8192xf32, #tpu.memory_space<vmem>> -> memref<1024xf32, #tpu.memory_space<vmem>>
    %dma_wait3A_422 = tpu.memref_slice %arg4[%mul3A_295] : memref<262144xf32, #tpu.memory_space<hbm>> -> memref<1024xf32, #tpu.memory_space<hbm>>
    %dma_wait3A_423 = tpu.memref_slice %arg4[%mul3A_295] : memref<262144xf32, #tpu.memory_space<hbm>> -> memref<1024xf32, #tpu.memory_space<hbm>>
    %dma_wait3A_424 = arith.constant 4096 : i32
    %dma_wait3A_425 = tpu.memref_slice %arg11[%dma_wait3A_424] : memref<8192xf32, #tpu.memory_space<vmem>> -> memref<1024xf32, #tpu.memory_space<vmem>>
    tpu.wait_dma2 semaphore(%arg15 : memref<!tpu.dma_semaphore, #tpu.memory_space<semaphore_mem>>) src(%dma_wait3A_425 : memref<1024xf32, #tpu.memory_space<vmem>>) dst(%dma_wait3A_423 : memref<1024xf32, #tpu.memory_space<hbm>>)
    %dma_wait3A_426 = arith.constant 5120 : i32
    %dma_wait3A_427 = tpu.memref_slice %arg11[%dma_wait3A_426] : memref<8192xf32, #tpu.memory_space<vmem>> -> memref<1024xf32, #tpu.memory_space<vmem>>
    %dma_wait3A_428 = tpu.memref_slice %arg4[%mul3A_333] : memref<262144xf32, #tpu.memory_space<hbm>> -> memref<1024xf32, #tpu.memory_space<hbm>>
    %dma_wait3A_429 = tpu.memref_slice %arg4[%mul3A_333] : memref<262144xf32, #tpu.memory_space<hbm>> -> memref<1024xf32, #tpu.memory_space<hbm>>
    %dma_wait3A_430 = arith.constant 5120 : i32
    %dma_wait3A_431 = tpu.memref_slice %arg11[%dma_wait3A_430] : memref<8192xf32, #tpu.memory_space<vmem>> -> memref<1024xf32, #tpu.memory_space<vmem>>
    tpu.wait_dma2 semaphore(%arg15 : memref<!tpu.dma_semaphore, #tpu.memory_space<semaphore_mem>>) src(%dma_wait3A_431 : memref<1024xf32, #tpu.memory_space<vmem>>) dst(%dma_wait3A_429 : memref<1024xf32, #tpu.memory_space<hbm>>)
    %dma_wait3A_432 = arith.constant 6144 : i32
    %dma_wait3A_433 = tpu.memref_slice %arg11[%dma_wait3A_432] : memref<8192xf32, #tpu.memory_space<vmem>> -> memref<1024xf32, #tpu.memory_space<vmem>>
    %dma_wait3A_434 = tpu.memref_slice %arg4[%mul3A_361] : memref<262144xf32, #tpu.memory_space<hbm>> -> memref<1024xf32, #tpu.memory_space<hbm>>
    %dma_wait3A_435 = tpu.memref_slice %arg4[%mul3A_361] : memref<262144xf32, #tpu.memory_space<hbm>> -> memref<1024xf32, #tpu.memory_space<hbm>>
    %dma_wait3A_436 = arith.constant 6144 : i32
    %dma_wait3A_437 = tpu.memref_slice %arg11[%dma_wait3A_436] : memref<8192xf32, #tpu.memory_space<vmem>> -> memref<1024xf32, #tpu.memory_space<vmem>>
    tpu.wait_dma2 semaphore(%arg15 : memref<!tpu.dma_semaphore, #tpu.memory_space<semaphore_mem>>) src(%dma_wait3A_437 : memref<1024xf32, #tpu.memory_space<vmem>>) dst(%dma_wait3A_435 : memref<1024xf32, #tpu.memory_space<hbm>>)
    %dma_wait3A_438 = arith.constant 7168 : i32
    %dma_wait3A_439 = tpu.memref_slice %arg11[%dma_wait3A_438] : memref<8192xf32, #tpu.memory_space<vmem>> -> memref<1024xf32, #tpu.memory_space<vmem>>
    %dma_wait3A_440 = tpu.memref_slice %arg4[%mul3A_389] : memref<262144xf32, #tpu.memory_space<hbm>> -> memref<1024xf32, #tpu.memory_space<hbm>>
    %dma_wait3A_441 = tpu.memref_slice %arg4[%mul3A_389] : memref<262144xf32, #tpu.memory_space<hbm>> -> memref<1024xf32, #tpu.memory_space<hbm>>
    %dma_wait3A_442 = arith.constant 7168 : i32
    %dma_wait3A_443 = tpu.memref_slice %arg11[%dma_wait3A_442] : memref<8192xf32, #tpu.memory_space<vmem>> -> memref<1024xf32, #tpu.memory_space<vmem>>
    tpu.wait_dma2 semaphore(%arg15 : memref<!tpu.dma_semaphore, #tpu.memory_space<semaphore_mem>>) src(%dma_wait3A_443 : memref<1024xf32, #tpu.memory_space<vmem>>) dst(%dma_wait3A_441 : memref<1024xf32, #tpu.memory_space<hbm>>)
    return
  }
}

module attributes {stable_mosaic.version = 14 : i64} {
  func.func @_scores_body(%arg0: memref<4x256xf32, #tpu.memory_space<vmem>>, %arg1: memref<2048x256xf32, #tpu.memory_space<vmem>>, %arg2: memref<4x2048xf32, #tpu.memory_space<vmem>>) attributes {dimension_semantics = [], scalar_prefetch = 0 : i64, scratch_operands = 0 : i64, tpu.core_type = #tpu.core_type<tc>} {
    %get3A = arith.constant 0 : index
    %get3A_0 = arith.constant 0 : index
    %get3A_1 = vector.load %arg0[%get3A, %get3A_0] : memref<4x256xf32, #tpu.memory_space<vmem>>, vector<4x256xf32>
    %get3A_2 = arith.constant 0 : index
    %get3A_3 = arith.constant 0 : index
    %get3A_4 = vector.load %arg1[%get3A_2, %get3A_3] : memref<2048x256xf32, #tpu.memory_space<vmem>>, vector<2048x256xf32>
    %dot_general3A = arith.constant dense<0.000000e+00> : vector<4x2048xf32>
    %dot_general3A_5 = tpu.matmul %get3A_1, %get3A_4, %dot_general3A {dimension_numbers = #tpu.dot_dimension_numbers<[1], [1], [0], [0], [0, 0, 1, 0], [], []>, transpose_lhs_hint = false} : vector<4x256xf32>, vector<2048x256xf32>, vector<4x2048xf32> -> vector<4x2048xf32>
    %mul3A = arith.constant 2.500000e-01 : f32
    %mul3A_6 = vector.broadcast %mul3A : f32 to vector<4x2048xf32>
    %mul3A_7 = arith.mulf %dot_general3A_5, %mul3A_6 : vector<4x2048xf32>
    %swap3A = arith.constant 0 : index
    %swap3A_8 = arith.constant 0 : index
    %swap3A_9 = vector.load %arg2[%swap3A, %swap3A_8] : memref<4x2048xf32, #tpu.memory_space<vmem>>, vector<4x2048xf32>
    tpu.vector_store %arg2[%swap3A, %swap3A_8], %mul3A_7 {strides = array<i32>} : memref<4x2048xf32, #tpu.memory_space<vmem>>, vector<4x2048xf32>,
    return
  }
}

</mosaic_0001>

<sc_bundles>
// kernel: kernel.4.cloned.1.call-start
scs
__scs_entry_jumppad:
0x0: {  	(pc) =	sbr.rel $0x88, $3  }
0x1: {  	(tag) =	ssettag $0x0;
	lr =	simm.s32 $0x1  }
0x2: {  	[smem:$0x3F9E] =	sst lr;
	_ =	strace $0xD0000000  }
0x3: {  	_ = 	snop  }
0x4: {  	_ = 	snop  }
0x5: {  	_ = 	snop  }
0x6: {  	_ = 	snop  }
0x7: {  	_ = 	snop  }
__scs_overlays_trampoline_lowered:
0x8: {  	[smem:$0x3FAD] =	sst s0  }
0x9: {  	[smem:$0x3FAE] =	sst s1  }
0xa: {  	[smem:$0x3FAF] =	sst s2  }
0xb: {  	[smem:$0x3FB0] =	sst s3  }
0xc: {  	[smem:$0x3FB1] =	sst s4  }
0xd: {  	[smem:$0x3FB2] =	sst s5  }
0xe: {  	[smem:$0x3FB3] =	sst s6  }
0xf: {  	[smem:$0x3FB4] =	sst s7  }
0x10: {  	[smem:$0x3FB5] =	sst s8  }
0x11: {  	[smem:$0x3FB6] =	sst s9;
	s0 =	simm.s32 @!p0 $0x0  }
0x12: {  	s1 =	sld [smem:$0x3F9C];
	s0 =	simm.s32 @p0 $0x1  }
0x13: {  	[smem:$0x3FB7] =	sst s0;
	s0 =	simm.s32 @!p1 $0x0  }
0x14: {  	s2 =	sld [smem:$0x3F9B];
	s0 =	simm.s32 @p1 $0x1  }
0x15: {  	[smem:$0x3FB8] =	sst s0;
	s0 =	simm.s32 @!p2 $0x0  }
0x16: {  	s3 =	sld [smem:$0x3FDB];
	s0 =	simm.s32 @p2 $0x1  }
0x17: {  	s4 =	simm.s32 $0x1BF5;
	[smem:$0x3FBA] =	sst s0  }
0x18: {  	s0 =	sld [smem:$0x3F9D];
	_ =	swait.ge [sflag:s4], $0x0  }
0x19: {  	s7 =	sld [smem:$0x3F9E]  }
0x1a: {  	s8 =	sadd.s32 $0xFFFFE003, lr  }
0x1b: {  	s9 =	sadd.s32 $0xFFFFFEF7, lr;
	s5 =	simm.s32 $0xFFFFFFFF;
	p2 =	slt.u32 s8, $0xFFFFF086  }
0x1c: {  	p1 =	slt.u32 s9, $0xF7A;
	s5 =	simm.s32 @!p2 $0x0  }
0x1d: {  	s5 =	simm.s32 @p1 $0x1;
	p0 =	seq.s32 s7, s2  }
0x1e: {  	s7 =	smul.u32 @!p0 $0xF7A, s2;
	p2 =	seq.s32 @!p0 s5, $0x0  }
0x1f: {  	s9 =	smul.u32 $0xF7A, s1;
	s8 =	simm.s32 @!p0 $0x1BF5;
	p2 =	por !p2, p0  }
0x20: {  	[sflag:s8] =	ssyncset.s32 @!p0 $0xFFFFF086;
	s6 =	sadd.s32 @!p0 s3, s7;
	s7 =	simm.s32 @!p0 $0x108  }
0x21: {  	s3 =	sadd.s32 s3, s9;
	s6 =	sadd.s32 @!p0 $0x88, s6;
	s7 =	simm.s32 @p2 $0x1082  }
0x22: {  	[simem:s7], [sflag:s8] =	dma.local @!p0 [hbm:s6], $0xF7A  }
0x23: {  	s9 =	sor.u32 $0xD0000000, s2;
	s6 =	simm.s32 $0x108;
	_ =	swait.ge @!p0 [sflag:s8], $0x0  }
0x24: {  	s3 =	sadd.s32 $0x88, s3;
	s6 =	simm.s32 @!p1 $0x1082;
	[sflag:s4] =	ssyncset.s32 $0xFFFFF086  }
0x25: {  	[simem:s6], [sflag:s4] =	dma.local [hbm:s3], $0xF7A  }
0x26: {  	[smem:$0x3F9E] =	sst s1;
	(tag) =	ssettag s2;
	_ =	strace s9  }
0x27: {  	s1 =	sld [smem:$0x3FAE]  }
0x28: {  	s2 =	sld [smem:$0x3FAF]  }
0x29: {  	s4 =	sld [smem:$0x3FB1]  }
0x2a: {  	p0 =	seq.s32 s5, $0x0;
	s5 =	sld [smem:$0x3FB2]  }
0x2b: {  	s6 =	sld [smem:$0x3FB3]  }
0x2c: {  	s7 =	sld [smem:$0x3FB4]  }
0x2d: {  	s3 =	simm.s32 $0x108;
	s8 =	sld [smem:$0x3FB5]  }
0x2e: {  	s3 =	simm.s32 @!p0 $0x1082;
	s9 =	sld [smem:$0x3FB6]  }
0x2f: {  	lr =	sadd.s32 s0, s3;
	s0 =	sld [smem:$0x3FAD]  }
0x30: {  	s3 =	sld [smem:$0x3FB0]  }
0x31: {  	[smem:$0x3FB9] =	sst s10  }
0x32: {  	s10 =	sld [smem:$0x3FB7];
	_ =	sdelay $0x3  }
0x33: {  	p0 =	seq.s32 s10, $0x1;
	s10 =	sld [smem:$0x3FB9];
	_ =	sdelay $0x3  }
0x34: {  	[smem:$0x3FB9] =	sst s10  }
0x35: {  	s10 =	sld [smem:$0x3FB8];
	_ =	sdelay $0x3  }
0x36: {  	p1 =	seq.s32 s10, $0x1;
	s10 =	sld [smem:$0x3FB9];
	_ =	sdelay $0x3  }
0x37: {  	[smem:$0x3FB9] =	sst s10  }
0x38: {  	s10 =	sld [smem:$0x3FBA]  }
0x39: {  	_ = 	snop;
	(pc) =	sbr.ind lr, $3  }
0x3a: {  	_ = 	snop  }
0x3b: {  	_ = 	snop  }
0x3c: {  	p2 =	seq.s32 s10, $0x1;
	s10 =	sld [smem:$0x3FB9]  }
0x3d: {  	_ =	shalt  }
0x3e: {  	_ =	shalt  }
0x3f: {  	_ =	shalt  }
0x40: {  	_ =	shalt  }
0x41: {  	_ =	shalt  }
0x42: {  	_ =	shalt  }
0x43: {  	_ =	shalt  }
0x44: {  	_ =	shalt  }
0x45: {  	_ =	shalt  }
0x46: {  	_ =	shalt  }
0x47: {  	_ =	shalt  }
0x48: {  	_ =	shalt  }
0x49: {  	_ =	shalt  }
0x4a: {  	_ =	shalt  }
0x4b: {  	_ =	shalt  }
0x4c: {  	_ =	shalt  }
0x4d: {  	_ =	shalt  }
0x4e: {  	_ =	shalt  }
0x4f: {  	_ =	shalt  }
0x50: {  	_ =	shalt  }
0x51: {  	_ =	shalt  }
0x52: {  	_ =	shalt  }
0x53: {  	_ =	shalt  }
0x54: {  	_ =	shalt  }
0x55: {  	_ =	shalt  }
0x56: {  	_ =	shalt  }
0x57: {  	_ =	shalt  }
0x58: {  	_ =	shalt  }
0x59: {  	_ =	shalt  }
0x5a: {  	_ =	shalt  }
0x5b: {  	_ =	shalt  }
0x5c: {  	_ =	shalt  }
0x5d: {  	_ =	shalt  }
0x5e: {  	_ =	shalt  }
0x5f: {  	_ =	shalt  }
0x60: {  	_ =	shalt  }
0x61: {  	_ =	shalt  }
0x62: {  	_ =	shalt  }
0x63: {  	_ =	shalt  }
0x64: {  	_ =	shalt  }
0x65: {  	_ =	shalt  }
0x66: {  	_ =	shalt  }
0x67: {  	_ =	shalt  }
0x68: {  	_ =	shalt  }
0x69: {  	_ =	shalt  }
0x6a: {  	_ =	shalt  }
0x6b: {  	_ =	shalt  }
0x6c: {  	_ =	shalt  }
0x6d: {  	_ =	shalt  }
0x6e: {  	_ =	shalt  }
0x6f: {  	_ =	shalt  }
0x70: {  	_ =	shalt  }
0x71: {  	_ =	shalt  }
0x72: {  	_ =	shalt  }
0x73: {  	_ =	shalt  }
0x74: {  	_ =	shalt  }
0x75: {  	_ =	shalt  }
0x76: {  	_ =	shalt  }
0x77: {  	_ =	shalt  }
0x78: {  	_ =	shalt  }
0x79: {  	_ =	shalt  }
0x7a: {  	_ =	shalt  }
0x7b: {  	_ =	shalt  }
0x7c: {  	_ =	shalt  }
0x7d: {  	_ =	shalt  }
0x7e: {  	_ =	shalt  }
0x7f: {  	_ =	shalt  }
0x80: {  	_ =	shalt  }
0x81: {  	_ =	shalt  }
0x82: {  	_ =	shalt  }
0x83: {  	_ =	shalt  }
0x84: {  	_ =	shalt  }
0x85: {  	_ =	shalt  }
0x86: {  	_ =	shalt  }
0x87: {  	_ =	shalt  }
.Lfunc_end0:
.L_simem_size_0:
called_computation_lowered:
.L_overlay_start_0:
0x88: {  	s2 =	sld [smem:$0x3FD9]  }
0x89: {  	s3 =	sld [smem:$0x3FFE];
	_ =	sdelay $0x1  }
0x8a: {  	s1 =	srdreg.scid  }
0x8b: {  	s0 =	sand.u32 $0x1, s1  }
0x8c: {  	s17 =	sshll.u32 s0, $0xA;
	s2 =	sadd.s32 s3, s2  }
0x8d: {  	s2 =	sadd.s32 s2, s17  }
0x8e: {  	[smem:$0x3FC5] =	sst s2  }
0x8f: {  	_ = 	snop  }
0x90: {  	s2 =	sld [smem:$0x3FD0];
	(tm) =	ssettm $0x1  }
0x91: {  	s18 =	sld [smem:$0x3FFB];
	_ =	sdelay $0x3  }
0x92: {  	_ =	strace s18  }
0x93: {  	s3 =	sld [smem:$0x3FFC];
	_ =	sdelay $0x3  }
0x94: {  	_ =	strace s3  }
0x95: {  	s3 =	sld [smem:$0x3FFD];
	_ =	sdelay $0x3  }
0x96: {  	_ =	strace s3  }
0x97: {  	_ =	strace $0x8FFFFFFF  }
0x98: {  	s19 =	sld [smem:$0x3FDB];
	_ =	sdelay $0x1  }
0x99: {  	s4 =	simm.s32 $_scs_section_size  }
0x9a: {  	s5 =	simm.s32 $_size__tile_overlayer_lowered;
	s6 =	simm.s32 $_tile_overlayer_lowered  }
0x9b: {  	s22 =	simm.s32 $0x1BFF;
	s21 =	sshll.u32 s6, $0x1;
	s3 =	sadd.s32 s4, s19  }
0x9c: {  	s7 =	simm.s32 $0x0;
	s20 =	sshll.u32 s5, $0x1;
	s5 =	sadd.s32 s21, s3  }
0x9d: {  	[timem:s7], [sflag:s22] =	dma.local [hbm:s5], s20  }
0x9e: {  	_ =	swait.ge [sflag:s22], s20  }
0x9f: {  	s4 =	ssub.s32 $0x0, s20;
	[sflag:s22] =	ssyncset.done $0x0  }
0xa0: {  	[sflag:s22] =	ssyncadd.s32 s4;
	_ =	sdelay $0x1  }
0xa1: {  	s23 =	simm.s32 $0x1B8B  }
0xa2: {  	_ =	swait.ge [sflag:s23], $0x1  }
0xa3: {  	[sflag:s23] =	ssyncset.done $0x0  }
0xa4: {  	s25 =	simm.s32 $0x1B8E;
	s24 =	sld [smem:$0x3FFE];
	[sflag:s23] =	ssyncadd.s32 $0xFFFFFFFF  }
0xa5: {  	s26 =	simm.s32 $execute0_lowered;
	[smem:$0x3FD2] =	sst s25  }
0xa6: {  	s5 =	sshll.u32 s26, $0x1;
	_ =	strace $0x80000046;
	[dreg:$0x1] =	wrdreg $0xFFFFFFFF  }
0xa7: {  	s28 =	simm.s32 $_size_execute0_lowered;
	s3 =	sadd.s32 s3, s5;
	[dreg:$0x0] =	wrdreg $0x0  }
0xa8: {  	s5 =	sshll.u32 s28, $0x1;
	[dreg:$0x2] =	wrdreg s3  }
0xa9: {  	[dreg:$0x3] =	wrdreg s5  }
0xaa: {  	[dreg:$0x4] =	wrdreg $0xC0  }
0xab: {  	_ =	task [dreg:s7], $0x5FFFF  }
0xac: {  	[dreg:$0x1] =	wrdreg $0xFFFFFFFF  }
0xad: {  	[dreg:$0x0] =	wrdreg $0x60  }
0xae: {  	[dreg:$0x2] =	wrdreg s24  }
0xaf: {  	[dreg:$0x3] =	wrdreg s2  }
0xb0: {  	[dreg:$0x4] =	wrdreg $0x9  }
0xb1: {  	_ =	task.clear_ibuf [dreg:s7], $0x5FFFF;
	_ =	strace $0x90000046  }
0xb2: {  	s29 =	simm.s32 $0x9;
	_ =	strace $0x80000048  }
0xb3: {  	_ =	swait.ge [sflag:s29], $0x1  }
0xb4: {  	[sflag:s29] =	ssyncadd.s32 $0xFFFFFFFF  }
0xb5: {  	_ =	strace $0x90000048  }
0xb6: {  	_ =	sfence  }
0xb7: {  	s30 =	sld [smem:$0x0];
	_ =	sdelay $0x2  }
0xb8: {  	s31 =	sshll.u32 s1, $0xD;
	s1 =	sshrl.u32 s1, $0x2  }
0xb9: {  	s3 =	sand.u32 $0x4000, s31;
	s1 =	sadd.s32 s1, s30  }
0xba: {  	s0 =	sor.u32 s3, s0;
	s1 =	sshll.u32 s1, $0x11  }
0xbb: {  	s0 =	sor.u32 s1, s0  }
0xbc: {  	s0 =	sadd.s32 $0x8F2B, s0  }
0xbd: {  	[sflag:s0] =	ssyncadd.remote.s32 $0x1  }
0xbe: {  	_ =	sfence.sel $0xFFFF  }
0xbf: {  	[dreg:$0x0] =	wrdreg $0xFFFFFFFF;
	(pc) =	sbr.abs _section_cstart, $3  }
0xc0: {  	[dreg:$0x1] =	wrdreg $0xFFFFFFFF  }
0xc1: {  	_ =	task.clear_ibuf [dreg:s7], $0x2FFFF;
	_ =	strace $0x9FFFFFFF  }
0xc2: {  	(tm) =	ssettm $0x7FFFFFFF  }
0xc3: {  	_ =	shalt  }
tec
execute0_lowered:
.L_overlay_start_1:
0x0: {  	(tag) =	ssettag $0x1  }
0x1: {  	s0 =	srdreg.scid  }
0x2: {  	s2 =	stileid.u32;
	s3 =	simm.s32 $0x1;
	s5 =	rddreg [dreg:$0x0]  }
0x3: {  	s6 =	rddreg [dreg:$0x1];
	s28 =	simm.s32 $0x80;
	s29 =	simm.s32 $0x200  }
0x4: {  	s30 =	simm.s32 $0x10000;
	s31 =	simm.s32 $0x10200;
	s0 =	sand.u32 $0x1, s0  }
0x5: {  	s9 =	simm.s32 $0x4;
	s10 =	simm.s32 $0x0;
	s1 =	sshll.u32 s0, $0x4  }
0x6: {  	s0 =	ssub.s32 $0x2, s0;
	s1 =	sor.u32 s2, s1;
	s2 =	sand.u32 $0x7, s2  }
0x7: {  	s18 =	sshrl.u32 s0, $0x1;
	p0 =	seq.s32 s1, $0x0;
	p1 =	sne.s32 s2, $0x0  }
0x8: {  	s4 =	sshrl.u32 s1, $0x3;
	s17 =	sshll.u32 s2, $0x12;
	s2 =	simm.s32 $0x0  }
0x9: {  	s1 =	sshll.u32 s1, $0xA;
	s0 =	ssub.s32 s0, s18;
	p0 =	por !p1, !p0  }
0xa: {  	[smem:$0x7FF] =	sst s2;
	s1 =	sadd.s32 s1, s5;
	p0 =	por !p0, !p0  }
0xb: {  	_ =	strace $0x80000047;
	s23 =	sadd.s32 $0x100A00, s1;
	s3 =	simm.s32 @!p0 $0x0  }
0xc: {  	s26 =	sadd.s32 $0x100A80, s1;
	s13 =	sadd.s32 $0x100B00, s1;
	s4 =	ssub.s32 s4, s3  }
0xd: {  	v0 =	vlaneseq.u32;
	s16 =	sadd.s32 $0x100B80, s1;
	[dreg:$0x7] =	wrdreg s23;
	s7 =	sshll.u32 s4, $0x15  }
0xe: {  	v0 =	vmul.u32 $0x80, v0;
	s18 =	sadd.s32 $0x100C00, s1;
	[dreg:$0xa] =	wrdreg s26;
	s3 =	sor.u32 s17, s7  }
0xf: {  	s26 =	simm.s32 $0x8000;
	s8 =	sshll.u32 s4, $0x8;
	s7 =	sshrl.u32 s3, $0x3  }
0x10: {  	v1 =	vimm.f32 $0.0e+00;
	v2 =	vor.u32 $0x1, v0;
	s4 =	sshll.u32 s4, $0x9;
	s8 =	sand.u32 $0x1FFFFF00, s8;
	s7 =	sadd.s32 s7, s5  }
0x11: {  	v3 =	vor.u32 $0x2, v0;
	v4 =	vor.u32 $0x3, v0;
	v5 =	vor.u32 $0x800, v0;
	s3 =	simm.s32 $0x1;
	s5 =	sadd.s32 s6, s8;
	s19 =	sadd.s32 $0xA00, s7  }
0x12: {  	v6 =	vor.u32 $0x801, v0;
	v7 =	vor.u32 $0x802, v0;
	v8 =	vor.u32 $0x803, v0;
	s6 =	simm.s32 $0x4000;
	s20 =	sadd.s32 $0x1A00, s7;
	[dreg:$0x3] =	wrdreg s19  }
0x13: {  	v9 =	vor.u32 $0x1000, v0;
	v10 =	vor.u32 $0x1001, v0;
	v11 =	vor.u32 $0x1002, v0;
	s8 =	simm.s32 $0xC000;
	s21 =	sadd.s32 $0x10, s5;
	[dreg:$0x4] =	wrdreg s20  }
0x14: {  	v12 =	vor.u32 $0x1003, v0;
	v13 =	vor.u32 $0x1800, v0;
	v14 =	vor.u32 $0x1801, v0;
	s22 =	sadd.s32 $0x2A00, s7;
	s24 =	sadd.s32 $0x3A00, s7;
	[dreg:$0x5] =	wrdreg s21  }
0x15: {  	v15 =	vor.u32 $0x1802, v0;
	v16 =	vor.u32 $0x1803, v0;
	v17 =	vor.u32 $0x2000, v0;
	s25 =	sadd.s32 $0x20, s5;
	s14 =	sadd.s32 $0x4A00, s7;
	[dreg:$0x6] =	wrdreg s22  }
0x16: {  	v18 =	vor.u32 $0x2001, v0;
	v19 =	vor.u32 $0x2002, v0;
	v20 =	vor.u32 $0x2003, v0;
	s15 =	sadd.s32 $0x5A00, s7;
	s17 =	sadd.s32 $0x30, s5;
	[dreg:$0x8] =	wrdreg s24  }
0x17: {  	v21 =	vor.u32 $0x2800, v0;
	v22 =	vor.u32 $0x2801, v0;
	v23 =	vor.u32 $0x2802, v0;
	s23 =	sadd.s32 $0x7A00, s7;
	[dreg:$0x9] =	wrdreg s25;
	s19 =	sadd.s32 $0x100C80, s1  }
0x18: {  	v24 =	vor.u32 $0x2803, v0;
	v25 =	vor.u32 $0x3000, v0;
	v26 =	vor.u32 $0x3001, v0;
	s20 =	sshra.s32 s4, $0x2;
	s21 =	sadd.s32 $0x6A00, s7;
	s22 =	sadd.s32 $0x100D00, s1  }
0x19: {  	v27 =	vor.u32 $0x3002, v0;
	v28 =	vor.u32 $0x3003, v0;
	v29 =	vor.u32 $0x3800, v0;
	s24 =	sadd.s32 $0x100D80, s1;
	s25 =	smax.u32 s0, $0x1;
	s1 =	simm.s32 $0x10400  }
0x1a: {  	v30 =	vor.u32 $0x3801, v0;
	v31 =	vor.u32 $0x3802, v0;
	v32 =	vor.u32 $0x3803, v0;
	s0 =	simm.s32 $0x10600;
	s4 =	simm.s32 $0x3;
	s7 =	simm.s32 $0x2  }
.LBB2_1:
0x1b: {  	s11 =	rddreg [dreg:$0x3]  }
0x1c: {  	[tilespmem:s2], [sflag:$0x1] =	stream.linear.gather [hbm4b:s11+s2], $0x8000, $0x38;
	[tilespmem:$0x12800] =	vst v63  }
0x1d: {  	s12 =	rddreg [dreg:$0x4]  }
0x1e: {  	[tilespmem:s26], [sflag:$0x2] =	stream.linear.gather [hbm4b:s12+s2], $0x8000, $0x38;
	[tilespmem:$0x12800] =	vst v63  }
0x1f: {  	_ = 	snop  }
0x20: {  	[tilespmem:s30], [sflag:$0x3] =	stream.strided.gather [hbm4b:s5+s28], $0x200, s29, s28, $0x38;
	[tilespmem:$0x12800] =	vst v63  }
0x21: {  	s12 =	rddreg [dreg:$0x5]  }
0x22: {  	[tilespmem:s31], [sflag:$0x3] =	stream.strided.gather [hbm4b:s12+s28], $0x200, s29, s28, $0x38;
	[tilespmem:$0x12800] =	vst v63  }
0x23: {  	s12 =	rddreg [dreg:$0x9]  }
0x24: {  	[tilespmem:s1], [sflag:$0x3] =	stream.strided.gather [hbm4b:s12+s28], $0x200, s29, s28, $0x38;
	[tilespmem:$0x12800] =	vst v63  }
0x25: {  	s11 =	simm.s32 $0x10840  }
0x26: {  	[tilespmem:s0], [sflag:$0x3] =	stream.strided.gather [hbm4b:s17+s28], $0x200, s29, s28, $0x38;
	[tilespmem:$0x12800] =	vst v63  }
0x27: {  	[tilespmem:s11+$0xFFFFFFC0] =	vst v1  }
0x28: {  	[tilespmem:s11+$0x30] =	vst v1  }
0x29: {  	[tilespmem:s11+$0x20] =	vst v1  }
0x2a: {  	[tilespmem:s11+$0x10] =	vst v1  }
0x2b: {  	[tilespmem:s11+$0x0] =	vst v1  }
0x2c: {  	[tilespmem:s11+$0xFFFFFFF0] =	vst v1  }
0x2d: {  	s12 =	simm.s32 $0x0;
	[tilespmem:s11+$0xFFFFFFE0] =	vst v1  }
.LBB2_2:
0x2e: {  	s12 =	sadd.s32 $0x8, s12;
	[tilespmem:s11+$0xFFFFFFD0] =	vst v1;
	s11 =	sadd.s32 $0x80, s11  }
0x2f: {  	[tilespmem:s11+$0xFFFFFFC0] =	vst v1;
	p0 =	slt.u32 s12, $0x1F8  }
0x30: {  	[tilespmem:s11+$0x30] =	vst v1  }
.Ltmp0:
0x31: {  	[tilespmem:s11+$0x20] =	vst v1;
	(pc) =	sbr.rel @p0 .LBB2_2-.Ltmp0, $4  }
0x32: {  	[tilespmem:s11+$0x10] =	vst v1  }
0x33: {  	[tilespmem:s11+$0x0] =	vst v1  }
0x34: {  	[tilespmem:s11+$0xFFFFFFF0] =	vst v1  }
0x35: {  	[tilespmem:s11+$0xFFFFFFE0] =	vst v1  }
0x36: {  	[tilespmem:s11+$0xFFFFFFD0] =	vst v1  }
0x37: {  	_ =	swait.ge [sflag:s4], $0x200  }
0x38: {  	[sflag:s4] =	ssyncset.done $0x0  }
0x39: {  	[sflag:s4] =	ssyncadd.s32 $0xFFFFFE00  }
0x3a: {  	_ =	swait.ge [sflag:s4], $0x200  }
0x3b: {  	[sflag:s4] =	ssyncset.done $0x0  }
0x3c: {  	[sflag:s4] =	ssyncadd.s32 $0xFFFFFE00  }
0x3d: {  	_ =	swait.ge [sflag:s4], $0x200  }
0x3e: {  	[sflag:s4] =	ssyncset.done $0x0  }
0x3f: {  	[sflag:s4] =	ssyncadd.s32 $0xFFFFFE00  }
0x40: {  	_ =	swait.ge [sflag:s4], $0x200  }
0x41: {  	[sflag:s4] =	ssyncset.done $0x0  }
0x42: {  	[sflag:s4] =	ssyncadd.s32 $0xFFFFFE00  }
0x43: {  	_ =	swait.ge [sflag:s3], $0x8000  }
0x44: {  	[sflag:s3] =	ssyncset.done $0x0  }
0x45: {  	[sflag:s3] =	ssyncadd.s32 $0xFFFF8000  }
0x46: {  	v33 =	vld.idx.msk [tilespmem:v0+s2+$0x0], $0xffff  }
0x47: {  	v34 =	vld.idx.msk [tilespmem:v2+s2+$0x0], $0xffff  }
0x48: {  	v35 =	vld.idx.msk [tilespmem:v3+s2+$0x0], $0xffff  }
0x49: {  	v36 =	vld.idx.msk [tilespmem:v4+s2+$0x0], $0xffff  }
0x4a: {  	v37 =	vld.idx.msk [tilespmem:v5+s2+$0x0], $0xffff  }
0x4b: {  	v38 =	vld.idx.msk [tilespmem:v6+s2+$0x0], $0xffff  }
0x4c: {  	v39 =	vld.idx.msk [tilespmem:v7+s2+$0x0], $0xffff  }
0x4d: {  	v40 =	vld.idx.msk [tilespmem:v8+s2+$0x0], $0xffff  }
0x4e: {  	v41 =	vld.idx.msk [tilespmem:v9+s2+$0x0], $0xffff  }
0x4f: {  	v42 =	vld.idx.msk [tilespmem:v10+s2+$0x0], $0xffff  }
0x50: {  	v43 =	vld.idx.msk [tilespmem:v11+s2+$0x0], $0xffff  }
0x51: {  	v44 =	vld.idx.msk [tilespmem:v12+s2+$0x0], $0xffff  }
0x52: {  	v45 =	vld.idx.msk [tilespmem:v13+s2+$0x0], $0xffff  }
0x53: {  	v46 =	vld.idx.msk [tilespmem:v14+s2+$0x0], $0xffff  }
0x54: {  	v47 =	vld.idx.msk [tilespmem:v15+s2+$0x0], $0xffff  }
0x55: {  	v48 =	vld.idx.msk [tilespmem:v16+s2+$0x0], $0xffff  }
0x56: {  	v49 =	vld.idx.msk [tilespmem:v17+s2+$0x0], $0xffff  }
0x57: {  	v50 =	vld.idx.msk [tilespmem:v18+s2+$0x0], $0xffff  }
0x58: {  	v51 =	vld.idx.msk [tilespmem:v19+s2+$0x0], $0xffff  }
0x59: {  	v52 =	vld.idx.msk [tilespmem:v20+s2+$0x0], $0xffff  }
0x5a: {  	v53 =	vld.idx.msk [tilespmem:v21+s2+$0x0], $0xffff  }
0x5b: {  	v54 =	vld.idx.msk [tilespmem:v22+s2+$0x0], $0xffff  }
0x5c: {  	v55 =	vld.idx.msk [tilespmem:v23+s2+$0x0], $0xffff  }
0x5d: {  	v56 =	vld.idx.msk [tilespmem:v24+s2+$0x0], $0xffff  }
0x5e: {  	v57 =	vld.idx.msk [tilespmem:v25+s2+$0x0], $0xffff  }
0x5f: {  	v58 =	vld.idx.msk [tilespmem:v29+s2+$0x0], $0xffff  }
0x60: {  	v59 =	vld.idx.msk [tilespmem:v26+s2+$0x0], $0xffff  }
0x61: {  	v60 =	vld.idx.msk [tilespmem:v30+s2+$0x0], $0xffff  }
0x62: {  	v61 =	vld.idx.msk [tilespmem:v27+s2+$0x0], $0xffff  }
0x63: {  	v33 =	vld.idx.msk [tilespmem:v33+s30+$0x0], $0xffff  }
0x64: {  	v34 =	vld.idx.msk [tilespmem:v34+s31+$0x0], $0xffff  }
0x65: {  	v35 =	vld.idx.msk [tilespmem:v35+s1+$0x0], $0xffff  }
0x66: {  	v36 =	vld.idx.msk [tilespmem:v36+s0+$0x0], $0xffff  }
0x67: {  	v37 =	vld.idx.msk [tilespmem:v37+s30+$0x0], $0xffff  }
0x68: {  	v38 =	vld.idx.msk [tilespmem:v38+s31+$0x0], $0xffff  }
0x69: {  	v39 =	vld.idx.msk [tilespmem:v39+s1+$0x0], $0xffff  }
0x6a: {  	v40 =	vld.idx.msk [tilespmem:v40+s0+$0x0], $0xffff  }
0x6b: {  	v41 =	vld.idx.msk [tilespmem:v41+s30+$0x0], $0xffff  }
0x6c: {  	v42 =	vld.idx.msk [tilespmem:v42+s31+$0x0], $0xffff  }
0x6d: {  	v43 =	vld.idx.msk [tilespmem:v43+s1+$0x0], $0xffff  }
0x6e: {  	v44 =	vld.idx.msk [tilespmem:v44+s0+$0x0], $0xffff  }
0x6f: {  	v45 =	vld.idx.msk [tilespmem:v45+s30+$0x0], $0xffff  }
0x70: {  	v46 =	vld.idx.msk [tilespmem:v46+s31+$0x0], $0xffff  }
0x71: {  	v47 =	vld.idx.msk [tilespmem:v47+s1+$0x0], $0xffff  }
0x72: {  	v48 =	vld.idx.msk [tilespmem:v48+s0+$0x0], $0xffff  }
0x73: {  	v49 =	vld.idx.msk [tilespmem:v49+s30+$0x0], $0xffff  }
0x74: {  	v50 =	vld.idx.msk [tilespmem:v50+s31+$0x0], $0xffff  }
0x75: {  	v51 =	vld.idx.msk [tilespmem:v51+s1+$0x0], $0xffff  }
0x76: {  	v52 =	vld.idx.msk [tilespmem:v52+s0+$0x0], $0xffff  }
0x77: {  	v53 =	vld.idx.msk [tilespmem:v53+s30+$0x0], $0xffff  }
0x78: {  	v54 =	vld.idx.msk [tilespmem:v54+s31+$0x0], $0xffff  }
0x79: {  	v55 =	vld.idx.msk [tilespmem:v55+s1+$0x0], $0xffff;
	v33 =	vadd.f32 $0.0e+00, v33  }
0x7a: {  	v56 =	vld.idx.msk [tilespmem:v56+s0+$0x0], $0xffff;
	v37 =	vadd.f32 $0.0e+00, v37  }
0x7b: {  	v62 =	vadd.f32 $0.0e+00, v41;
	v41 =	vld.idx.msk [tilespmem:v31+s2+$0x0], $0xffff;
	v33 =	vadd.f32 v34, v33  }
0x7c: {  	v63 =	vadd.f32 $0.0e+00, v45;
	v45 =	vld.idx.msk [tilespmem:v28+s2+$0x0], $0xffff;
	v37 =	vadd.f32 v38, v37  }
0x7d: {  	v34 =	vadd.f32 v42, v62;
	v33 =	vadd.f32 v35, v33;
	v35 =	vld.idx.msk [tilespmem:v32+s2+$0x0], $0xffff  }
0x7e: {  	v38 =	vadd.f32 v46, v63;
	v37 =	vadd.f32 v39, v37;
	v39 =	vld.idx.msk [tilespmem:v57+s30+$0x0], $0xffff  }
0x7f: {  	v62 =	vadd.f32 $0.0e+00, v53;
	v34 =	vadd.f32 v43, v34;
	v57 =	vld.idx.msk [tilespmem:v58+s30+$0x0], $0xffff  }
0x80: {  	v38 =	vadd.f32 v47, v38;
	v58 =	vld.idx.msk [tilespmem:v59+s31+$0x0], $0xffff;
	v59 =	vadd.f32 $0.0e+00, v49  }
0x81: {  	v60 =	vld.idx.msk [tilespmem:v60+s31+$0x0], $0xffff;
	v33 =	vadd.f32 v36, v33;
	v37 =	vadd.f32 v40, v37  }
0x82: {  	v63 =	vld.idx.msk [tilespmem:v61+s1+$0x0], $0xffff;
	v34 =	vadd.f32 v44, v34;
	v38 =	vadd.f32 v48, v38  }
0x83: {  	v42 =	vadd.f32 v50, v59;
	v41 =	vld.idx.msk [tilespmem:v41+s1+$0x0], $0xffff;
	v39 =	vadd.f32 $0.0e+00, v39  }
0x84: {  	v44 =	vadd.f32 v54, v62;
	v45 =	vld.idx.msk [tilespmem:v45+s0+$0x0], $0xffff;
	v36 =	vadd.f32 $0.0e+00, v57  }
0x85: {  	[tilespmem:s20+$0x10800] =	vst v33;
	v42 =	vadd.f32 v51, v42;
	v39 =	vadd.f32 v58, v39;
	v35 =	vld.idx.msk [tilespmem:v35+s0+$0x0], $0xffff  }
0x86: {  	[tilespmem:s20+$0x10810] =	vst v37;
	v44 =	vadd.f32 v55, v44;
	v36 =	vadd.f32 v60, v36  }
0x87: {  	[tilespmem:s20+$0x10820] =	vst v34;
	v33 =	vadd.f32 v52, v42;
	v47 =	vadd.f32 v63, v39  }
0x88: {  	[tilespmem:s20+$0x10830] =	vst v38;
	v37 =	vadd.f32 v56, v44;
	v36 =	vadd.f32 v41, v36  }
0x89: {  	[tilespmem:s20+$0x10840] =	vst v33;
	v48 =	vadd.f32 v45, v47  }
0x8a: {  	[tilespmem:s20+$0x10850] =	vst v37;
	v49 =	vadd.f32 v35, v36  }
0x8b: {  	[tilespmem:s20+$0x10860] =	vst v48  }
0x8c: {  	[tilespmem:s20+$0x10870] =	vst v49  }
0x8d: {  	v33 =	vld.idx.msk [tilespmem:v0+s6+$0x0], $0xffff  }
0x8e: {  	v34 =	vld.idx.msk [tilespmem:v2+s6+$0x0], $0xffff  }
0x8f: {  	v50 =	vld.idx.msk [tilespmem:v3+s6+$0x0], $0xffff  }
0x90: {  	v51 =	vld.idx.msk [tilespmem:v4+s6+$0x0], $0xffff  }
0x91: {  	v37 =	vld.idx.msk [tilespmem:v5+s6+$0x0], $0xffff  }
0x92: {  	v38 =	vld.idx.msk [tilespmem:v6+s6+$0x0], $0xffff  }
0x93: {  	v52 =	vld.idx.msk [tilespmem:v7+s6+$0x0], $0xffff  }
0x94: {  	v53 =	vld.idx.msk [tilespmem:v8+s6+$0x0], $0xffff  }
0x95: {  	v54 =	vld.idx.msk [tilespmem:v9+s6+$0x0], $0xffff  }
0x96: {  	v55 =	vld.idx.msk [tilespmem:v10+s6+$0x0], $0xffff  }
0x97: {  	v56 =	vld.idx.msk [tilespmem:v11+s6+$0x0], $0xffff  }
0x98: {  	v57 =	vld.idx.msk [tilespmem:v12+s6+$0x0], $0xffff  }
0x99: {  	v58 =	vld.idx.msk [tilespmem:v13+s6+$0x0], $0xffff  }
0x9a: {  	v59 =	vld.idx.msk [tilespmem:v14+s6+$0x0], $0xffff  }
0x9b: {  	v60 =	vld.idx.msk [tilespmem:v15+s6+$0x0], $0xffff  }
0x9c: {  	v61 =	vld.idx.msk [tilespmem:v16+s6+$0x0], $0xffff  }
0x9d: {  	v49 =	vld.idx.msk [tilespmem:v17+s6+$0x0], $0xffff  }
0x9e: {  	v62 =	vld.idx.msk [tilespmem:v21+s6+$0x0], $0xffff  }
0x9f: {  	v63 =	vld.idx.msk [tilespmem:v22+s6+$0x0], $0xffff  }
0xa0: {  	v33 =	vld.idx.msk [tilespmem:v33+s30+$0x0], $0xffff  }
0xa1: {  	v34 =	vld.idx.msk [tilespmem:v34+s31+$0x0], $0xffff  }
0xa2: {  	v35 =	vld.idx.msk [tilespmem:v50+s1+$0x0], $0xffff  }
0xa3: {  	v36 =	vld.idx.msk [tilespmem:v51+s0+$0x0], $0xffff  }
0xa4: {  	v37 =	vld.idx.msk [tilespmem:v37+s30+$0x0], $0xffff  }
0xa5: {  	v38 =	vld.idx.msk [tilespmem:v38+s31+$0x0], $0xffff  }
0xa6: {  	v39 =	vld.idx.msk [tilespmem:v52+s1+$0x0], $0xffff  }
0xa7: {  	v40 =	vld.idx.msk [tilespmem:v53+s0+$0x0], $0xffff  }
0xa8: {  	v41 =	vld.idx.msk [tilespmem:v54+s30+$0x0], $0xffff  }
0xa9: {  	v42 =	vld.idx.msk [tilespmem:v55+s31+$0x0], $0xffff  }
0xaa: {  	v43 =	vld.idx.msk [tilespmem:v56+s1+$0x0], $0xffff  }
0xab: {  	v44 =	vld.idx.msk [tilespmem:v57+s0+$0x0], $0xffff  }
0xac: {  	v45 =	vld.idx.msk [tilespmem:v58+s30+$0x0], $0xffff  }
0xad: {  	v46 =	vld.idx.msk [tilespmem:v59+s31+$0x0], $0xffff  }
0xae: {  	v47 =	vld.idx.msk [tilespmem:v60+s1+$0x0], $0xffff  }
0xaf: {  	v48 =	vld.idx.msk [tilespmem:v61+s0+$0x0], $0xffff  }
0xb0: {  	v50 =	vld.idx.msk [tilespmem:v18+s6+$0x0], $0xffff  }
0xb1: {  	v51 =	vld.idx.msk [tilespmem:v19+s6+$0x0], $0xffff  }
0xb2: {  	v52 =	vld.idx.msk [tilespmem:v20+s6+$0x0], $0xffff  }
0xb3: {  	v60 =	vld.idx.msk [tilespmem:v23+s6+$0x0], $0xffff  }
0xb4: {  	v61 =	vld.idx.msk [tilespmem:v24+s6+$0x0], $0xffff  }
0xb5: {  	v49 =	vld.idx.msk [tilespmem:v49+s30+$0x0], $0xffff  }
0xb6: {  	v53 =	vld.idx.msk [tilespmem:v62+s30+$0x0], $0xffff  }
0xb7: {  	v54 =	vld.idx.msk [tilespmem:v63+s31+$0x0], $0xffff  }
0xb8: {  	v57 =	vld.idx.msk [tilespmem:v25+s6+$0x0], $0xffff  }
0xb9: {  	v58 =	vld.idx.msk [tilespmem:v29+s6+$0x0], $0xffff  }
0xba: {  	v59 =	vld.idx.msk [tilespmem:v26+s6+$0x0], $0xffff  }
0xbb: {  	v62 =	vadd.f32 $0.0e+00, v41;
	v41 =	vld.idx.msk [tilespmem:v31+s6+$0x0], $0xffff  }
0xbc: {  	v63 =	vadd.f32 $0.0e+00, v45;
	v45 =	vld.idx.msk [tilespmem:v28+s6+$0x0], $0xffff  }
0xbd: {  	v50 =	vld.idx.msk [tilespmem:v50+s31+$0x0], $0xffff  }
0xbe: {  	v55 =	vld.idx.msk [tilespmem:v60+s1+$0x0], $0xffff  }
0xbf: {  	v56 =	vld.idx.msk [tilespmem:v61+s0+$0x0], $0xffff  }
0xc0: {  	v33 =	vadd.f32 $0.0e+00, v33;
	v60 =	vld.idx.msk [tilespmem:v30+s6+$0x0], $0xffff  }
0xc1: {  	v61 =	vld.idx.msk [tilespmem:v27+s6+$0x0], $0xffff  }
0xc2: {  	v37 =	vadd.f32 $0.0e+00, v37;
	v33 =	vadd.f32 v34, v33;
	v51 =	vld.idx.msk [tilespmem:v51+s1+$0x0], $0xffff  }
0xc3: {  	v34 =	vadd.f32 v42, v62;
	v62 =	vld.idx.msk [tilespmem:v57+s30+$0x0], $0xffff  }
0xc4: {  	v37 =	vadd.f32 v38, v37;
	v33 =	vadd.f32 v35, v33;
	v35 =	vld.idx.msk [tilespmem:v32+s6+$0x0], $0xffff  }
0xc5: {  	v38 =	vadd.f32 v46, v63;
	v63 =	vld.idx.msk [tilespmem:v58+s30+$0x0], $0xffff;
	v58 =	vadd.f32 $0.0e+00, v49  }
0xc6: {  	v52 =	vld.idx.msk [tilespmem:v52+s0+$0x0], $0xffff;
	v37 =	vadd.f32 v39, v37;
	v34 =	vadd.f32 v43, v34  }
0xc7: {  	v57 =	vld.idx.msk [tilespmem:v59+s31+$0x0], $0xffff;
	v38 =	vadd.f32 v47, v38;
	v33 =	vadd.f32 v36, v33  }
0xc8: {  	v37 =	vadd.f32 v40, v37;
	v34 =	vadd.f32 v44, v34;
	v59 =	vld.idx.msk [tilespmem:v60+s31+$0x0], $0xffff  }
0xc9: {  	v38 =	vadd.f32 v48, v38;
	v60 =	vadd.f32 $0.0e+00, v53;
	v61 =	vld.idx.msk [tilespmem:v61+s1+$0x0], $0xffff  }
0xca: {  	v42 =	vadd.f32 v50, v58;
	v39 =	vadd.f32 $0.0e+00, v62;
	v41 =	vld.idx.msk [tilespmem:v41+s1+$0x0], $0xffff  }
0xcb: {  	v45 =	vld.idx.msk [tilespmem:v45+s0+$0x0], $0xffff;
	v36 =	vadd.f32 $0.0e+00, v63;
	v44 =	vadd.f32 v54, v60  }
0xcc: {  	[tilespmem:s20+$0x10A00] =	vst v33;
	v62 =	vadd.f32 v51, v42;
	v39 =	vadd.f32 v57, v39;
	v35 =	vld.idx.msk [tilespmem:v35+s0+$0x0], $0xffff  }
0xcd: {  	[tilespmem:s20+$0x10A10] =	vst v37;
	v63 =	vadd.f32 v55, v44;
	v36 =	vadd.f32 v59, v36  }
0xce: {  	[tilespmem:s20+$0x10A20] =	vst v34;
	v33 =	vadd.f32 v52, v62;
	v40 =	vadd.f32 v61, v39  }
0xcf: {  	[tilespmem:s20+$0x10A30] =	vst v38;
	v37 =	vadd.f32 v56, v63;
	v36 =	vadd.f32 v41, v36  }
0xd0: {  	[tilespmem:s20+$0x10A40] =	vst v33;
	v42 =	vadd.f32 v45, v40  }
0xd1: {  	[tilespmem:s20+$0x10A50] =	vst v37;
	v43 =	vadd.f32 v35, v36  }
0xd2: {  	[tilespmem:s20+$0x10A60] =	vst v42  }
0xd3: {  	s12 =	rddreg [dreg:$0x6];
	[tilespmem:s20+$0x10A70] =	vst v43  }
0xd4: {  	[tilespmem:s2], [sflag:$0x1] =	stream.linear.gather [hbm4b:s12+s2], $0x8000, $0x38;
	[tilespmem:$0x12800] =	vst v63  }
0xd5: {  	s11 =	rddreg [dreg:$0x7];
	s12 =	simm.s32 $0x10800  }
0xd6: {  	[hbm4b:s11+s2] =	stream.linear.scatter [tilespmem:s12], [sflag:$0x4], $0x400, $0x38;
	[tilespmem:$0x12800] =	vst v63  }
0xd7: {  	_ =	swait.ge [sflag:s7], $0x8000  }
0xd8: {  	[sflag:s7] =	ssyncset.done $0x0  }
0xd9: {  	[sflag:s7] =	ssyncadd.s32 $0xFFFF8000  }
0xda: {  	v44 =	vld.idx.msk [tilespmem:v0+s26+$0x0], $0xffff  }
0xdb: {  	v45 =	vld.idx.msk [tilespmem:v2+s26+$0x0], $0xffff  }
0xdc: {  	v46 =	vld.idx.msk [tilespmem:v3+s26+$0x0], $0xffff  }
0xdd: {  	v47 =	vld.idx.msk [tilespmem:v4+s26+$0x0], $0xffff  }
0xde: {  	v48 =	vld.idx.msk [tilespmem:v5+s26+$0x0], $0xffff  }
0xdf: {  	v49 =	vld.idx.msk [tilespmem:v6+s26+$0x0], $0xffff  }
0xe0: {  	v50 =	vld.idx.msk [tilespmem:v7+s26+$0x0], $0xffff  }
0xe1: {  	v51 =	vld.idx.msk [tilespmem:v8+s26+$0x0], $0xffff  }
0xe2: {  	v52 =	vld.idx.msk [tilespmem:v9+s26+$0x0], $0xffff  }
0xe3: {  	v53 =	vld.idx.msk [tilespmem:v10+s26+$0x0], $0xffff  }
0xe4: {  	v54 =	vld.idx.msk [tilespmem:v11+s26+$0x0], $0xffff  }
0xe5: {  	v55 =	vld.idx.msk [tilespmem:v12+s26+$0x0], $0xffff  }
0xe6: {  	v56 =	vld.idx.msk [tilespmem:v13+s26+$0x0], $0xffff  }
0xe7: {  	v57 =	vld.idx.msk [tilespmem:v14+s26+$0x0], $0xffff  }
0xe8: {  	v58 =	vld.idx.msk [tilespmem:v15+s26+$0x0], $0xffff  }
0xe9: {  	v59 =	vld.idx.msk [tilespmem:v17+s26+$0x0], $0xffff  }
0xea: {  	v60 =	vld.idx.msk [tilespmem:v16+s26+$0x0], $0xffff  }
0xeb: {  	v61 =	vld.idx.msk [tilespmem:v18+s26+$0x0], $0xffff  }
0xec: {  	v62 =	vld.idx.msk [tilespmem:v19+s26+$0x0], $0xffff  }
0xed: {  	v63 =	vld.idx.msk [tilespmem:v20+s26+$0x0], $0xffff  }
0xee: {  	v33 =	vld.idx.msk [tilespmem:v44+s30+$0x0], $0xffff  }
0xef: {  	v34 =	vld.idx.msk [tilespmem:v45+s31+$0x0], $0xffff  }
0xf0: {  	v35 =	vld.idx.msk [tilespmem:v46+s1+$0x0], $0xffff  }
0xf1: {  	v36 =	vld.idx.msk [tilespmem:v47+s0+$0x0], $0xffff  }
0xf2: {  	v37 =	vld.idx.msk [tilespmem:v48+s30+$0x0], $0xffff  }
0xf3: {  	v38 =	vld.idx.msk [tilespmem:v49+s31+$0x0], $0xffff  }
0xf4: {  	v39 =	vld.idx.msk [tilespmem:v50+s1+$0x0], $0xffff  }
0xf5: {  	v40 =	vld.idx.msk [tilespmem:v51+s0+$0x0], $0xffff  }
0xf6: {  	v41 =	vld.idx.msk [tilespmem:v52+s30+$0x0], $0xffff  }
0xf7: {  	v42 =	vld.idx.msk [tilespmem:v53+s31+$0x0], $0xffff  }
0xf8: {  	v43 =	vld.idx.msk [tilespmem:v54+s1+$0x0], $0xffff  }
0xf9: {  	v44 =	vld.idx.msk [tilespmem:v55+s0+$0x0], $0xffff  }
0xfa: {  	v45 =	vld.idx.msk [tilespmem:v56+s30+$0x0], $0xffff  }
0xfb: {  	v46 =	vld.idx.msk [tilespmem:v57+s31+$0x0], $0xffff  }
0xfc: {  	v54 =	vld.idx.msk [tilespmem:v58+s1+$0x0], $0xffff  }
0xfd: {  	v55 =	vld.idx.msk [tilespmem:v59+s30+$0x0], $0xffff  }
0xfe: {  	v56 =	vld.idx.msk [tilespmem:v60+s0+$0x0], $0xffff;
	v33 =	vadd.f32 $0.0e+00, v33  }
0xff: {  	v57 =	vld.idx.msk [tilespmem:v61+s31+$0x0], $0xffff;
	v37 =	vadd.f32 $0.0e+00, v37  }
0x100: {  	v59 =	vld.idx.msk [tilespmem:v62+s1+$0x0], $0xffff;
	v58 =	vadd.f32 $0.0e+00, v41;
	v33 =	vadd.f32 v34, v33  }
0x101: {  	v61 =	vld.idx.msk [tilespmem:v63+s0+$0x0], $0xffff;
	v60 =	vadd.f32 $0.0e+00, v45;
	v37 =	vadd.f32 v38, v37  }
0x102: {  	v63 =	vld.idx.msk [tilespmem:v21+s26+$0x0], $0xffff;
	v62 =	vadd.f32 $0.0e+00, v55;
	v33 =	vadd.f32 v35, v33  }
0x103: {  	v38 =	vadd.f32 v46, v60;
	v46 =	vld.idx.msk [tilespmem:v22+s26+$0x0], $0xffff;
	v37 =	vadd.f32 v39, v37  }
0x104: {  	v33 =	vadd.f32 v36, v33;
	v36 =	vadd.f32 v42, v58  }
0x105: {  	v34 =	vadd.f32 v54, v38;
	v54 =	vld.idx.msk [tilespmem:v23+s26+$0x0], $0xffff;
	v42 =	vadd.f32 v57, v62  }
0x106: {  	v37 =	vadd.f32 v40, v37;
	v36 =	vadd.f32 v43, v36  }
0x107: {  	v34 =	vadd.f32 v56, v34;
	[tilespmem:s20+$0x10C00] =	vst v33;
	v50 =	vadd.f32 v59, v42  }
0x108: {  	[tilespmem:s20+$0x10C10] =	vst v37;
	v49 =	vadd.f32 v44, v36  }
0x109: {  	[tilespmem:s20+$0x10C30] =	vst v34;
	v51 =	vadd.f32 v61, v50  }
0x10a: {  	v52 =	vld.idx.msk [tilespmem:v63+s30+$0x0], $0xffff;
	[tilespmem:s20+$0x10C20] =	vst v49  }
0x10b: {  	v53 =	vld.idx.msk [tilespmem:v46+s31+$0x0], $0xffff;
	[tilespmem:s20+$0x10C40] =	vst v51  }
0x10c: {  	v55 =	vld.idx.msk [tilespmem:v24+s26+$0x0], $0xffff  }
0x10d: {  	v35 =	vld.idx.msk [tilespmem:v54+s1+$0x0], $0xffff  }
0x10e: {  	v56 =	vld.idx.msk [tilespmem:v25+s26+$0x0], $0xffff  }
0x10f: {  	v57 =	vld.idx.msk [tilespmem:v29+s26+$0x0], $0xffff  }
0x110: {  	v58 =	vld.idx.msk [tilespmem:v26+s26+$0x0], $0xffff  }
0x111: {  	v59 =	vld.idx.msk [tilespmem:v30+s26+$0x0], $0xffff  }
0x112: {  	v60 =	vld.idx.msk [tilespmem:v27+s26+$0x0], $0xffff  }
0x113: {  	v61 =	vld.idx.msk [tilespmem:v31+s26+$0x0], $0xffff  }
0x114: {  	v62 =	vld.idx.msk [tilespmem:v28+s26+$0x0], $0xffff  }
0x115: {  	v63 =	vld.idx.msk [tilespmem:v32+s26+$0x0], $0xffff  }
0x116: {  	v36 =	vld.idx.msk [tilespmem:v55+s0+$0x0], $0xffff  }
0x117: {  	v37 =	vld.idx.msk [tilespmem:v56+s30+$0x0], $0xffff  }
0x118: {  	v38 =	vld.idx.msk [tilespmem:v57+s30+$0x0], $0xffff  }
0x119: {  	v39 =	vld.idx.msk [tilespmem:v58+s31+$0x0], $0xffff  }
0x11a: {  	v40 =	vld.idx.msk [tilespmem:v59+s31+$0x0], $0xffff  }
0x11b: {  	v33 =	vadd.f32 $0.0e+00, v52;
	v41 =	vld.idx.msk [tilespmem:v60+s1+$0x0], $0xffff  }
0x11c: {  	v42 =	vld.idx.msk [tilespmem:v61+s1+$0x0], $0xffff;
	v37 =	vadd.f32 $0.0e+00, v37  }
0x11d: {  	v33 =	vadd.f32 v53, v33;
	v45 =	vld.idx.msk [tilespmem:v62+s0+$0x0], $0xffff;
	v38 =	vadd.f32 $0.0e+00, v38  }
0x11e: {  	v46 =	vld.idx.msk [tilespmem:v63+s0+$0x0], $0xffff;
	v37 =	vadd.f32 v39, v37  }
0x11f: {  	v33 =	vadd.f32 v35, v33;
	v47 =	vadd.f32 v40, v38  }
0x120: {  	v37 =	vadd.f32 v41, v37  }
0x121: {  	v33 =	vadd.f32 v36, v33;
	v35 =	vadd.f32 v42, v47  }
0x122: {  	v34 =	vadd.f32 v45, v37  }
0x123: {  	[tilespmem:s20+$0x10C50] =	vst v33;
	v48 =	vadd.f32 v46, v35  }
0x124: {  	[tilespmem:s20+$0x10C60] =	vst v34  }
0x125: {  	[tilespmem:s20+$0x10C70] =	vst v48  }
0x126: {  	v33 =	vld.idx.msk [tilespmem:v0+s8+$0x0], $0xffff  }
0x127: {  	v34 =	vld.idx.msk [tilespmem:v2+s8+$0x0], $0xffff  }
0x128: {  	v49 =	vld.idx.msk [tilespmem:v3+s8+$0x0], $0xffff  }
0x129: {  	v50 =	vld.idx.msk [tilespmem:v4+s8+$0x0], $0xffff  }
0x12a: {  	v51 =	vld.idx.msk [tilespmem:v5+s8+$0x0], $0xffff  }
0x12b: {  	v52 =	vld.idx.msk [tilespmem:v6+s8+$0x0], $0xffff  }
0x12c: {  	v53 =	vld.idx.msk [tilespmem:v7+s8+$0x0], $0xffff  }
0x12d: {  	v54 =	vld.idx.msk [tilespmem:v8+s8+$0x0], $0xffff  }
0x12e: {  	v55 =	vld.idx.msk [tilespmem:v9+s8+$0x0], $0xffff  }
0x12f: {  	v56 =	vld.idx.msk [tilespmem:v10+s8+$0x0], $0xffff  }
0x130: {  	v57 =	vld.idx.msk [tilespmem:v11+s8+$0x0], $0xffff  }
0x131: {  	v58 =	vld.idx.msk [tilespmem:v12+s8+$0x0], $0xffff  }
0x132: {  	v59 =	vld.idx.msk [tilespmem:v13+s8+$0x0], $0xffff  }
0x133: {  	v60 =	vld.idx.msk [tilespmem:v14+s8+$0x0], $0xffff  }
0x134: {  	v61 =	vld.idx.msk [tilespmem:v15+s8+$0x0], $0xffff  }
0x135: {  	v62 =	vld.idx.msk [tilespmem:v16+s8+$0x0], $0xffff  }
0x136: {  	v63 =	vld.idx.msk [tilespmem:v21+s8+$0x0], $0xffff  }
0x137: {  	v33 =	vld.idx.msk [tilespmem:v33+s30+$0x0], $0xffff  }
0x138: {  	v34 =	vld.idx.msk [tilespmem:v34+s31+$0x0], $0xffff  }
0x139: {  	v35 =	vld.idx.msk [tilespmem:v49+s1+$0x0], $0xffff  }
0x13a: {  	v36 =	vld.idx.msk [tilespmem:v50+s0+$0x0], $0xffff  }
0x13b: {  	v37 =	vld.idx.msk [tilespmem:v51+s30+$0x0], $0xffff  }
0x13c: {  	v38 =	vld.idx.msk [tilespmem:v52+s31+$0x0], $0xffff  }
0x13d: {  	v39 =	vld.idx.msk [tilespmem:v53+s1+$0x0], $0xffff  }
0x13e: {  	v40 =	vld.idx.msk [tilespmem:v54+s0+$0x0], $0xffff  }
0x13f: {  	v41 =	vld.idx.msk [tilespmem:v55+s30+$0x0], $0xffff  }
0x140: {  	v42 =	vld.idx.msk [tilespmem:v56+s31+$0x0], $0xffff  }
0x141: {  	v43 =	vld.idx.msk [tilespmem:v57+s1+$0x0], $0xffff  }
0x142: {  	v44 =	vld.idx.msk [tilespmem:v58+s0+$0x0], $0xffff  }
0x143: {  	v45 =	vld.idx.msk [tilespmem:v59+s30+$0x0], $0xffff  }
0x144: {  	v46 =	vld.idx.msk [tilespmem:v60+s31+$0x0], $0xffff  }
0x145: {  	v47 =	vld.idx.msk [tilespmem:v61+s1+$0x0], $0xffff  }
0x146: {  	v48 =	vld.idx.msk [tilespmem:v62+s0+$0x0], $0xffff  }
0x147: {  	v49 =	vld.idx.msk [tilespmem:v17+s8+$0x0], $0xffff  }
0x148: {  	v50 =	vld.idx.msk [tilespmem:v18+s8+$0x0], $0xffff  }
0x149: {  	v51 =	vld.idx.msk [tilespmem:v19+s8+$0x0], $0xffff  }
0x14a: {  	v52 =	vld.idx.msk [tilespmem:v20+s8+$0x0], $0xffff  }
0x14b: {  	v60 =	vld.idx.msk [tilespmem:v22+s8+$0x0], $0xffff  }
0x14c: {  	v61 =	vld.idx.msk [tilespmem:v23+s8+$0x0], $0xffff  }
0x14d: {  	v62 =	vld.idx.msk [tilespmem:v24+s8+$0x0], $0xffff  }
0x14e: {  	v53 =	vld.idx.msk [tilespmem:v63+s30+$0x0], $0xffff  }
0x14f: {  	v57 =	vld.idx.msk [tilespmem:v25+s8+$0x0], $0xffff  }
0x150: {  	v58 =	vld.idx.msk [tilespmem:v29+s8+$0x0], $0xffff  }
0x151: {  	v59 =	vld.idx.msk [tilespmem:v26+s8+$0x0], $0xffff  }
0x152: {  	v63 =	vadd.f32 $0.0e+00, v41;
	v41 =	vld.idx.msk [tilespmem:v31+s8+$0x0], $0xffff  }
0x153: {  	v49 =	vld.idx.msk [tilespmem:v49+s30+$0x0], $0xffff  }
0x154: {  	v50 =	vld.idx.msk [tilespmem:v50+s31+$0x0], $0xffff  }
0x155: {  	v51 =	vld.idx.msk [tilespmem:v51+s1+$0x0], $0xffff  }
0x156: {  	v54 =	vld.idx.msk [tilespmem:v60+s31+$0x0], $0xffff  }
0x157: {  	v55 =	vld.idx.msk [tilespmem:v61+s1+$0x0], $0xffff  }
0x158: {  	v56 =	vld.idx.msk [tilespmem:v62+s0+$0x0], $0xffff  }
0x159: {  	v33 =	vadd.f32 $0.0e+00, v33;
	v60 =	vld.idx.msk [tilespmem:v30+s8+$0x0], $0xffff  }
0x15a: {  	v37 =	vadd.f32 $0.0e+00, v37;
	v61 =	vld.idx.msk [tilespmem:v27+s8+$0x0], $0xffff  }
0x15b: {  	v33 =	vadd.f32 v34, v33;
	v62 =	vadd.f32 $0.0e+00, v45;
	v45 =	vld.idx.msk [tilespmem:v28+s8+$0x0], $0xffff  }
0x15c: {  	v37 =	vadd.f32 v38, v37;
	v34 =	vadd.f32 v42, v63;
	v63 =	vld.idx.msk [tilespmem:v58+s30+$0x0], $0xffff  }
0x15d: {  	v33 =	vadd.f32 v35, v33;
	v35 =	vld.idx.msk [tilespmem:v32+s8+$0x0], $0xffff  }
0x15e: {  	v37 =	vadd.f32 v39, v37;
	v39 =	vld.idx.msk [tilespmem:v57+s30+$0x0], $0xffff;
	v34 =	vadd.f32 v43, v34  }
0x15f: {  	v52 =	vld.idx.msk [tilespmem:v52+s0+$0x0], $0xffff;
	v38 =	vadd.f32 v46, v62;
	v33 =	vadd.f32 v36, v33  }
0x160: {  	v57 =	vld.idx.msk [tilespmem:v59+s31+$0x0], $0xffff;
	v37 =	vadd.f32 v40, v37;
	v34 =	vadd.f32 v44, v34  }
0x161: {  	v38 =	vadd.f32 v47, v38;
	v58 =	vadd.f32 $0.0e+00, v49;
	v59 =	vld.idx.msk [tilespmem:v60+s31+$0x0], $0xffff  }
0x162: {  	v36 =	vadd.f32 $0.0e+00, v63;
	v60 =	vadd.f32 $0.0e+00, v53;
	v62 =	vld.idx.msk [tilespmem:v61+s1+$0x0], $0xffff  }
0x163: {  	v41 =	vld.idx.msk [tilespmem:v41+s1+$0x0], $0xffff;
	v39 =	vadd.f32 $0.0e+00, v39;
	v42 =	vadd.f32 v50, v58  }
0x164: {  	v38 =	vadd.f32 v48, v38;
	v45 =	vld.idx.msk [tilespmem:v45+s0+$0x0], $0xffff;
	v44 =	vadd.f32 v54, v60  }
0x165: {  	[tilespmem:s20+$0x10E00] =	vst v33;
	v39 =	vadd.f32 v57, v39;
	v63 =	vadd.f32 v51, v42;
	v35 =	vld.idx.msk [tilespmem:v35+s0+$0x0], $0xffff  }
0x166: {  	[tilespmem:s20+$0x10E10] =	vst v37;
	v42 =	vadd.f32 v55, v44;
	v36 =	vadd.f32 v59, v36  }
0x167: {  	[tilespmem:s20+$0x10E20] =	vst v34;
	v33 =	vadd.f32 v52, v63;
	v43 =	vadd.f32 v62, v39  }
0x168: {  	[tilespmem:s20+$0x10E30] =	vst v38;
	v37 =	vadd.f32 v56, v42;
	v36 =	vadd.f32 v41, v36  }
0x169: {  	[tilespmem:s20+$0x10E40] =	vst v33;
	v44 =	vadd.f32 v45, v43  }
0x16a: {  	[tilespmem:s20+$0x10E50] =	vst v37;
	v45 =	vadd.f32 v35, v36  }
0x16b: {  	[tilespmem:s20+$0x10E60] =	vst v44  }
0x16c: {  	s12 =	rddreg [dreg:$0x8];
	[tilespmem:s20+$0x10E70] =	vst v45  }
0x16d: {  	[tilespmem:s26], [sflag:$0x2] =	stream.linear.gather [hbm4b:s12+s2], $0x8000, $0x38;
	[tilespmem:$0x12800] =	vst v63  }
0x16e: {  	s11 =	rddreg [dreg:$0xa];
	s12 =	simm.s32 $0x10C00  }
0x16f: {  	[hbm4b:s11+s2] =	stream.linear.scatter [tilespmem:s12], [sflag:$0x4], $0x400, $0x38;
	[tilespmem:$0x12800] =	vst v63  }
0x170: {  	_ =	swait.ge [sflag:s3], $0x8000  }
0x171: {  	[sflag:s3] =	ssyncset.done $0x0  }
0x172: {  	[sflag:s3] =	ssyncadd.s32 $0xFFFF8000  }
0x173: {  	v46 =	vld.idx.msk [tilespmem:v0+s2+$0x0], $0xffff  }
0x174: {  	v47 =	vld.idx.msk [tilespmem:v2+s2+$0x0], $0xffff  }
0x175: {  	v48 =	vld.idx.msk [tilespmem:v3+s2+$0x0], $0xffff  }
0x176: {  	v49 =	vld.idx.msk [tilespmem:v4+s2+$0x0], $0xffff  }
0x177: {  	v50 =	vld.idx.msk [tilespmem:v5+s2+$0x0], $0xffff  }
0x178: {  	v51 =	vld.idx.msk [tilespmem:v6+s2+$0x0], $0xffff  }
0x179: {  	v52 =	vld.idx.msk [tilespmem:v7+s2+$0x0], $0xffff  }
0x17a: {  	v53 =	vld.idx.msk [tilespmem:v8+s2+$0x0], $0xffff  }
0x17b: {  	v54 =	vld.idx.msk [tilespmem:v9+s2+$0x0], $0xffff  }
0x17c: {  	v55 =	vld.idx.msk [tilespmem:v10+s2+$0x0], $0xffff  }
0x17d: {  	v56 =	vld.idx.msk [tilespmem:v11+s2+$0x0], $0xffff  }
0x17e: {  	v57 =	vld.idx.msk [tilespmem:v12+s2+$0x0], $0xffff  }
0x17f: {  	v58 =	vld.idx.msk [tilespmem:v13+s2+$0x0], $0xffff  }
0x180: {  	v59 =	vld.idx.msk [tilespmem:v14+s2+$0x0], $0xffff  }
0x181: {  	v60 =	vld.idx.msk [tilespmem:v15+s2+$0x0], $0xffff  }
0x182: {  	v61 =	vld.idx.msk [tilespmem:v16+s2+$0x0], $0xffff  }
0x183: {  	v62 =	vld.idx.msk [tilespmem:v21+s2+$0x0], $0xffff  }
0x184: {  	v63 =	vld.idx.msk [tilespmem:v22+s2+$0x0], $0xffff  }
0x185: {  	v33 =	vld.idx.msk [tilespmem:v46+s30+$0x0], $0xffff  }
0x186: {  	v34 =	vld.idx.msk [tilespmem:v47+s31+$0x0], $0xffff  }
0x187: {  	v35 =	vld.idx.msk [tilespmem:v48+s1+$0x0], $0xffff  }
0x188: {  	v36 =	vld.idx.msk [tilespmem:v49+s0+$0x0], $0xffff  }
0x189: {  	v37 =	vld.idx.msk [tilespmem:v50+s30+$0x0], $0xffff  }
0x18a: {  	v38 =	vld.idx.msk [tilespmem:v51+s31+$0x0], $0xffff  }
0x18b: {  	v39 =	vld.idx.msk [tilespmem:v52+s1+$0x0], $0xffff  }
0x18c: {  	v40 =	vld.idx.msk [tilespmem:v53+s0+$0x0], $0xffff  }
0x18d: {  	v41 =	vld.idx.msk [tilespmem:v54+s30+$0x0], $0xffff  }
0x18e: {  	v42 =	vld.idx.msk [tilespmem:v55+s31+$0x0], $0xffff  }
0x18f: {  	v43 =	vld.idx.msk [tilespmem:v56+s1+$0x0], $0xffff  }
0x190: {  	v44 =	vld.idx.msk [tilespmem:v57+s0+$0x0], $0xffff  }
0x191: {  	v45 =	vld.idx.msk [tilespmem:v58+s30+$0x0], $0xffff  }
0x192: {  	v46 =	vld.idx.msk [tilespmem:v59+s31+$0x0], $0xffff  }
0x193: {  	v47 =	vld.idx.msk [tilespmem:v60+s1+$0x0], $0xffff  }
0x194: {  	v48 =	vld.idx.msk [tilespmem:v61+s0+$0x0], $0xffff  }
0x195: {  	v49 =	vld.idx.msk [tilespmem:v17+s2+$0x0], $0xffff  }
0x196: {  	v50 =	vld.idx.msk [tilespmem:v18+s2+$0x0], $0xffff  }
0x197: {  	v51 =	vld.idx.msk [tilespmem:v19+s2+$0x0], $0xffff  }
0x198: {  	v52 =	vld.idx.msk [tilespmem:v20+s2+$0x0], $0xffff  }
0x199: {  	v60 =	vld.idx.msk [tilespmem:v23+s2+$0x0], $0xffff  }
0x19a: {  	v61 =	vld.idx.msk [tilespmem:v24+s2+$0x0], $0xffff  }
0x19b: {  	v53 =	vld.idx.msk [tilespmem:v62+s30+$0x0], $0xffff  }
0x19c: {  	v54 =	vld.idx.msk [tilespmem:v63+s31+$0x0], $0xffff  }
0x19d: {  	v57 =	vld.idx.msk [tilespmem:v25+s2+$0x0], $0xffff  }
0x19e: {  	v58 =	vld.idx.msk [tilespmem:v29+s2+$0x0], $0xffff  }
0x19f: {  	v59 =	vld.idx.msk [tilespmem:v26+s2+$0x0], $0xffff  }
0x1a0: {  	v62 =	vadd.f32 $0.0e+00, v41;
	v41 =	vld.idx.msk [tilespmem:v31+s2+$0x0], $0xffff  }
0x1a1: {  	v63 =	vadd.f32 $0.0e+00, v45;
	v45 =	vld.idx.msk [tilespmem:v28+s2+$0x0], $0xffff  }
0x1a2: {  	v49 =	vld.idx.msk [tilespmem:v49+s30+$0x0], $0xffff  }
0x1a3: {  	v50 =	vld.idx.msk [tilespmem:v50+s31+$0x0], $0xffff  }
0x1a4: {  	v55 =	vld.idx.msk [tilespmem:v60+s1+$0x0], $0xffff  }
0x1a5: {  	v56 =	vld.idx.msk [tilespmem:v61+s0+$0x0], $0xffff  }
0x1a6: {  	v33 =	vadd.f32 $0.0e+00, v33;
	v60 =	vld.idx.msk [tilespmem:v30+s2+$0x0], $0xffff  }
0x1a7: {  	v37 =	vadd.f32 $0.0e+00, v37;
	v61 =	vld.idx.msk [tilespmem:v27+s2+$0x0], $0xffff  }
0x1a8: {  	v33 =	vadd.f32 v34, v33;
	v51 =	vld.idx.msk [tilespmem:v51+s1+$0x0], $0xffff  }
0x1a9: {  	v37 =	vadd.f32 v38, v37;
	v52 =	vld.idx.msk [tilespmem:v52+s0+$0x0], $0xffff  }
0x1aa: {  	v34 =	vadd.f32 v42, v62;
	v33 =	vadd.f32 v35, v33;
	v35 =	vld.idx.msk [tilespmem:v32+s2+$0x0], $0xffff  }
0x1ab: {  	v38 =	vadd.f32 v46, v63;
	v37 =	vadd.f32 v39, v37;
	v39 =	vld.idx.msk [tilespmem:v57+s30+$0x0], $0xffff  }
0x1ac: {  	v62 =	vadd.f32 $0.0e+00, v53;
	v34 =	vadd.f32 v43, v34;
	v57 =	vld.idx.msk [tilespmem:v58+s30+$0x0], $0xffff  }
0x1ad: {  	v38 =	vadd.f32 v47, v38;
	v58 =	vld.idx.msk [tilespmem:v59+s31+$0x0], $0xffff;
	v33 =	vadd.f32 v36, v33  }
0x1ae: {  	v37 =	vadd.f32 v40, v37;
	v34 =	vadd.f32 v44, v34;
	v60 =	vld.idx.msk [tilespmem:v60+s31+$0x0], $0xffff  }
0x1af: {  	v38 =	vadd.f32 v48, v38;
	v59 =	vadd.f32 $0.0e+00, v49;
	v63 =	vld.idx.msk [tilespmem:v61+s1+$0x0], $0xffff  }
0x1b0: {  	v44 =	vadd.f32 v54, v62;
	v41 =	vld.idx.msk [tilespmem:v41+s1+$0x0], $0xffff;
	v39 =	vadd.f32 $0.0e+00, v39  }
0x1b1: {  	v45 =	vld.idx.msk [tilespmem:v45+s0+$0x0], $0xffff;
	v36 =	vadd.f32 $0.0e+00, v57;
	v42 =	vadd.f32 v50, v59  }
0x1b2: {  	[tilespmem:s20+$0x11000] =	vst v33;
	v47 =	vadd.f32 v55, v44;
	v39 =	vadd.f32 v58, v39;
	v35 =	vld.idx.msk [tilespmem:v35+s0+$0x0], $0xffff  }
0x1b3: {  	[tilespmem:s20+$0x11010] =	vst v37;
	v42 =	vadd.f32 v51, v42;
	v36 =	vadd.f32 v60, v36  }
0x1b4: {  	[tilespmem:s20+$0x11020] =	vst v34;
	v37 =	vadd.f32 v56, v47;
	v48 =	vadd.f32 v63, v39  }
0x1b5: {  	[tilespmem:s20+$0x11030] =	vst v38;
	v33 =	vadd.f32 v52, v42;
	v36 =	vadd.f32 v41, v36  }
0x1b6: {  	[tilespmem:s20+$0x11050] =	vst v37;
	v49 =	vadd.f32 v45, v48  }
0x1b7: {  	[tilespmem:s20+$0x11040] =	vst v33;
	v50 =	vadd.f32 v35, v36  }
0x1b8: {  	[tilespmem:s20+$0x11060] =	vst v49  }
0x1b9: {  	[tilespmem:s20+$0x11070] =	vst v50  }
0x1ba: {  	v33 =	vld.idx.msk [tilespmem:v0+s6+$0x0], $0xffff  }
0x1bb: {  	v34 =	vld.idx.msk [tilespmem:v2+s6+$0x0], $0xffff  }
0x1bc: {  	v51 =	vld.idx.msk [tilespmem:v3+s6+$0x0], $0xffff  }
0x1bd: {  	v52 =	vld.idx.msk [tilespmem:v4+s6+$0x0], $0xffff  }
0x1be: {  	v37 =	vld.idx.msk [tilespmem:v5+s6+$0x0], $0xffff  }
0x1bf: {  	v38 =	vld.idx.msk [tilespmem:v6+s6+$0x0], $0xffff  }
0x1c0: {  	v53 =	vld.idx.msk [tilespmem:v7+s6+$0x0], $0xffff  }
0x1c1: {  	v54 =	vld.idx.msk [tilespmem:v8+s6+$0x0], $0xffff  }
0x1c2: {  	v55 =	vld.idx.msk [tilespmem:v9+s6+$0x0], $0xffff  }
0x1c3: {  	v56 =	vld.idx.msk [tilespmem:v10+s6+$0x0], $0xffff  }
0x1c4: {  	v57 =	vld.idx.msk [tilespmem:v11+s6+$0x0], $0xffff  }
0x1c5: {  	v58 =	vld.idx.msk [tilespmem:v12+s6+$0x0], $0xffff  }
0x1c6: {  	v59 =	vld.idx.msk [tilespmem:v13+s6+$0x0], $0xffff  }
0x1c7: {  	v60 =	vld.idx.msk [tilespmem:v14+s6+$0x0], $0xffff  }
0x1c8: {  	v61 =	vld.idx.msk [tilespmem:v15+s6+$0x0], $0xffff  }
0x1c9: {  	v62 =	vld.idx.msk [tilespmem:v16+s6+$0x0], $0xffff  }
0x1ca: {  	v49 =	vld.idx.msk [tilespmem:v17+s6+$0x0], $0xffff  }
0x1cb: {  	v50 =	vld.idx.msk [tilespmem:v18+s6+$0x0], $0xffff  }
0x1cc: {  	v63 =	vld.idx.msk [tilespmem:v21+s6+$0x0], $0xffff  }
0x1cd: {  	v33 =	vld.idx.msk [tilespmem:v33+s30+$0x0], $0xffff  }
0x1ce: {  	v34 =	vld.idx.msk [tilespmem:v34+s31+$0x0], $0xffff  }
0x1cf: {  	v35 =	vld.idx.msk [tilespmem:v51+s1+$0x0], $0xffff  }
0x1d0: {  	v36 =	vld.idx.msk [tilespmem:v52+s0+$0x0], $0xffff  }
0x1d1: {  	v37 =	vld.idx.msk [tilespmem:v37+s30+$0x0], $0xffff  }
0x1d2: {  	v38 =	vld.idx.msk [tilespmem:v38+s31+$0x0], $0xffff  }
0x1d3: {  	v39 =	vld.idx.msk [tilespmem:v53+s1+$0x0], $0xffff  }
0x1d4: {  	v40 =	vld.idx.msk [tilespmem:v54+s0+$0x0], $0xffff  }
0x1d5: {  	v41 =	vld.idx.msk [tilespmem:v55+s30+$0x0], $0xffff  }
0x1d6: {  	v42 =	vld.idx.msk [tilespmem:v56+s31+$0x0], $0xffff  }
0x1d7: {  	v43 =	vld.idx.msk [tilespmem:v57+s1+$0x0], $0xffff  }
0x1d8: {  	v44 =	vld.idx.msk [tilespmem:v58+s0+$0x0], $0xffff  }
0x1d9: {  	v45 =	vld.idx.msk [tilespmem:v59+s30+$0x0], $0xffff  }
0x1da: {  	v46 =	vld.idx.msk [tilespmem:v60+s31+$0x0], $0xffff  }
0x1db: {  	v47 =	vld.idx.msk [tilespmem:v61+s1+$0x0], $0xffff  }
0x1dc: {  	v48 =	vld.idx.msk [tilespmem:v62+s0+$0x0], $0xffff  }
0x1dd: {  	v51 =	vld.idx.msk [tilespmem:v19+s6+$0x0], $0xffff  }
0x1de: {  	v52 =	vld.idx.msk [tilespmem:v20+s6+$0x0], $0xffff  }
0x1df: {  	v60 =	vld.idx.msk [tilespmem:v22+s6+$0x0], $0xffff  }
0x1e0: {  	v61 =	vld.idx.msk [tilespmem:v23+s6+$0x0], $0xffff  }
0x1e1: {  	v62 =	vld.idx.msk [tilespmem:v24+s6+$0x0], $0xffff  }
0x1e2: {  	v49 =	vld.idx.msk [tilespmem:v49+s30+$0x0], $0xffff  }
0x1e3: {  	v50 =	vld.idx.msk [tilespmem:v50+s31+$0x0], $0xffff  }
0x1e4: {  	v53 =	vld.idx.msk [tilespmem:v63+s30+$0x0], $0xffff  }
0x1e5: {  	v57 =	vld.idx.msk [tilespmem:v25+s6+$0x0], $0xffff  }
0x1e6: {  	v58 =	vld.idx.msk [tilespmem:v29+s6+$0x0], $0xffff  }
0x1e7: {  	v59 =	vld.idx.msk [tilespmem:v26+s6+$0x0], $0xffff  }
0x1e8: {  	v63 =	vadd.f32 $0.0e+00, v41;
	v41 =	vld.idx.msk [tilespmem:v31+s6+$0x0], $0xffff  }
0x1e9: {  	v51 =	vld.idx.msk [tilespmem:v51+s1+$0x0], $0xffff  }
0x1ea: {  	v54 =	vld.idx.msk [tilespmem:v60+s31+$0x0], $0xffff  }
0x1eb: {  	v55 =	vld.idx.msk [tilespmem:v61+s1+$0x0], $0xffff  }
0x1ec: {  	v56 =	vld.idx.msk [tilespmem:v62+s0+$0x0], $0xffff  }
0x1ed: {  	v33 =	vadd.f32 $0.0e+00, v33;
	v60 =	vld.idx.msk [tilespmem:v30+s6+$0x0], $0xffff  }
0x1ee: {  	v37 =	vadd.f32 $0.0e+00, v37;
	v61 =	vld.idx.msk [tilespmem:v27+s6+$0x0], $0xffff  }
0x1ef: {  	v33 =	vadd.f32 v34, v33;
	v62 =	vadd.f32 $0.0e+00, v45;
	v45 =	vld.idx.msk [tilespmem:v28+s6+$0x0], $0xffff  }
0x1f0: {  	v37 =	vadd.f32 v38, v37;
	v34 =	vadd.f32 v42, v63;
	v63 =	vld.idx.msk [tilespmem:v58+s30+$0x0], $0xffff  }
0x1f1: {  	v33 =	vadd.f32 v35, v33;
	v35 =	vld.idx.msk [tilespmem:v32+s6+$0x0], $0xffff  }
0x1f2: {  	v58 =	vadd.f32 $0.0e+00, v49;
	v37 =	vadd.f32 v39, v37;
	v39 =	vld.idx.msk [tilespmem:v57+s30+$0x0], $0xffff  }
0x1f3: {  	v52 =	vld.idx.msk [tilespmem:v52+s0+$0x0], $0xffff;
	v34 =	vadd.f32 v43, v34;
	v38 =	vadd.f32 v46, v62  }
0x1f4: {  	v57 =	vld.idx.msk [tilespmem:v59+s31+$0x0], $0xffff;
	v42 =	vadd.f32 v50, v58;
	v33 =	vadd.f32 v36, v33  }
0x1f5: {  	v37 =	vadd.f32 v40, v37;
	v34 =	vadd.f32 v44, v34;
	v59 =	vld.idx.msk [tilespmem:v60+s31+$0x0], $0xffff  }
0x1f6: {  	v38 =	vadd.f32 v47, v38;
	v60 =	vadd.f32 $0.0e+00, v53;
	v62 =	vld.idx.msk [tilespmem:v61+s1+$0x0], $0xffff  }
0x1f7: {  	v41 =	vld.idx.msk [tilespmem:v41+s1+$0x0], $0xffff;
	v36 =	vadd.f32 $0.0e+00, v63;
	v39 =	vadd.f32 $0.0e+00, v39  }
0x1f8: {  	v63 =	vadd.f32 v51, v42;
	v45 =	vld.idx.msk [tilespmem:v45+s0+$0x0], $0xffff;
	v44 =	vadd.f32 v54, v60  }
0x1f9: {  	[tilespmem:s20+$0x11200] =	vst v33;
	v38 =	vadd.f32 v48, v38;
	v39 =	vadd.f32 v57, v39;
	v35 =	vld.idx.msk [tilespmem:v35+s0+$0x0], $0xffff  }
0x1fa: {  	[tilespmem:s20+$0x11210] =	vst v37;
	v42 =	vadd.f32 v55, v44;
	v36 =	vadd.f32 v59, v36  }
0x1fb: {  	[tilespmem:s20+$0x11220] =	vst v34;
	v33 =	vadd.f32 v52, v63;
	v43 =	vadd.f32 v62, v39  }
0x1fc: {  	[tilespmem:s20+$0x11230] =	vst v38;
	v37 =	vadd.f32 v56, v42;
	v36 =	vadd.f32 v41, v36  }
0x1fd: {  	[tilespmem:s20+$0x11240] =	vst v33;
	v44 =	vadd.f32 v45, v43  }
0x1fe: {  	[tilespmem:s20+$0x11250] =	vst v37;
	v45 =	vadd.f32 v35, v36  }
0x1ff: {  	[tilespmem:s20+$0x11260] =	vst v44  }
0x200: {  	[tilespmem:s20+$0x11270] =	vst v45  }
0x201: {  	[tilespmem:s2], [sflag:$0x1] =	stream.linear.gather [hbm4b:s14+s2], $0x8000, $0x38;
	[tilespmem:$0x12800] =	vst v63  }
0x202: {  	s12 =	simm.s32 $0x11000  }
0x203: {  	[hbm4b:s13+s2] =	stream.linear.scatter [tilespmem:s12], [sflag:$0x4], $0x400, $0x38;
	[tilespmem:$0x12800] =	vst v63  }
0x204: {  	_ =	swait.ge [sflag:s7], $0x8000  }
0x205: {  	[sflag:s7] =	ssyncset.done $0x0  }
0x206: {  	[sflag:s7] =	ssyncadd.s32 $0xFFFF8000  }
0x207: {  	v46 =	vld.idx.msk [tilespmem:v0+s26+$0x0], $0xffff  }
0x208: {  	v47 =	vld.idx.msk [tilespmem:v2+s26+$0x0], $0xffff  }
0x209: {  	v48 =	vld.idx.msk [tilespmem:v3+s26+$0x0], $0xffff  }
0x20a: {  	v49 =	vld.idx.msk [tilespmem:v4+s26+$0x0], $0xffff  }
0x20b: {  	v50 =	vld.idx.msk [tilespmem:v5+s26+$0x0], $0xffff  }
0x20c: {  	v51 =	vld.idx.msk [tilespmem:v6+s26+$0x0], $0xffff  }
0x20d: {  	v52 =	vld.idx.msk [tilespmem:v7+s26+$0x0], $0xffff  }
0x20e: {  	v53 =	vld.idx.msk [tilespmem:v8+s26+$0x0], $0xffff  }
0x20f: {  	v54 =	vld.idx.msk [tilespmem:v9+s26+$0x0], $0xffff  }
0x210: {  	v55 =	vld.idx.msk [tilespmem:v10+s26+$0x0], $0xffff  }
0x211: {  	v56 =	vld.idx.msk [tilespmem:v11+s26+$0x0], $0xffff  }
0x212: {  	v57 =	vld.idx.msk [tilespmem:v12+s26+$0x0], $0xffff  }
0x213: {  	v58 =	vld.idx.msk [tilespmem:v13+s26+$0x0], $0xffff  }
0x214: {  	v59 =	vld.idx.msk [tilespmem:v14+s26+$0x0], $0xffff  }
0x215: {  	v60 =	vld.idx.msk [tilespmem:v15+s26+$0x0], $0xffff  }
0x216: {  	v61 =	vld.idx.msk [tilespmem:v16+s26+$0x0], $0xffff  }
0x217: {  	v62 =	vld.idx.msk [tilespmem:v21+s26+$0x0], $0xffff  }
0x218: {  	v63 =	vld.idx.msk [tilespmem:v22+s26+$0x0], $0xffff  }
0x219: {  	v33 =	vld.idx.msk [tilespmem:v46+s30+$0x0], $0xffff  }
0x21a: {  	v34 =	vld.idx.msk [tilespmem:v47+s31+$0x0], $0xffff  }
0x21b: {  	v35 =	vld.idx.msk [tilespmem:v48+s1+$0x0], $0xffff  }
0x21c: {  	v36 =	vld.idx.msk [tilespmem:v49+s0+$0x0], $0xffff  }
0x21d: {  	v37 =	vld.idx.msk [tilespmem:v50+s30+$0x0], $0xffff  }
0x21e: {  	v38 =	vld.idx.msk [tilespmem:v51+s31+$0x0], $0xffff  }
0x21f: {  	v39 =	vld.idx.msk [tilespmem:v52+s1+$0x0], $0xffff  }
0x220: {  	v40 =	vld.idx.msk [tilespmem:v53+s0+$0x0], $0xffff  }
0x221: {  	v41 =	vld.idx.msk [tilespmem:v54+s30+$0x0], $0xffff  }
0x222: {  	v42 =	vld.idx.msk [tilespmem:v55+s31+$0x0], $0xffff  }
0x223: {  	v43 =	vld.idx.msk [tilespmem:v56+s1+$0x0], $0xffff  }
0x224: {  	v44 =	vld.idx.msk [tilespmem:v57+s0+$0x0], $0xffff  }
0x225: {  	v45 =	vld.idx.msk [tilespmem:v58+s30+$0x0], $0xffff  }
0x226: {  	v46 =	vld.idx.msk [tilespmem:v59+s31+$0x0], $0xffff  }
0x227: {  	v47 =	vld.idx.msk [tilespmem:v60+s1+$0x0], $0xffff  }
0x228: {  	v48 =	vld.idx.msk [tilespmem:v61+s0+$0x0], $0xffff  }
0x229: {  	v49 =	vld.idx.msk [tilespmem:v17+s26+$0x0], $0xffff  }
0x22a: {  	v50 =	vld.idx.msk [tilespmem:v18+s26+$0x0], $0xffff  }
0x22b: {  	v51 =	vld.idx.msk [tilespmem:v19+s26+$0x0], $0xffff  }
0x22c: {  	v52 =	vld.idx.msk [tilespmem:v20+s26+$0x0], $0xffff  }
0x22d: {  	v60 =	vld.idx.msk [tilespmem:v23+s26+$0x0], $0xffff  }
0x22e: {  	v61 =	vld.idx.msk [tilespmem:v24+s26+$0x0], $0xffff  }
0x22f: {  	v53 =	vld.idx.msk [tilespmem:v62+s30+$0x0], $0xffff  }
0x230: {  	v54 =	vld.idx.msk [tilespmem:v63+s31+$0x0], $0xffff  }
0x231: {  	v57 =	vld.idx.msk [tilespmem:v25+s26+$0x0], $0xffff  }
0x232: {  	v58 =	vld.idx.msk [tilespmem:v29+s26+$0x0], $0xffff  }
0x233: {  	v59 =	vld.idx.msk [tilespmem:v26+s26+$0x0], $0xffff  }
0x234: {  	v62 =	vadd.f32 $0.0e+00, v41;
	v41 =	vld.idx.msk [tilespmem:v31+s26+$0x0], $0xffff  }
0x235: {  	v63 =	vadd.f32 $0.0e+00, v45;
	v45 =	vld.idx.msk [tilespmem:v28+s26+$0x0], $0xffff  }
0x236: {  	v49 =	vld.idx.msk [tilespmem:v49+s30+$0x0], $0xffff  }
0x237: {  	v50 =	vld.idx.msk [tilespmem:v50+s31+$0x0], $0xffff  }
0x238: {  	v55 =	vld.idx.msk [tilespmem:v60+s1+$0x0], $0xffff  }
0x239: {  	v56 =	vld.idx.msk [tilespmem:v61+s0+$0x0], $0xffff  }
0x23a: {  	v33 =	vadd.f32 $0.0e+00, v33;
	v60 =	vld.idx.msk [tilespmem:v30+s26+$0x0], $0xffff  }
0x23b: {  	v37 =	vadd.f32 $0.0e+00, v37;
	v61 =	vld.idx.msk [tilespmem:v27+s26+$0x0], $0xffff  }
0x23c: {  	v33 =	vadd.f32 v34, v33;
	v51 =	vld.idx.msk [tilespmem:v51+s1+$0x0], $0xffff  }
0x23d: {  	v37 =	vadd.f32 v38, v37;
	v52 =	vld.idx.msk [tilespmem:v52+s0+$0x0], $0xffff  }
0x23e: {  	v34 =	vadd.f32 v42, v62;
	v33 =	vadd.f32 v35, v33;
	v35 =	vld.idx.msk [tilespmem:v32+s26+$0x0], $0xffff  }
0x23f: {  	v38 =	vadd.f32 v46, v63;
	v37 =	vadd.f32 v39, v37;
	v39 =	vld.idx.msk [tilespmem:v57+s30+$0x0], $0xffff  }
0x240: {  	v62 =	vadd.f32 $0.0e+00, v53;
	v34 =	vadd.f32 v43, v34;
	v57 =	vld.idx.msk [tilespmem:v58+s30+$0x0], $0xffff  }
0x241: {  	v38 =	vadd.f32 v47, v38;
	v58 =	vld.idx.msk [tilespmem:v59+s31+$0x0], $0xffff;
	v33 =	vadd.f32 v36, v33  }
0x242: {  	v37 =	vadd.f32 v40, v37;
	v34 =	vadd.f32 v44, v34;
	v60 =	vld.idx.msk [tilespmem:v60+s31+$0x0], $0xffff  }
0x243: {  	v38 =	vadd.f32 v48, v38;
	v59 =	vadd.f32 $0.0e+00, v49;
	v63 =	vld.idx.msk [tilespmem:v61+s1+$0x0], $0xffff  }
0x244: {  	v44 =	vadd.f32 v54, v62;
	v41 =	vld.idx.msk [tilespmem:v41+s1+$0x0], $0xffff;
	v39 =	vadd.f32 $0.0e+00, v39  }
0x245: {  	v45 =	vld.idx.msk [tilespmem:v45+s0+$0x0], $0xffff;
	v36 =	vadd.f32 $0.0e+00, v57;
	v42 =	vadd.f32 v50, v59  }
0x246: {  	[tilespmem:s20+$0x11400] =	vst v33;
	v47 =	vadd.f32 v55, v44;
	v39 =	vadd.f32 v58, v39;
	v35 =	vld.idx.msk [tilespmem:v35+s0+$0x0], $0xffff  }
0x247: {  	[tilespmem:s20+$0x11410] =	vst v37;
	v42 =	vadd.f32 v51, v42;
	v36 =	vadd.f32 v60, v36  }
0x248: {  	[tilespmem:s20+$0x11420] =	vst v34;
	v37 =	vadd.f32 v56, v47;
	v48 =	vadd.f32 v63, v39  }
0x249: {  	[tilespmem:s20+$0x11430] =	vst v38;
	v33 =	vadd.f32 v52, v42;
	v36 =	vadd.f32 v41, v36  }
0x24a: {  	[tilespmem:s20+$0x11450] =	vst v37;
	v49 =	vadd.f32 v45, v48  }
0x24b: {  	[tilespmem:s20+$0x11440] =	vst v33;
	v50 =	vadd.f32 v35, v36  }
0x24c: {  	[tilespmem:s20+$0x11460] =	vst v49  }
0x24d: {  	[tilespmem:s20+$0x11470] =	vst v50  }
0x24e: {  	v33 =	vld.idx.msk [tilespmem:v0+s8+$0x0], $0xffff  }
0x24f: {  	v34 =	vld.idx.msk [tilespmem:v2+s8+$0x0], $0xffff  }
0x250: {  	v51 =	vld.idx.msk [tilespmem:v3+s8+$0x0], $0xffff  }
0x251: {  	v52 =	vld.idx.msk [tilespmem:v4+s8+$0x0], $0xffff  }
0x252: {  	v37 =	vld.idx.msk [tilespmem:v5+s8+$0x0], $0xffff  }
0x253: {  	v38 =	vld.idx.msk [tilespmem:v6+s8+$0x0], $0xffff  }
0x254: {  	v53 =	vld.idx.msk [tilespmem:v7+s8+$0x0], $0xffff  }
0x255: {  	v54 =	vld.idx.msk [tilespmem:v8+s8+$0x0], $0xffff  }
0x256: {  	v55 =	vld.idx.msk [tilespmem:v9+s8+$0x0], $0xffff  }
0x257: {  	v56 =	vld.idx.msk [tilespmem:v10+s8+$0x0], $0xffff  }
0x258: {  	v57 =	vld.idx.msk [tilespmem:v11+s8+$0x0], $0xffff  }
0x259: {  	v58 =	vld.idx.msk [tilespmem:v12+s8+$0x0], $0xffff  }
0x25a: {  	v59 =	vld.idx.msk [tilespmem:v13+s8+$0x0], $0xffff  }
0x25b: {  	v60 =	vld.idx.msk [tilespmem:v14+s8+$0x0], $0xffff  }
0x25c: {  	v61 =	vld.idx.msk [tilespmem:v15+s8+$0x0], $0xffff  }
0x25d: {  	v62 =	vld.idx.msk [tilespmem:v16+s8+$0x0], $0xffff  }
0x25e: {  	v49 =	vld.idx.msk [tilespmem:v17+s8+$0x0], $0xffff  }
0x25f: {  	v50 =	vld.idx.msk [tilespmem:v18+s8+$0x0], $0xffff  }
0x260: {  	v63 =	vld.idx.msk [tilespmem:v21+s8+$0x0], $0xffff  }
0x261: {  	v33 =	vld.idx.msk [tilespmem:v33+s30+$0x0], $0xffff  }
0x262: {  	v34 =	vld.idx.msk [tilespmem:v34+s31+$0x0], $0xffff  }
0x263: {  	v35 =	vld.idx.msk [tilespmem:v51+s1+$0x0], $0xffff  }
0x264: {  	v36 =	vld.idx.msk [tilespmem:v52+s0+$0x0], $0xffff  }
0x265: {  	v37 =	vld.idx.msk [tilespmem:v37+s30+$0x0], $0xffff  }
0x266: {  	v38 =	vld.idx.msk [tilespmem:v38+s31+$0x0], $0xffff  }
0x267: {  	v39 =	vld.idx.msk [tilespmem:v53+s1+$0x0], $0xffff  }
0x268: {  	v40 =	vld.idx.msk [tilespmem:v54+s0+$0x0], $0xffff  }
0x269: {  	v41 =	vld.idx.msk [tilespmem:v55+s30+$0x0], $0xffff  }
0x26a: {  	v42 =	vld.idx.msk [tilespmem:v56+s31+$0x0], $0xffff  }
0x26b: {  	v43 =	vld.idx.msk [tilespmem:v57+s1+$0x0], $0xffff  }
0x26c: {  	v44 =	vld.idx.msk [tilespmem:v58+s0+$0x0], $0xffff  }
0x26d: {  	v45 =	vld.idx.msk [tilespmem:v59+s30+$0x0], $0xffff  }
0x26e: {  	v46 =	vld.idx.msk [tilespmem:v60+s31+$0x0], $0xffff  }
0x26f: {  	v47 =	vld.idx.msk [tilespmem:v61+s1+$0x0], $0xffff  }
0x270: {  	v48 =	vld.idx.msk [tilespmem:v62+s0+$0x0], $0xffff  }
0x271: {  	v51 =	vld.idx.msk [tilespmem:v19+s8+$0x0], $0xffff  }
0x272: {  	v52 =	vld.idx.msk [tilespmem:v20+s8+$0x0], $0xffff  }
0x273: {  	v60 =	vld.idx.msk [tilespmem:v22+s8+$0x0], $0xffff  }
0x274: {  	v61 =	vld.idx.msk [tilespmem:v23+s8+$0x0], $0xffff  }
0x275: {  	v62 =	vld.idx.msk [tilespmem:v24+s8+$0x0], $0xffff  }
0x276: {  	v49 =	vld.idx.msk [tilespmem:v49+s30+$0x0], $0xffff  }
0x277: {  	v50 =	vld.idx.msk [tilespmem:v50+s31+$0x0], $0xffff  }
0x278: {  	v53 =	vld.idx.msk [tilespmem:v63+s30+$0x0], $0xffff  }
0x279: {  	v57 =	vld.idx.msk [tilespmem:v25+s8+$0x0], $0xffff  }
0x27a: {  	v58 =	vld.idx.msk [tilespmem:v29+s8+$0x0], $0xffff  }
0x27b: {  	v59 =	vld.idx.msk [tilespmem:v26+s8+$0x0], $0xffff  }
0x27c: {  	v63 =	vadd.f32 $0.0e+00, v41;
	v41 =	vld.idx.msk [tilespmem:v31+s8+$0x0], $0xffff  }
0x27d: {  	v51 =	vld.idx.msk [tilespmem:v51+s1+$0x0], $0xffff  }
0x27e: {  	v54 =	vld.idx.msk [tilespmem:v60+s31+$0x0], $0xffff  }
0x27f: {  	v55 =	vld.idx.msk [tilespmem:v61+s1+$0x0], $0xffff  }
0x280: {  	v56 =	vld.idx.msk [tilespmem:v62+s0+$0x0], $0xffff  }
0x281: {  	v33 =	vadd.f32 $0.0e+00, v33;
	v60 =	vld.idx.msk [tilespmem:v30+s8+$0x0], $0xffff  }
0x282: {  	v37 =	vadd.f32 $0.0e+00, v37;
	v61 =	vld.idx.msk [tilespmem:v27+s8+$0x0], $0xffff  }
0x283: {  	v33 =	vadd.f32 v34, v33;
	v62 =	vadd.f32 $0.0e+00, v45;
	v45 =	vld.idx.msk [tilespmem:v28+s8+$0x0], $0xffff  }
0x284: {  	v37 =	vadd.f32 v38, v37;
	v34 =	vadd.f32 v42, v63;
	v63 =	vld.idx.msk [tilespmem:v58+s30+$0x0], $0xffff  }
0x285: {  	v33 =	vadd.f32 v35, v33;
	v35 =	vld.idx.msk [tilespmem:v32+s8+$0x0], $0xffff  }
0x286: {  	v58 =	vadd.f32 $0.0e+00, v49;
	v37 =	vadd.f32 v39, v37;
	v39 =	vld.idx.msk [tilespmem:v57+s30+$0x0], $0xffff  }
0x287: {  	v52 =	vld.idx.msk [tilespmem:v52+s0+$0x0], $0xffff;
	v34 =	vadd.f32 v43, v34;
	v38 =	vadd.f32 v46, v62  }
0x288: {  	v57 =	vld.idx.msk [tilespmem:v59+s31+$0x0], $0xffff;
	v42 =	vadd.f32 v50, v58;
	v33 =	vadd.f32 v36, v33  }
0x289: {  	v37 =	vadd.f32 v40, v37;
	v34 =	vadd.f32 v44, v34;
	v59 =	vld.idx.msk [tilespmem:v60+s31+$0x0], $0xffff  }
0x28a: {  	v38 =	vadd.f32 v47, v38;
	v60 =	vadd.f32 $0.0e+00, v53;
	v62 =	vld.idx.msk [tilespmem:v61+s1+$0x0], $0xffff  }
0x28b: {  	v41 =	vld.idx.msk [tilespmem:v41+s1+$0x0], $0xffff;
	v36 =	vadd.f32 $0.0e+00, v63;
	v39 =	vadd.f32 $0.0e+00, v39  }
0x28c: {  	v63 =	vadd.f32 v51, v42;
	v45 =	vld.idx.msk [tilespmem:v45+s0+$0x0], $0xffff;
	v44 =	vadd.f32 v54, v60  }
0x28d: {  	[tilespmem:s20+$0x11600] =	vst v33;
	v38 =	vadd.f32 v48, v38;
	v39 =	vadd.f32 v57, v39;
	v35 =	vld.idx.msk [tilespmem:v35+s0+$0x0], $0xffff  }
0x28e: {  	[tilespmem:s20+$0x11610] =	vst v37;
	v42 =	vadd.f32 v55, v44;
	v36 =	vadd.f32 v59, v36  }
0x28f: {  	[tilespmem:s20+$0x11620] =	vst v34;
	v33 =	vadd.f32 v52, v63;
	v43 =	vadd.f32 v62, v39  }
0x290: {  	[tilespmem:s20+$0x11630] =	vst v38;
	v37 =	vadd.f32 v56, v42;
	v36 =	vadd.f32 v41, v36  }
0x291: {  	[tilespmem:s20+$0x11640] =	vst v33;
	v44 =	vadd.f32 v45, v43  }
0x292: {  	[tilespmem:s20+$0x11650] =	vst v37;
	v45 =	vadd.f32 v35, v36  }
0x293: {  	[tilespmem:s20+$0x11660] =	vst v44  }
0x294: {  	[tilespmem:s20+$0x11670] =	vst v45  }
0x295: {  	[tilespmem:s26], [sflag:$0x2] =	stream.linear.gather [hbm4b:s15+s2], $0x8000, $0x38;
	[tilespmem:$0x12800] =	vst v63  }
0x296: {  	s12 =	simm.s32 $0x11400  }
0x297: {  	[hbm4b:s16+s2] =	stream.linear.scatter [tilespmem:s12], [sflag:$0x4], $0x400, $0x38;
	[tilespmem:$0x12800] =	vst v63  }
0x298: {  	_ =	swait.ge [sflag:s3], $0x8000  }
0x299: {  	[sflag:s3] =	ssyncset.done $0x0  }
0x29a: {  	[sflag:s3] =	ssyncadd.s32 $0xFFFF8000  }
0x29b: {  	v46 =	vld.idx.msk [tilespmem:v0+s2+$0x0], $0xffff  }
0x29c: {  	v47 =	vld.idx.msk [tilespmem:v2+s2+$0x0], $0xffff  }
0x29d: {  	v48 =	vld.idx.msk [tilespmem:v3+s2+$0x0], $0xffff  }
0x29e: {  	v49 =	vld.idx.msk [tilespmem:v4+s2+$0x0], $0xffff  }
0x29f: {  	v50 =	vld.idx.msk [tilespmem:v5+s2+$0x0], $0xffff  }
0x2a0: {  	v51 =	vld.idx.msk [tilespmem:v6+s2+$0x0], $0xffff  }
0x2a1: {  	v52 =	vld.idx.msk [tilespmem:v7+s2+$0x0], $0xffff  }
0x2a2: {  	v53 =	vld.idx.msk [tilespmem:v8+s2+$0x0], $0xffff  }
0x2a3: {  	v54 =	vld.idx.msk [tilespmem:v9+s2+$0x0], $0xffff  }
0x2a4: {  	v55 =	vld.idx.msk [tilespmem:v10+s2+$0x0], $0xffff  }
0x2a5: {  	v56 =	vld.idx.msk [tilespmem:v11+s2+$0x0], $0xffff  }
0x2a6: {  	v57 =	vld.idx.msk [tilespmem:v12+s2+$0x0], $0xffff  }
0x2a7: {  	v58 =	vld.idx.msk [tilespmem:v13+s2+$0x0], $0xffff  }
0x2a8: {  	v59 =	vld.idx.msk [tilespmem:v14+s2+$0x0], $0xffff  }
0x2a9: {  	v60 =	vld.idx.msk [tilespmem:v15+s2+$0x0], $0xffff  }
0x2aa: {  	v61 =	vld.idx.msk [tilespmem:v16+s2+$0x0], $0xffff  }
0x2ab: {  	v62 =	vld.idx.msk [tilespmem:v21+s2+$0x0], $0xffff  }
0x2ac: {  	v63 =	vld.idx.msk [tilespmem:v22+s2+$0x0], $0xffff  }
0x2ad: {  	v33 =	vld.idx.msk [tilespmem:v46+s30+$0x0], $0xffff  }
0x2ae: {  	v34 =	vld.idx.msk [tilespmem:v47+s31+$0x0], $0xffff  }
0x2af: {  	v35 =	vld.idx.msk [tilespmem:v48+s1+$0x0], $0xffff  }
0x2b0: {  	v36 =	vld.idx.msk [tilespmem:v49+s0+$0x0], $0xffff  }
0x2b1: {  	v37 =	vld.idx.msk [tilespmem:v50+s30+$0x0], $0xffff  }
0x2b2: {  	v38 =	vld.idx.msk [tilespmem:v51+s31+$0x0], $0xffff  }
0x2b3: {  	v39 =	vld.idx.msk [tilespmem:v52+s1+$0x0], $0xffff  }
0x2b4: {  	v40 =	vld.idx.msk [tilespmem:v53+s0+$0x0], $0xffff  }
0x2b5: {  	v41 =	vld.idx.msk [tilespmem:v54+s30+$0x0], $0xffff  }
0x2b6: {  	v42 =	vld.idx.msk [tilespmem:v55+s31+$0x0], $0xffff  }
0x2b7: {  	v43 =	vld.idx.msk [tilespmem:v56+s1+$0x0], $0xffff  }
0x2b8: {  	v44 =	vld.idx.msk [tilespmem:v57+s0+$0x0], $0xffff  }
0x2b9: {  	v45 =	vld.idx.msk [tilespmem:v58+s30+$0x0], $0xffff  }
0x2ba: {  	v46 =	vld.idx.msk [tilespmem:v59+s31+$0x0], $0xffff  }
0x2bb: {  	v47 =	vld.idx.msk [tilespmem:v60+s1+$0x0], $0xffff  }
0x2bc: {  	v48 =	vld.idx.msk [tilespmem:v61+s0+$0x0], $0xffff  }
0x2bd: {  	v49 =	vld.idx.msk [tilespmem:v17+s2+$0x0], $0xffff  }
0x2be: {  	v50 =	vld.idx.msk [tilespmem:v18+s2+$0x0], $0xffff  }
0x2bf: {  	v51 =	vld.idx.msk [tilespmem:v19+s2+$0x0], $0xffff  }
0x2c0: {  	v52 =	vld.idx.msk [tilespmem:v20+s2+$0x0], $0xffff  }
0x2c1: {  	v60 =	vld.idx.msk [tilespmem:v23+s2+$0x0], $0xffff  }
0x2c2: {  	v61 =	vld.idx.msk [tilespmem:v24+s2+$0x0], $0xffff  }
0x2c3: {  	v53 =	vld.idx.msk [tilespmem:v62+s30+$0x0], $0xffff  }
0x2c4: {  	v54 =	vld.idx.msk [tilespmem:v63+s31+$0x0], $0xffff  }
0x2c5: {  	v57 =	vld.idx.msk [tilespmem:v25+s2+$0x0], $0xffff  }
0x2c6: {  	v58 =	vld.idx.msk [tilespmem:v29+s2+$0x0], $0xffff  }
0x2c7: {  	v59 =	vld.idx.msk [tilespmem:v26+s2+$0x0], $0xffff  }
0x2c8: {  	v62 =	vadd.f32 $0.0e+00, v41;
	v41 =	vld.idx.msk [tilespmem:v31+s2+$0x0], $0xffff  }
0x2c9: {  	v63 =	vadd.f32 $0.0e+00, v45;
	v45 =	vld.idx.msk [tilespmem:v28+s2+$0x0], $0xffff  }
0x2ca: {  	v49 =	vld.idx.msk [tilespmem:v49+s30+$0x0], $0xffff  }
0x2cb: {  	v50 =	vld.idx.msk [tilespmem:v50+s31+$0x0], $0xffff  }
0x2cc: {  	v55 =	vld.idx.msk [tilespmem:v60+s1+$0x0], $0xffff  }
0x2cd: {  	v56 =	vld.idx.msk [tilespmem:v61+s0+$0x0], $0xffff  }
0x2ce: {  	v33 =	vadd.f32 $0.0e+00, v33;
	v60 =	vld.idx.msk [tilespmem:v30+s2+$0x0], $0xffff  }
0x2cf: {  	v37 =	vadd.f32 $0.0e+00, v37;
	v61 =	vld.idx.msk [tilespmem:v27+s2+$0x0], $0xffff  }
0x2d0: {  	v33 =	vadd.f32 v34, v33;
	v51 =	vld.idx.msk [tilespmem:v51+s1+$0x0], $0xffff  }
0x2d1: {  	v37 =	vadd.f32 v38, v37;
	v52 =	vld.idx.msk [tilespmem:v52+s0+$0x0], $0xffff  }
0x2d2: {  	v34 =	vadd.f32 v42, v62;
	v33 =	vadd.f32 v35, v33;
	v35 =	vld.idx.msk [tilespmem:v32+s2+$0x0], $0xffff  }
0x2d3: {  	v38 =	vadd.f32 v46, v63;
	v37 =	vadd.f32 v39, v37;
	v39 =	vld.idx.msk [tilespmem:v57+s30+$0x0], $0xffff  }
0x2d4: {  	v62 =	vadd.f32 $0.0e+00, v53;
	v34 =	vadd.f32 v43, v34;
	v57 =	vld.idx.msk [tilespmem:v58+s30+$0x0], $0xffff  }
0x2d5: {  	v38 =	vadd.f32 v47, v38;
	v58 =	vld.idx.msk [tilespmem:v59+s31+$0x0], $0xffff;
	v33 =	vadd.f32 v36, v33  }
0x2d6: {  	v37 =	vadd.f32 v40, v37;
	v34 =	vadd.f32 v44, v34;
	v60 =	vld.idx.msk [tilespmem:v60+s31+$0x0], $0xffff  }
0x2d7: {  	v38 =	vadd.f32 v48, v38;
	v59 =	vadd.f32 $0.0e+00, v49;
	v63 =	vld.idx.msk [tilespmem:v61+s1+$0x0], $0xffff  }
0x2d8: {  	v44 =	vadd.f32 v54, v62;
	v41 =	vld.idx.msk [tilespmem:v41+s1+$0x0], $0xffff;
	v39 =	vadd.f32 $0.0e+00, v39  }
0x2d9: {  	v45 =	vld.idx.msk [tilespmem:v45+s0+$0x0], $0xffff;
	v36 =	vadd.f32 $0.0e+00, v57;
	v42 =	vadd.f32 v50, v59  }
0x2da: {  	[tilespmem:s20+$0x11800] =	vst v33;
	v44 =	vadd.f32 v55, v44;
	v39 =	vadd.f32 v58, v39;
	v35 =	vld.idx.msk [tilespmem:v35+s0+$0x0], $0xffff  }
0x2db: {  	[tilespmem:s20+$0x11810] =	vst v37;
	v42 =	vadd.f32 v51, v42;
	v36 =	vadd.f32 v60, v36  }
0x2dc: {  	[tilespmem:s20+$0x11820] =	vst v34;
	v37 =	vadd.f32 v56, v44;
	v46 =	vadd.f32 v63, v39  }
0x2dd: {  	[tilespmem:s20+$0x11830] =	vst v38;
	v33 =	vadd.f32 v52, v42;
	v36 =	vadd.f32 v41, v36  }
0x2de: {  	[tilespmem:s20+$0x11850] =	vst v37;
	v47 =	vadd.f32 v45, v46  }
0x2df: {  	[tilespmem:s20+$0x11840] =	vst v33;
	v48 =	vadd.f32 v35, v36  }
0x2e0: {  	[tilespmem:s20+$0x11860] =	vst v47  }
0x2e1: {  	[tilespmem:s20+$0x11870] =	vst v48  }
0x2e2: {  	v33 =	vld.idx.msk [tilespmem:v0+s6+$0x0], $0xffff  }
0x2e3: {  	v34 =	vld.idx.msk [tilespmem:v2+s6+$0x0], $0xffff  }
0x2e4: {  	v49 =	vld.idx.msk [tilespmem:v3+s6+$0x0], $0xffff  }
0x2e5: {  	v50 =	vld.idx.msk [tilespmem:v4+s6+$0x0], $0xffff  }
0x2e6: {  	v37 =	vld.idx.msk [tilespmem:v5+s6+$0x0], $0xffff  }
0x2e7: {  	v38 =	vld.idx.msk [tilespmem:v6+s6+$0x0], $0xffff  }
0x2e8: {  	v51 =	vld.idx.msk [tilespmem:v7+s6+$0x0], $0xffff  }
0x2e9: {  	v52 =	vld.idx.msk [tilespmem:v8+s6+$0x0], $0xffff  }
0x2ea: {  	v53 =	vld.idx.msk [tilespmem:v9+s6+$0x0], $0xffff  }
0x2eb: {  	v54 =	vld.idx.msk [tilespmem:v10+s6+$0x0], $0xffff  }
0x2ec: {  	v55 =	vld.idx.msk [tilespmem:v11+s6+$0x0], $0xffff  }
0x2ed: {  	v56 =	vld.idx.msk [tilespmem:v12+s6+$0x0], $0xffff  }
0x2ee: {  	v57 =	vld.idx.msk [tilespmem:v13+s6+$0x0], $0xffff  }
0x2ef: {  	v59 =	vld.idx.msk [tilespmem:v14+s6+$0x0], $0xffff  }
0x2f0: {  	v60 =	vld.idx.msk [tilespmem:v15+s6+$0x0], $0xffff  }
0x2f1: {  	v33 =	vld.idx.msk [tilespmem:v33+s30+$0x0], $0xffff  }
0x2f2: {  	v34 =	vld.idx.msk [tilespmem:v34+s31+$0x0], $0xffff  }
0x2f3: {  	v35 =	vld.idx.msk [tilespmem:v49+s1+$0x0], $0xffff  }
0x2f4: {  	v36 =	vld.idx.msk [tilespmem:v50+s0+$0x0], $0xffff  }
0x2f5: {  	v37 =	vld.idx.msk [tilespmem:v37+s30+$0x0], $0xffff  }
0x2f6: {  	v41 =	vld.idx.msk [tilespmem:v53+s30+$0x0], $0xffff  }
0x2f7: {  	v38 =	vld.idx.msk [tilespmem:v38+s31+$0x0], $0xffff  }
0x2f8: {  	v42 =	vld.idx.msk [tilespmem:v54+s31+$0x0], $0xffff  }
0x2f9: {  	v39 =	vld.idx.msk [tilespmem:v51+s1+$0x0], $0xffff;
	v33 =	vadd.f32 $0.0e+00, v33  }
0x2fa: {  	v43 =	vld.idx.msk [tilespmem:v55+s1+$0x0], $0xffff;
	v37 =	vadd.f32 $0.0e+00, v37  }
0x2fb: {  	v40 =	vld.idx.msk [tilespmem:v52+s0+$0x0], $0xffff;
	v58 =	vadd.f32 $0.0e+00, v41;
	v33 =	vadd.f32 v34, v33  }
0x2fc: {  	v44 =	vld.idx.msk [tilespmem:v56+s0+$0x0], $0xffff;
	v37 =	vadd.f32 v38, v37  }
0x2fd: {  	v34 =	vadd.f32 v42, v58;
	v33 =	vadd.f32 v35, v33  }
0x2fe: {  	v61 =	vadd.f32 v39, v37  }
0x2ff: {  	v34 =	vadd.f32 v43, v34;
	v33 =	vadd.f32 v36, v33  }
0x300: {  	v35 =	vadd.f32 v40, v61  }
0x301: {  	v62 =	vadd.f32 v44, v34;
	[tilespmem:s20+$0x11A00] =	vst v33  }
0x302: {  	v63 =	vld.idx.msk [tilespmem:v57+s30+$0x0], $0xffff;
	[tilespmem:s20+$0x11A10] =	vst v35  }
0x303: {  	[tilespmem:s20+$0x11A20] =	vst v62;
	v33 =	vld.idx.msk [tilespmem:v59+s31+$0x0], $0xffff  }
0x304: {  	v35 =	vld.idx.msk [tilespmem:v60+s1+$0x0], $0xffff  }
0x305: {  	v48 =	vld.idx.msk [tilespmem:v16+s6+$0x0], $0xffff  }
0x306: {  	v49 =	vld.idx.msk [tilespmem:v17+s6+$0x0], $0xffff  }
0x307: {  	v38 =	vld.idx.msk [tilespmem:v18+s6+$0x0], $0xffff  }
0x308: {  	v50 =	vld.idx.msk [tilespmem:v19+s6+$0x0], $0xffff  }
0x309: {  	v51 =	vld.idx.msk [tilespmem:v20+s6+$0x0], $0xffff  }
0x30a: {  	v52 =	vld.idx.msk [tilespmem:v21+s6+$0x0], $0xffff  }
0x30b: {  	v53 =	vld.idx.msk [tilespmem:v22+s6+$0x0], $0xffff  }
0x30c: {  	v54 =	vld.idx.msk [tilespmem:v23+s6+$0x0], $0xffff  }
0x30d: {  	v55 =	vld.idx.msk [tilespmem:v24+s6+$0x0], $0xffff  }
0x30e: {  	v56 =	vld.idx.msk [tilespmem:v25+s6+$0x0], $0xffff  }
0x30f: {  	v57 =	vld.idx.msk [tilespmem:v29+s6+$0x0], $0xffff  }
0x310: {  	v58 =	vld.idx.msk [tilespmem:v26+s6+$0x0], $0xffff  }
0x311: {  	v59 =	vld.idx.msk [tilespmem:v30+s6+$0x0], $0xffff  }
0x312: {  	v60 =	vld.idx.msk [tilespmem:v27+s6+$0x0], $0xffff  }
0x313: {  	v61 =	vld.idx.msk [tilespmem:v31+s6+$0x0], $0xffff  }
0x314: {  	v62 =	vld.idx.msk [tilespmem:v28+s6+$0x0], $0xffff  }
0x315: {  	v34 =	vadd.f32 $0.0e+00, v63;
	v63 =	vld.idx.msk [tilespmem:v32+s6+$0x0], $0xffff  }
0x316: {  	v36 =	vld.idx.msk [tilespmem:v48+s0+$0x0], $0xffff  }
0x317: {  	v37 =	vld.idx.msk [tilespmem:v49+s30+$0x0], $0xffff  }
0x318: {  	v38 =	vld.idx.msk [tilespmem:v38+s31+$0x0], $0xffff  }
0x319: {  	v39 =	vld.idx.msk [tilespmem:v50+s1+$0x0], $0xffff  }
0x31a: {  	v40 =	vld.idx.msk [tilespmem:v51+s0+$0x0], $0xffff  }
0x31b: {  	v41 =	vld.idx.msk [tilespmem:v52+s30+$0x0], $0xffff  }
0x31c: {  	v42 =	vld.idx.msk [tilespmem:v53+s31+$0x0], $0xffff  }
0x31d: {  	v43 =	vld.idx.msk [tilespmem:v54+s1+$0x0], $0xffff  }
0x31e: {  	v44 =	vld.idx.msk [tilespmem:v55+s0+$0x0], $0xffff  }
0x31f: {  	v33 =	vadd.f32 v33, v34;
	v54 =	vld.idx.msk [tilespmem:v56+s30+$0x0], $0xffff  }
0x320: {  	v55 =	vld.idx.msk [tilespmem:v57+s30+$0x0], $0xffff  }
0x321: {  	v33 =	vadd.f32 v35, v33;
	v56 =	vld.idx.msk [tilespmem:v58+s31+$0x0], $0xffff  }
0x322: {  	v57 =	vld.idx.msk [tilespmem:v59+s31+$0x0], $0xffff;
	v37 =	vadd.f32 $0.0e+00, v37  }
0x323: {  	v59 =	vld.idx.msk [tilespmem:v60+s1+$0x0], $0xffff;
	v33 =	vadd.f32 v36, v33;
	v58 =	vadd.f32 $0.0e+00, v41  }
0x324: {  	v60 =	vld.idx.msk [tilespmem:v61+s1+$0x0], $0xffff;
	v34 =	vadd.f32 $0.0e+00, v54;
	v37 =	vadd.f32 v38, v37  }
0x325: {  	v61 =	vld.idx.msk [tilespmem:v62+s0+$0x0], $0xffff;
	v45 =	vadd.f32 $0.0e+00, v55;
	v36 =	vadd.f32 v42, v58  }
0x326: {  	v62 =	vld.idx.msk [tilespmem:v63+s0+$0x0], $0xffff;
	v34 =	vadd.f32 v56, v34;
	v37 =	vadd.f32 v39, v37  }
0x327: {  	v63 =	vadd.f32 v57, v45;
	v36 =	vadd.f32 v43, v36  }
0x328: {  	v34 =	vadd.f32 v59, v34;
	v37 =	vadd.f32 v40, v37  }
0x329: {  	[tilespmem:s20+$0x11A30] =	vst v33;
	v43 =	vadd.f32 v44, v36;
	v44 =	vadd.f32 v60, v63  }
0x32a: {  	v34 =	vadd.f32 v61, v34;
	[tilespmem:s20+$0x11A40] =	vst v37  }
0x32b: {  	[tilespmem:s20+$0x11A50] =	vst v43;
	v45 =	vadd.f32 v62, v44  }
0x32c: {  	[tilespmem:s20+$0x11A60] =	vst v34  }
0x32d: {  	[tilespmem:s20+$0x11A70] =	vst v45  }
0x32e: {  	[tilespmem:s2], [sflag:$0x1] =	stream.linear.gather [hbm4b:s21+s2], $0x8000, $0x38;
	[tilespmem:$0x12800] =	vst v63  }
0x32f: {  	s12 =	simm.s32 $0x11800  }
0x330: {  	[hbm4b:s18+s2] =	stream.linear.scatter [tilespmem:s12], [sflag:$0x4], $0x400, $0x38;
	[tilespmem:$0x12800] =	vst v63  }
0x331: {  	_ =	swait.ge [sflag:s7], $0x8000  }
0x332: {  	[sflag:s7] =	ssyncset.done $0x0  }
0x333: {  	[sflag:s7] =	ssyncadd.s32 $0xFFFF8000  }
0x334: {  	v46 =	vld.idx.msk [tilespmem:v0+s26+$0x0], $0xffff  }
0x335: {  	v47 =	vld.idx.msk [tilespmem:v2+s26+$0x0], $0xffff  }
0x336: {  	v48 =	vld.idx.msk [tilespmem:v3+s26+$0x0], $0xffff  }
0x337: {  	v49 =	vld.idx.msk [tilespmem:v4+s26+$0x0], $0xffff  }
0x338: {  	v50 =	vld.idx.msk [tilespmem:v5+s26+$0x0], $0xffff  }
0x339: {  	v51 =	vld.idx.msk [tilespmem:v6+s26+$0x0], $0xffff  }
0x33a: {  	v52 =	vld.idx.msk [tilespmem:v7+s26+$0x0], $0xffff  }
0x33b: {  	v53 =	vld.idx.msk [tilespmem:v8+s26+$0x0], $0xffff  }
0x33c: {  	v54 =	vld.idx.msk [tilespmem:v9+s26+$0x0], $0xffff  }
0x33d: {  	v55 =	vld.idx.msk [tilespmem:v10+s26+$0x0], $0xffff  }
0x33e: {  	v56 =	vld.idx.msk [tilespmem:v11+s26+$0x0], $0xffff  }
0x33f: {  	v57 =	vld.idx.msk [tilespmem:v12+s26+$0x0], $0xffff  }
0x340: {  	v58 =	vld.idx.msk [tilespmem:v13+s26+$0x0], $0xffff  }
0x341: {  	v59 =	vld.idx.msk [tilespmem:v14+s26+$0x0], $0xffff  }
0x342: {  	v60 =	vld.idx.msk [tilespmem:v15+s26+$0x0], $0xffff  }
0x343: {  	v61 =	vld.idx.msk [tilespmem:v16+s26+$0x0], $0xffff  }
0x344: {  	v62 =	vld.idx.msk [tilespmem:v21+s26+$0x0], $0xffff  }
0x345: {  	v63 =	vld.idx.msk [tilespmem:v22+s26+$0x0], $0xffff  }
0x346: {  	v33 =	vld.idx.msk [tilespmem:v46+s30+$0x0], $0xffff  }
0x347: {  	v34 =	vld.idx.msk [tilespmem:v47+s31+$0x0], $0xffff  }
0x348: {  	v35 =	vld.idx.msk [tilespmem:v48+s1+$0x0], $0xffff  }
0x349: {  	v36 =	vld.idx.msk [tilespmem:v49+s0+$0x0], $0xffff  }
0x34a: {  	v37 =	vld.idx.msk [tilespmem:v50+s30+$0x0], $0xffff  }
0x34b: {  	v38 =	vld.idx.msk [tilespmem:v51+s31+$0x0], $0xffff  }
0x34c: {  	v39 =	vld.idx.msk [tilespmem:v52+s1+$0x0], $0xffff  }
0x34d: {  	v40 =	vld.idx.msk [tilespmem:v53+s0+$0x0], $0xffff  }
0x34e: {  	v41 =	vld.idx.msk [tilespmem:v54+s30+$0x0], $0xffff  }
0x34f: {  	v42 =	vld.idx.msk [tilespmem:v55+s31+$0x0], $0xffff  }
0x350: {  	v43 =	vld.idx.msk [tilespmem:v56+s1+$0x0], $0xffff  }
0x351: {  	v44 =	vld.idx.msk [tilespmem:v57+s0+$0x0], $0xffff  }
0x352: {  	v45 =	vld.idx.msk [tilespmem:v58+s30+$0x0], $0xffff  }
0x353: {  	v46 =	vld.idx.msk [tilespmem:v59+s31+$0x0], $0xffff  }
0x354: {  	v47 =	vld.idx.msk [tilespmem:v60+s1+$0x0], $0xffff  }
0x355: {  	v48 =	vld.idx.msk [tilespmem:v61+s0+$0x0], $0xffff  }
0x356: {  	v49 =	vld.idx.msk [tilespmem:v17+s26+$0x0], $0xffff  }
0x357: {  	v50 =	vld.idx.msk [tilespmem:v18+s26+$0x0], $0xffff  }
0x358: {  	v51 =	vld.idx.msk [tilespmem:v19+s26+$0x0], $0xffff  }
0x359: {  	v52 =	vld.idx.msk [tilespmem:v20+s26+$0x0], $0xffff  }
0x35a: {  	v60 =	vld.idx.msk [tilespmem:v23+s26+$0x0], $0xffff  }
0x35b: {  	v61 =	vld.idx.msk [tilespmem:v24+s26+$0x0], $0xffff  }
0x35c: {  	v53 =	vld.idx.msk [tilespmem:v62+s30+$0x0], $0xffff  }
0x35d: {  	v54 =	vld.idx.msk [tilespmem:v63+s31+$0x0], $0xffff  }
0x35e: {  	v57 =	vld.idx.msk [tilespmem:v25+s26+$0x0], $0xffff  }
0x35f: {  	v58 =	vld.idx.msk [tilespmem:v29+s26+$0x0], $0xffff  }
0x360: {  	v59 =	vld.idx.msk [tilespmem:v26+s26+$0x0], $0xffff  }
0x361: {  	v62 =	vadd.f32 $0.0e+00, v41;
	v41 =	vld.idx.msk [tilespmem:v31+s26+$0x0], $0xffff  }
0x362: {  	v63 =	vadd.f32 $0.0e+00, v45;
	v45 =	vld.idx.msk [tilespmem:v28+s26+$0x0], $0xffff  }
0x363: {  	v49 =	vld.idx.msk [tilespmem:v49+s30+$0x0], $0xffff  }
0x364: {  	v50 =	vld.idx.msk [tilespmem:v50+s31+$0x0], $0xffff  }
0x365: {  	v55 =	vld.idx.msk [tilespmem:v60+s1+$0x0], $0xffff  }
0x366: {  	v56 =	vld.idx.msk [tilespmem:v61+s0+$0x0], $0xffff  }
0x367: {  	v33 =	vadd.f32 $0.0e+00, v33;
	v60 =	vld.idx.msk [tilespmem:v30+s26+$0x0], $0xffff  }
0x368: {  	v37 =	vadd.f32 $0.0e+00, v37;
	v61 =	vld.idx.msk [tilespmem:v27+s26+$0x0], $0xffff  }
0x369: {  	v33 =	vadd.f32 v34, v33;
	v51 =	vld.idx.msk [tilespmem:v51+s1+$0x0], $0xffff  }
0x36a: {  	v37 =	vadd.f32 v38, v37;
	v52 =	vld.idx.msk [tilespmem:v52+s0+$0x0], $0xffff  }
0x36b: {  	v34 =	vadd.f32 v42, v62;
	v33 =	vadd.f32 v35, v33;
	v35 =	vld.idx.msk [tilespmem:v32+s26+$0x0], $0xffff  }
0x36c: {  	v38 =	vadd.f32 v46, v63;
	v37 =	vadd.f32 v39, v37;
	v39 =	vld.idx.msk [tilespmem:v57+s30+$0x0], $0xffff  }
0x36d: {  	v62 =	vadd.f32 $0.0e+00, v53;
	v34 =	vadd.f32 v43, v34;
	v57 =	vld.idx.msk [tilespmem:v58+s30+$0x0], $0xffff  }
0x36e: {  	v38 =	vadd.f32 v47, v38;
	v58 =	vld.idx.msk [tilespmem:v59+s31+$0x0], $0xffff;
	v33 =	vadd.f32 v36, v33  }
0x36f: {  	v37 =	vadd.f32 v40, v37;
	v34 =	vadd.f32 v44, v34;
	v60 =	vld.idx.msk [tilespmem:v60+s31+$0x0], $0xffff  }
0x370: {  	v38 =	vadd.f32 v48, v38;
	v59 =	vadd.f32 $0.0e+00, v49;
	v63 =	vld.idx.msk [tilespmem:v61+s1+$0x0], $0xffff  }
0x371: {  	v44 =	vadd.f32 v54, v62;
	v41 =	vld.idx.msk [tilespmem:v41+s1+$0x0], $0xffff;
	v39 =	vadd.f32 $0.0e+00, v39  }
0x372: {  	v45 =	vld.idx.msk [tilespmem:v45+s0+$0x0], $0xffff;
	v36 =	vadd.f32 $0.0e+00, v57;
	v42 =	vadd.f32 v50, v59  }
0x373: {  	[tilespmem:s20+$0x11C00] =	vst v33;
	v47 =	vadd.f32 v55, v44;
	v39 =	vadd.f32 v58, v39;
	v35 =	vld.idx.msk [tilespmem:v35+s0+$0x0], $0xffff  }
0x374: {  	[tilespmem:s20+$0x11C10] =	vst v37;
	v42 =	vadd.f32 v51, v42;
	v36 =	vadd.f32 v60, v36  }
0x375: {  	[tilespmem:s20+$0x11C20] =	vst v34;
	v37 =	vadd.f32 v56, v47;
	v48 =	vadd.f32 v63, v39  }
0x376: {  	[tilespmem:s20+$0x11C30] =	vst v38;
	v33 =	vadd.f32 v52, v42;
	v36 =	vadd.f32 v41, v36  }
0x377: {  	[tilespmem:s20+$0x11C50] =	vst v37;
	v49 =	vadd.f32 v45, v48  }
0x378: {  	[tilespmem:s20+$0x11C40] =	vst v33;
	v50 =	vadd.f32 v35, v36  }
0x379: {  	[tilespmem:s20+$0x11C60] =	vst v49  }
0x37a: {  	[tilespmem:s20+$0x11C70] =	vst v50  }
0x37b: {  	v33 =	vld.idx.msk [tilespmem:v0+s8+$0x0], $0xffff  }
0x37c: {  	v34 =	vld.idx.msk [tilespmem:v2+s8+$0x0], $0xffff  }
0x37d: {  	v51 =	vld.idx.msk [tilespmem:v3+s8+$0x0], $0xffff  }
0x37e: {  	v52 =	vld.idx.msk [tilespmem:v4+s8+$0x0], $0xffff  }
0x37f: {  	v37 =	vld.idx.msk [tilespmem:v5+s8+$0x0], $0xffff  }
0x380: {  	v38 =	vld.idx.msk [tilespmem:v6+s8+$0x0], $0xffff  }
0x381: {  	v53 =	vld.idx.msk [tilespmem:v7+s8+$0x0], $0xffff  }
0x382: {  	v54 =	vld.idx.msk [tilespmem:v8+s8+$0x0], $0xffff  }
0x383: {  	v55 =	vld.idx.msk [tilespmem:v9+s8+$0x0], $0xffff  }
0x384: {  	v56 =	vld.idx.msk [tilespmem:v10+s8+$0x0], $0xffff  }
0x385: {  	v57 =	vld.idx.msk [tilespmem:v11+s8+$0x0], $0xffff  }
0x386: {  	v58 =	vld.idx.msk [tilespmem:v12+s8+$0x0], $0xffff  }
0x387: {  	v59 =	vld.idx.msk [tilespmem:v13+s8+$0x0], $0xffff  }
0x388: {  	v60 =	vld.idx.msk [tilespmem:v14+s8+$0x0], $0xffff  }
0x389: {  	v61 =	vld.idx.msk [tilespmem:v15+s8+$0x0], $0xffff  }
0x38a: {  	v62 =	vld.idx.msk [tilespmem:v16+s8+$0x0], $0xffff  }
0x38b: {  	v49 =	vld.idx.msk [tilespmem:v17+s8+$0x0], $0xffff  }
0x38c: {  	v50 =	vld.idx.msk [tilespmem:v18+s8+$0x0], $0xffff  }
0x38d: {  	v63 =	vld.idx.msk [tilespmem:v21+s8+$0x0], $0xffff  }
0x38e: {  	v33 =	vld.idx.msk [tilespmem:v33+s30+$0x0], $0xffff  }
0x38f: {  	v34 =	vld.idx.msk [tilespmem:v34+s31+$0x0], $0xffff  }
0x390: {  	v35 =	vld.idx.msk [tilespmem:v51+s1+$0x0], $0xffff  }
0x391: {  	v36 =	vld.idx.msk [tilespmem:v52+s0+$0x0], $0xffff  }
0x392: {  	v37 =	vld.idx.msk [tilespmem:v37+s30+$0x0], $0xffff  }
0x393: {  	v38 =	vld.idx.msk [tilespmem:v38+s31+$0x0], $0xffff  }
0x394: {  	v39 =	vld.idx.msk [tilespmem:v53+s1+$0x0], $0xffff  }
0x395: {  	v40 =	vld.idx.msk [tilespmem:v54+s0+$0x0], $0xffff  }
0x396: {  	v41 =	vld.idx.msk [tilespmem:v55+s30+$0x0], $0xffff  }
0x397: {  	v42 =	vld.idx.msk [tilespmem:v56+s31+$0x0], $0xffff  }
0x398: {  	v43 =	vld.idx.msk [tilespmem:v57+s1+$0x0], $0xffff  }
0x399: {  	v44 =	vld.idx.msk [tilespmem:v58+s0+$0x0], $0xffff  }
0x39a: {  	v45 =	vld.idx.msk [tilespmem:v59+s30+$0x0], $0xffff  }
0x39b: {  	v46 =	vld.idx.msk [tilespmem:v60+s31+$0x0], $0xffff  }
0x39c: {  	v47 =	vld.idx.msk [tilespmem:v61+s1+$0x0], $0xffff  }
0x39d: {  	v48 =	vld.idx.msk [tilespmem:v62+s0+$0x0], $0xffff  }
0x39e: {  	v51 =	vld.idx.msk [tilespmem:v19+s8+$0x0], $0xffff  }
0x39f: {  	v52 =	vld.idx.msk [tilespmem:v20+s8+$0x0], $0xffff  }
0x3a0: {  	v60 =	vld.idx.msk [tilespmem:v22+s8+$0x0], $0xffff  }
0x3a1: {  	v61 =	vld.idx.msk [tilespmem:v23+s8+$0x0], $0xffff  }
0x3a2: {  	v62 =	vld.idx.msk [tilespmem:v24+s8+$0x0], $0xffff  }
0x3a3: {  	v49 =	vld.idx.msk [tilespmem:v49+s30+$0x0], $0xffff  }
0x3a4: {  	v50 =	vld.idx.msk [tilespmem:v50+s31+$0x0], $0xffff  }
0x3a5: {  	v53 =	vld.idx.msk [tilespmem:v63+s30+$0x0], $0xffff  }
0x3a6: {  	v57 =	vld.idx.msk [tilespmem:v25+s8+$0x0], $0xffff  }
0x3a7: {  	v58 =	vld.idx.msk [tilespmem:v29+s8+$0x0], $0xffff  }
0x3a8: {  	v59 =	vld.idx.msk [tilespmem:v26+s8+$0x0], $0xffff  }
0x3a9: {  	v63 =	vadd.f32 $0.0e+00, v41;
	v41 =	vld.idx.msk [tilespmem:v31+s8+$0x0], $0xffff  }
0x3aa: {  	v51 =	vld.idx.msk [tilespmem:v51+s1+$0x0], $0xffff  }
0x3ab: {  	v54 =	vld.idx.msk [tilespmem:v60+s31+$0x0], $0xffff  }
0x3ac: {  	v55 =	vld.idx.msk [tilespmem:v61+s1+$0x0], $0xffff  }
0x3ad: {  	v56 =	vld.idx.msk [tilespmem:v62+s0+$0x0], $0xffff  }
0x3ae: {  	v33 =	vadd.f32 $0.0e+00, v33;
	v60 =	vld.idx.msk [tilespmem:v30+s8+$0x0], $0xffff  }
0x3af: {  	v37 =	vadd.f32 $0.0e+00, v37;
	v61 =	vld.idx.msk [tilespmem:v27+s8+$0x0], $0xffff  }
0x3b0: {  	v33 =	vadd.f32 v34, v33;
	v62 =	vadd.f32 $0.0e+00, v45;
	v45 =	vld.idx.msk [tilespmem:v28+s8+$0x0], $0xffff  }
0x3b1: {  	v37 =	vadd.f32 v38, v37;
	v34 =	vadd.f32 v42, v63;
	v63 =	vld.idx.msk [tilespmem:v58+s30+$0x0], $0xffff  }
0x3b2: {  	v33 =	vadd.f32 v35, v33;
	v35 =	vld.idx.msk [tilespmem:v32+s8+$0x0], $0xffff  }
0x3b3: {  	v58 =	vadd.f32 $0.0e+00, v49;
	v37 =	vadd.f32 v39, v37;
	v39 =	vld.idx.msk [tilespmem:v57+s30+$0x0], $0xffff  }
0x3b4: {  	v52 =	vld.idx.msk [tilespmem:v52+s0+$0x0], $0xffff;
	v34 =	vadd.f32 v43, v34;
	v38 =	vadd.f32 v46, v62  }
0x3b5: {  	v57 =	vld.idx.msk [tilespmem:v59+s31+$0x0], $0xffff;
	v42 =	vadd.f32 v50, v58;
	v33 =	vadd.f32 v36, v33  }
0x3b6: {  	v37 =	vadd.f32 v40, v37;
	v34 =	vadd.f32 v44, v34;
	v59 =	vld.idx.msk [tilespmem:v60+s31+$0x0], $0xffff  }
0x3b7: {  	v38 =	vadd.f32 v47, v38;
	v60 =	vadd.f32 $0.0e+00, v53;
	v62 =	vld.idx.msk [tilespmem:v61+s1+$0x0], $0xffff  }
0x3b8: {  	v41 =	vld.idx.msk [tilespmem:v41+s1+$0x0], $0xffff;
	v36 =	vadd.f32 $0.0e+00, v63;
	v39 =	vadd.f32 $0.0e+00, v39  }
0x3b9: {  	v63 =	vadd.f32 v51, v42;
	v45 =	vld.idx.msk [tilespmem:v45+s0+$0x0], $0xffff;
	v44 =	vadd.f32 v54, v60  }
0x3ba: {  	[tilespmem:s20+$0x11E00] =	vst v33;
	v38 =	vadd.f32 v48, v38;
	v39 =	vadd.f32 v57, v39;
	v35 =	vld.idx.msk [tilespmem:v35+s0+$0x0], $0xffff  }
0x3bb: {  	[tilespmem:s20+$0x11E10] =	vst v37;
	v42 =	vadd.f32 v55, v44;
	v36 =	vadd.f32 v59, v36  }
0x3bc: {  	[tilespmem:s20+$0x11E20] =	vst v34;
	v33 =	vadd.f32 v52, v63;
	v43 =	vadd.f32 v62, v39  }
0x3bd: {  	[tilespmem:s20+$0x11E30] =	vst v38;
	v37 =	vadd.f32 v56, v42;
	v36 =	vadd.f32 v41, v36  }
0x3be: {  	[tilespmem:s20+$0x11E40] =	vst v33;
	v44 =	vadd.f32 v45, v43  }
0x3bf: {  	[tilespmem:s20+$0x11E50] =	vst v37;
	v45 =	vadd.f32 v35, v36  }
0x3c0: {  	[tilespmem:s20+$0x11E60] =	vst v44  }
0x3c1: {  	[tilespmem:s20+$0x11E70] =	vst v45  }
0x3c2: {  	[tilespmem:s26], [sflag:$0x2] =	stream.linear.gather [hbm4b:s23+s2], $0x8000, $0x38;
	[tilespmem:$0x12800] =	vst v63  }
0x3c3: {  	s12 =	simm.s32 $0x11C00  }
0x3c4: {  	[hbm4b:s19+s2] =	stream.linear.scatter [tilespmem:s12], [sflag:$0x4], $0x400, $0x38;
	[tilespmem:$0x12800] =	vst v63  }
0x3c5: {  	_ =	swait.ge [sflag:s3], $0x8000  }
0x3c6: {  	[sflag:s3] =	ssyncset.done $0x0  }
0x3c7: {  	[sflag:s3] =	ssyncadd.s32 $0xFFFF8000  }
0x3c8: {  	v46 =	vld.idx.msk [tilespmem:v0+s2+$0x0], $0xffff  }
0x3c9: {  	v47 =	vld.idx.msk [tilespmem:v2+s2+$0x0], $0xffff  }
0x3ca: {  	v48 =	vld.idx.msk [tilespmem:v3+s2+$0x0], $0xffff  }
0x3cb: {  	v49 =	vld.idx.msk [tilespmem:v4+s2+$0x0], $0xffff  }
0x3cc: {  	v50 =	vld.idx.msk [tilespmem:v5+s2+$0x0], $0xffff  }
0x3cd: {  	v51 =	vld.idx.msk [tilespmem:v6+s2+$0x0], $0xffff  }
0x3ce: {  	v52 =	vld.idx.msk [tilespmem:v7+s2+$0x0], $0xffff  }
0x3cf: {  	v53 =	vld.idx.msk [tilespmem:v8+s2+$0x0], $0xffff  }
0x3d0: {  	v54 =	vld.idx.msk [tilespmem:v9+s2+$0x0], $0xffff  }
0x3d1: {  	v55 =	vld.idx.msk [tilespmem:v10+s2+$0x0], $0xffff  }
0x3d2: {  	v56 =	vld.idx.msk [tilespmem:v11+s2+$0x0], $0xffff  }
0x3d3: {  	v57 =	vld.idx.msk [tilespmem:v12+s2+$0x0], $0xffff  }
0x3d4: {  	v58 =	vld.idx.msk [tilespmem:v13+s2+$0x0], $0xffff  }
0x3d5: {  	v59 =	vld.idx.msk [tilespmem:v14+s2+$0x0], $0xffff  }
0x3d6: {  	v60 =	vld.idx.msk [tilespmem:v15+s2+$0x0], $0xffff  }
0x3d7: {  	v61 =	vld.idx.msk [tilespmem:v16+s2+$0x0], $0xffff  }
0x3d8: {  	v62 =	vld.idx.msk [tilespmem:v21+s2+$0x0], $0xffff  }
0x3d9: {  	v63 =	vld.idx.msk [tilespmem:v22+s2+$0x0], $0xffff  }
0x3da: {  	v33 =	vld.idx.msk [tilespmem:v46+s30+$0x0], $0xffff  }
0x3db: {  	v34 =	vld.idx.msk [tilespmem:v47+s31+$0x0], $0xffff  }
0x3dc: {  	v35 =	vld.idx.msk [tilespmem:v48+s1+$0x0], $0xffff  }
0x3dd: {  	v36 =	vld.idx.msk [tilespmem:v49+s0+$0x0], $0xffff  }
0x3de: {  	v37 =	vld.idx.msk [tilespmem:v50+s30+$0x0], $0xffff  }
0x3df: {  	v38 =	vld.idx.msk [tilespmem:v51+s31+$0x0], $0xffff  }
0x3e0: {  	v39 =	vld.idx.msk [tilespmem:v52+s1+$0x0], $0xffff  }
0x3e1: {  	v40 =	vld.idx.msk [tilespmem:v53+s0+$0x0], $0xffff  }
0x3e2: {  	v41 =	vld.idx.msk [tilespmem:v54+s30+$0x0], $0xffff  }
0x3e3: {  	v42 =	vld.idx.msk [tilespmem:v55+s31+$0x0], $0xffff  }
0x3e4: {  	v43 =	vld.idx.msk [tilespmem:v56+s1+$0x0], $0xffff  }
0x3e5: {  	v44 =	vld.idx.msk [tilespmem:v57+s0+$0x0], $0xffff  }
0x3e6: {  	v45 =	vld.idx.msk [tilespmem:v58+s30+$0x0], $0xffff  }
0x3e7: {  	v46 =	vld.idx.msk [tilespmem:v59+s31+$0x0], $0xffff  }
0x3e8: {  	v47 =	vld.idx.msk [tilespmem:v60+s1+$0x0], $0xffff  }
0x3e9: {  	v48 =	vld.idx.msk [tilespmem:v61+s0+$0x0], $0xffff  }
0x3ea: {  	v49 =	vld.idx.msk [tilespmem:v17+s2+$0x0], $0xffff  }
0x3eb: {  	v50 =	vld.idx.msk [tilespmem:v18+s2+$0x0], $0xffff  }
0x3ec: {  	v51 =	vld.idx.msk [tilespmem:v19+s2+$0x0], $0xffff  }
0x3ed: {  	v52 =	vld.idx.msk [tilespmem:v20+s2+$0x0], $0xffff  }
0x3ee: {  	v60 =	vld.idx.msk [tilespmem:v23+s2+$0x0], $0xffff  }
0x3ef: {  	v61 =	vld.idx.msk [tilespmem:v24+s2+$0x0], $0xffff  }
0x3f0: {  	v53 =	vld.idx.msk [tilespmem:v62+s30+$0x0], $0xffff  }
0x3f1: {  	v54 =	vld.idx.msk [tilespmem:v63+s31+$0x0], $0xffff  }
0x3f2: {  	v57 =	vld.idx.msk [tilespmem:v25+s2+$0x0], $0xffff  }
0x3f3: {  	v58 =	vld.idx.msk [tilespmem:v29+s2+$0x0], $0xffff  }
0x3f4: {  	v59 =	vld.idx.msk [tilespmem:v26+s2+$0x0], $0xffff  }
0x3f5: {  	v62 =	vadd.f32 $0.0e+00, v41;
	v41 =	vld.idx.msk [tilespmem:v31+s2+$0x0], $0xffff  }
0x3f6: {  	v63 =	vadd.f32 $0.0e+00, v45;
	v45 =	vld.idx.msk [tilespmem:v28+s2+$0x0], $0xffff  }
0x3f7: {  	v49 =	vld.idx.msk [tilespmem:v49+s30+$0x0], $0xffff  }
0x3f8: {  	v50 =	vld.idx.msk [tilespmem:v50+s31+$0x0], $0xffff  }
0x3f9: {  	v55 =	vld.idx.msk [tilespmem:v60+s1+$0x0], $0xffff  }
0x3fa: {  	v56 =	vld.idx.msk [tilespmem:v61+s0+$0x0], $0xffff  }
0x3fb: {  	v33 =	vadd.f32 $0.0e+00, v33;
	v60 =	vld.idx.msk [tilespmem:v30+s2+$0x0], $0xffff  }
0x3fc: {  	v37 =	vadd.f32 $0.0e+00, v37;
	v61 =	vld.idx.msk [tilespmem:v27+s2+$0x0], $0xffff  }
0x3fd: {  	v33 =	vadd.f32 v34, v33;
	v51 =	vld.idx.msk [tilespmem:v51+s1+$0x0], $0xffff  }
0x3fe: {  	v37 =	vadd.f32 v38, v37;
	v52 =	vld.idx.msk [tilespmem:v52+s0+$0x0], $0xffff  }
0x3ff: {  	v34 =	vadd.f32 v42, v62;
	v33 =	vadd.f32 v35, v33;
	v35 =	vld.idx.msk [tilespmem:v32+s2+$0x0], $0xffff  }
0x400: {  	v38 =	vadd.f32 v46, v63;
	v37 =	vadd.f32 v39, v37;
	v39 =	vld.idx.msk [tilespmem:v57+s30+$0x0], $0xffff  }
0x401: {  	v62 =	vadd.f32 $0.0e+00, v53;
	v34 =	vadd.f32 v43, v34;
	v57 =	vld.idx.msk [tilespmem:v58+s30+$0x0], $0xffff  }
0x402: {  	v38 =	vadd.f32 v47, v38;
	v58 =	vld.idx.msk [tilespmem:v59+s31+$0x0], $0xffff;
	v33 =	vadd.f32 v36, v33  }
0x403: {  	v37 =	vadd.f32 v40, v37;
	v34 =	vadd.f32 v44, v34;
	v60 =	vld.idx.msk [tilespmem:v60+s31+$0x0], $0xffff  }
0x404: {  	v38 =	vadd.f32 v48, v38;
	v59 =	vadd.f32 $0.0e+00, v49;
	v63 =	vld.idx.msk [tilespmem:v61+s1+$0x0], $0xffff  }
0x405: {  	v44 =	vadd.f32 v54, v62;
	v41 =	vld.idx.msk [tilespmem:v41+s1+$0x0], $0xffff;
	v39 =	vadd.f32 $0.0e+00, v39  }
0x406: {  	v45 =	vld.idx.msk [tilespmem:v45+s0+$0x0], $0xffff;
	v36 =	vadd.f32 $0.0e+00, v57;
	v42 =	vadd.f32 v50, v59  }
0x407: {  	[tilespmem:s20+$0x12000] =	vst v33;
	v47 =	vadd.f32 v55, v44;
	v39 =	vadd.f32 v58, v39;
	v35 =	vld.idx.msk [tilespmem:v35+s0+$0x0], $0xffff  }
0x408: {  	[tilespmem:s20+$0x12010] =	vst v37;
	v42 =	vadd.f32 v51, v42;
	v36 =	vadd.f32 v60, v36  }
0x409: {  	[tilespmem:s20+$0x12020] =	vst v34;
	v37 =	vadd.f32 v56, v47;
	v48 =	vadd.f32 v63, v39  }
0x40a: {  	[tilespmem:s20+$0x12030] =	vst v38;
	v33 =	vadd.f32 v52, v42;
	v36 =	vadd.f32 v41, v36  }
0x40b: {  	[tilespmem:s20+$0x12050] =	vst v37;
	v49 =	vadd.f32 v45, v48  }
0x40c: {  	[tilespmem:s20+$0x12040] =	vst v33;
	v50 =	vadd.f32 v35, v36  }
0x40d: {  	[tilespmem:s20+$0x12060] =	vst v49  }
0x40e: {  	[tilespmem:s20+$0x12070] =	vst v50  }
0x40f: {  	v33 =	vld.idx.msk [tilespmem:v0+s6+$0x0], $0xffff  }
0x410: {  	v34 =	vld.idx.msk [tilespmem:v2+s6+$0x0], $0xffff  }
0x411: {  	v51 =	vld.idx.msk [tilespmem:v3+s6+$0x0], $0xffff  }
0x412: {  	v52 =	vld.idx.msk [tilespmem:v4+s6+$0x0], $0xffff  }
0x413: {  	v37 =	vld.idx.msk [tilespmem:v5+s6+$0x0], $0xffff  }
0x414: {  	v38 =	vld.idx.msk [tilespmem:v6+s6+$0x0], $0xffff  }
0x415: {  	v53 =	vld.idx.msk [tilespmem:v7+s6+$0x0], $0xffff  }
0x416: {  	v54 =	vld.idx.msk [tilespmem:v8+s6+$0x0], $0xffff  }
0x417: {  	v55 =	vld.idx.msk [tilespmem:v9+s6+$0x0], $0xffff  }
0x418: {  	v56 =	vld.idx.msk [tilespmem:v10+s6+$0x0], $0xffff  }
0x419: {  	v57 =	vld.idx.msk [tilespmem:v11+s6+$0x0], $0xffff  }
0x41a: {  	v58 =	vld.idx.msk [tilespmem:v12+s6+$0x0], $0xffff  }
0x41b: {  	v59 =	vld.idx.msk [tilespmem:v13+s6+$0x0], $0xffff  }
0x41c: {  	v60 =	vld.idx.msk [tilespmem:v14+s6+$0x0], $0xffff  }
0x41d: {  	v61 =	vld.idx.msk [tilespmem:v15+s6+$0x0], $0xffff  }
0x41e: {  	v62 =	vld.idx.msk [tilespmem:v16+s6+$0x0], $0xffff  }
0x41f: {  	v49 =	vld.idx.msk [tilespmem:v17+s6+$0x0], $0xffff  }
0x420: {  	v50 =	vld.idx.msk [tilespmem:v18+s6+$0x0], $0xffff  }
0x421: {  	v63 =	vld.idx.msk [tilespmem:v21+s6+$0x0], $0xffff  }
0x422: {  	v33 =	vld.idx.msk [tilespmem:v33+s30+$0x0], $0xffff  }
0x423: {  	v34 =	vld.idx.msk [tilespmem:v34+s31+$0x0], $0xffff  }
0x424: {  	v35 =	vld.idx.msk [tilespmem:v51+s1+$0x0], $0xffff  }
0x425: {  	v36 =	vld.idx.msk [tilespmem:v52+s0+$0x0], $0xffff  }
0x426: {  	v37 =	vld.idx.msk [tilespmem:v37+s30+$0x0], $0xffff  }
0x427: {  	v38 =	vld.idx.msk [tilespmem:v38+s31+$0x0], $0xffff  }
0x428: {  	v39 =	vld.idx.msk [tilespmem:v53+s1+$0x0], $0xffff  }
0x429: {  	v40 =	vld.idx.msk [tilespmem:v54+s0+$0x0], $0xffff  }
0x42a: {  	v41 =	vld.idx.msk [tilespmem:v55+s30+$0x0], $0xffff  }
0x42b: {  	v42 =	vld.idx.msk [tilespmem:v56+s31+$0x0], $0xffff  }
0x42c: {  	v43 =	vld.idx.msk [tilespmem:v57+s1+$0x0], $0xffff  }
0x42d: {  	v44 =	vld.idx.msk [tilespmem:v58+s0+$0x0], $0xffff  }
0x42e: {  	v45 =	vld.idx.msk [tilespmem:v59+s30+$0x0], $0xffff  }
0x42f: {  	v46 =	vld.idx.msk [tilespmem:v60+s31+$0x0], $0xffff  }
0x430: {  	v47 =	vld.idx.msk [tilespmem:v61+s1+$0x0], $0xffff  }
0x431: {  	v48 =	vld.idx.msk [tilespmem:v62+s0+$0x0], $0xffff  }
0x432: {  	v51 =	vld.idx.msk [tilespmem:v19+s6+$0x0], $0xffff  }
0x433: {  	v52 =	vld.idx.msk [tilespmem:v20+s6+$0x0], $0xffff  }
0x434: {  	v60 =	vld.idx.msk [tilespmem:v22+s6+$0x0], $0xffff  }
0x435: {  	v61 =	vld.idx.msk [tilespmem:v23+s6+$0x0], $0xffff  }
0x436: {  	v62 =	vld.idx.msk [tilespmem:v24+s6+$0x0], $0xffff  }
0x437: {  	v49 =	vld.idx.msk [tilespmem:v49+s30+$0x0], $0xffff  }
0x438: {  	v50 =	vld.idx.msk [tilespmem:v50+s31+$0x0], $0xffff  }
0x439: {  	v53 =	vld.idx.msk [tilespmem:v63+s30+$0x0], $0xffff  }
0x43a: {  	v57 =	vld.idx.msk [tilespmem:v25+s6+$0x0], $0xffff  }
0x43b: {  	v58 =	vld.idx.msk [tilespmem:v29+s6+$0x0], $0xffff  }
0x43c: {  	v59 =	vld.idx.msk [tilespmem:v26+s6+$0x0], $0xffff  }
0x43d: {  	v63 =	vadd.f32 $0.0e+00, v41;
	v41 =	vld.idx.msk [tilespmem:v31+s6+$0x0], $0xffff  }
0x43e: {  	v51 =	vld.idx.msk [tilespmem:v51+s1+$0x0], $0xffff  }
0x43f: {  	v54 =	vld.idx.msk [tilespmem:v60+s31+$0x0], $0xffff  }
0x440: {  	v55 =	vld.idx.msk [tilespmem:v61+s1+$0x0], $0xffff  }
0x441: {  	v56 =	vld.idx.msk [tilespmem:v62+s0+$0x0], $0xffff  }
0x442: {  	v33 =	vadd.f32 $0.0e+00, v33;
	v60 =	vld.idx.msk [tilespmem:v30+s6+$0x0], $0xffff  }
0x443: {  	v37 =	vadd.f32 $0.0e+00, v37;
	v61 =	vld.idx.msk [tilespmem:v27+s6+$0x0], $0xffff  }
0x444: {  	v33 =	vadd.f32 v34, v33;
	v62 =	vadd.f32 $0.0e+00, v45;
	v45 =	vld.idx.msk [tilespmem:v28+s6+$0x0], $0xffff  }
0x445: {  	v37 =	vadd.f32 v38, v37;
	v34 =	vadd.f32 v42, v63;
	v63 =	vld.idx.msk [tilespmem:v58+s30+$0x0], $0xffff  }
0x446: {  	v33 =	vadd.f32 v35, v33;
	v35 =	vld.idx.msk [tilespmem:v32+s6+$0x0], $0xffff  }
0x447: {  	v58 =	vadd.f32 $0.0e+00, v49;
	v37 =	vadd.f32 v39, v37;
	v39 =	vld.idx.msk [tilespmem:v57+s30+$0x0], $0xffff  }
0x448: {  	v52 =	vld.idx.msk [tilespmem:v52+s0+$0x0], $0xffff;
	v34 =	vadd.f32 v43, v34;
	v38 =	vadd.f32 v46, v62  }
0x449: {  	v57 =	vld.idx.msk [tilespmem:v59+s31+$0x0], $0xffff;
	v42 =	vadd.f32 v50, v58;
	v33 =	vadd.f32 v36, v33  }
0x44a: {  	v37 =	vadd.f32 v40, v37;
	v34 =	vadd.f32 v44, v34;
	v59 =	vld.idx.msk [tilespmem:v60+s31+$0x0], $0xffff  }
0x44b: {  	v38 =	vadd.f32 v47, v38;
	v60 =	vadd.f32 $0.0e+00, v53;
	v62 =	vld.idx.msk [tilespmem:v61+s1+$0x0], $0xffff  }
0x44c: {  	v41 =	vld.idx.msk [tilespmem:v41+s1+$0x0], $0xffff;
	v36 =	vadd.f32 $0.0e+00, v63;
	v39 =	vadd.f32 $0.0e+00, v39  }
0x44d: {  	v63 =	vadd.f32 v51, v42;
	v45 =	vld.idx.msk [tilespmem:v45+s0+$0x0], $0xffff;
	v44 =	vadd.f32 v54, v60  }
0x44e: {  	[tilespmem:s20+$0x12200] =	vst v33;
	v38 =	vadd.f32 v48, v38;
	v39 =	vadd.f32 v57, v39;
	v35 =	vld.idx.msk [tilespmem:v35+s0+$0x0], $0xffff  }
0x44f: {  	[tilespmem:s20+$0x12210] =	vst v37;
	v42 =	vadd.f32 v55, v44;
	v36 =	vadd.f32 v59, v36  }
0x450: {  	[tilespmem:s20+$0x12220] =	vst v34;
	v33 =	vadd.f32 v52, v63;
	v43 =	vadd.f32 v62, v39  }
0x451: {  	[tilespmem:s20+$0x12230] =	vst v38;
	v37 =	vadd.f32 v56, v42;
	v36 =	vadd.f32 v41, v36  }
0x452: {  	[tilespmem:s20+$0x12240] =	vst v33;
	v44 =	vadd.f32 v45, v43  }
0x453: {  	[tilespmem:s20+$0x12250] =	vst v37;
	v45 =	vadd.f32 v35, v36  }
0x454: {  	[tilespmem:s20+$0x12260] =	vst v44  }
0x455: {  	s12 =	simm.s32 $0x12000;
	[tilespmem:s20+$0x12270] =	vst v45  }
0x456: {  	[hbm4b:s22+s2] =	stream.linear.scatter [tilespmem:s12], [sflag:$0x4], $0x400, $0x38;
	[tilespmem:$0x12800] =	vst v63  }
0x457: {  	_ =	swait.ge [sflag:s7], $0x8000  }
0x458: {  	[sflag:s7] =	ssyncset.done $0x0  }
0x459: {  	[sflag:s7] =	ssyncadd.s32 $0xFFFF8000  }
0x45a: {  	v46 =	vld.idx.msk [tilespmem:v0+s26+$0x0], $0xffff  }
0x45b: {  	v47 =	vld.idx.msk [tilespmem:v2+s26+$0x0], $0xffff  }
0x45c: {  	v48 =	vld.idx.msk [tilespmem:v3+s26+$0x0], $0xffff  }
0x45d: {  	v49 =	vld.idx.msk [tilespmem:v4+s26+$0x0], $0xffff  }
0x45e: {  	v50 =	vld.idx.msk [tilespmem:v5+s26+$0x0], $0xffff  }
0x45f: {  	v51 =	vld.idx.msk [tilespmem:v6+s26+$0x0], $0xffff  }
0x460: {  	v52 =	vld.idx.msk [tilespmem:v7+s26+$0x0], $0xffff  }
0x461: {  	v53 =	vld.idx.msk [tilespmem:v8+s26+$0x0], $0xffff  }
0x462: {  	v54 =	vld.idx.msk [tilespmem:v9+s26+$0x0], $0xffff  }
0x463: {  	v55 =	vld.idx.msk [tilespmem:v10+s26+$0x0], $0xffff  }
0x464: {  	v56 =	vld.idx.msk [tilespmem:v11+s26+$0x0], $0xffff  }
0x465: {  	v57 =	vld.idx.msk [tilespmem:v12+s26+$0x0], $0xffff  }
0x466: {  	v58 =	vld.idx.msk [tilespmem:v13+s26+$0x0], $0xffff  }
0x467: {  	v59 =	vld.idx.msk [tilespmem:v14+s26+$0x0], $0xffff  }
0x468: {  	v60 =	vld.idx.msk [tilespmem:v15+s26+$0x0], $0xffff  }
0x469: {  	v61 =	vld.idx.msk [tilespmem:v16+s26+$0x0], $0xffff  }
0x46a: {  	v62 =	vld.idx.msk [tilespmem:v21+s26+$0x0], $0xffff  }
0x46b: {  	v63 =	vld.idx.msk [tilespmem:v22+s26+$0x0], $0xffff  }
0x46c: {  	v33 =	vld.idx.msk [tilespmem:v46+s30+$0x0], $0xffff  }
0x46d: {  	v34 =	vld.idx.msk [tilespmem:v47+s31+$0x0], $0xffff  }
0x46e: {  	v35 =	vld.idx.msk [tilespmem:v48+s1+$0x0], $0xffff  }
0x46f: {  	v36 =	vld.idx.msk [tilespmem:v49+s0+$0x0], $0xffff  }
0x470: {  	v37 =	vld.idx.msk [tilespmem:v50+s30+$0x0], $0xffff  }
0x471: {  	v38 =	vld.idx.msk [tilespmem:v51+s31+$0x0], $0xffff  }
0x472: {  	v39 =	vld.idx.msk [tilespmem:v52+s1+$0x0], $0xffff  }
0x473: {  	v40 =	vld.idx.msk [tilespmem:v53+s0+$0x0], $0xffff  }
0x474: {  	v41 =	vld.idx.msk [tilespmem:v54+s30+$0x0], $0xffff  }
0x475: {  	v42 =	vld.idx.msk [tilespmem:v55+s31+$0x0], $0xffff  }
0x476: {  	v43 =	vld.idx.msk [tilespmem:v56+s1+$0x0], $0xffff  }
0x477: {  	v44 =	vld.idx.msk [tilespmem:v57+s0+$0x0], $0xffff  }
0x478: {  	v45 =	vld.idx.msk [tilespmem:v58+s30+$0x0], $0xffff  }
0x479: {  	v46 =	vld.idx.msk [tilespmem:v59+s31+$0x0], $0xffff  }
0x47a: {  	v47 =	vld.idx.msk [tilespmem:v60+s1+$0x0], $0xffff  }
0x47b: {  	v48 =	vld.idx.msk [tilespmem:v61+s0+$0x0], $0xffff  }
0x47c: {  	v49 =	vld.idx.msk [tilespmem:v17+s26+$0x0], $0xffff  }
0x47d: {  	v50 =	vld.idx.msk [tilespmem:v18+s26+$0x0], $0xffff  }
0x47e: {  	v51 =	vld.idx.msk [tilespmem:v19+s26+$0x0], $0xffff  }
0x47f: {  	v52 =	vld.idx.msk [tilespmem:v20+s26+$0x0], $0xffff  }
0x480: {  	v60 =	vld.idx.msk [tilespmem:v23+s26+$0x0], $0xffff  }
0x481: {  	v61 =	vld.idx.msk [tilespmem:v24+s26+$0x0], $0xffff  }
0x482: {  	v53 =	vld.idx.msk [tilespmem:v62+s30+$0x0], $0xffff  }
0x483: {  	v54 =	vld.idx.msk [tilespmem:v63+s31+$0x0], $0xffff  }
0x484: {  	v57 =	vld.idx.msk [tilespmem:v25+s26+$0x0], $0xffff  }
0x485: {  	v58 =	vld.idx.msk [tilespmem:v29+s26+$0x0], $0xffff  }
0x486: {  	v59 =	vld.idx.msk [tilespmem:v26+s26+$0x0], $0xffff  }
0x487: {  	v62 =	vadd.f32 $0.0e+00, v41;
	v41 =	vld.idx.msk [tilespmem:v31+s26+$0x0], $0xffff  }
0x488: {  	v63 =	vadd.f32 $0.0e+00, v45;
	v45 =	vld.idx.msk [tilespmem:v28+s26+$0x0], $0xffff  }
0x489: {  	v49 =	vld.idx.msk [tilespmem:v49+s30+$0x0], $0xffff  }
0x48a: {  	v50 =	vld.idx.msk [tilespmem:v50+s31+$0x0], $0xffff  }
0x48b: {  	v55 =	vld.idx.msk [tilespmem:v60+s1+$0x0], $0xffff  }
0x48c: {  	v56 =	vld.idx.msk [tilespmem:v61+s0+$0x0], $0xffff  }
0x48d: {  	v33 =	vadd.f32 $0.0e+00, v33;
	v60 =	vld.idx.msk [tilespmem:v30+s26+$0x0], $0xffff  }
0x48e: {  	v37 =	vadd.f32 $0.0e+00, v37;
	v61 =	vld.idx.msk [tilespmem:v27+s26+$0x0], $0xffff  }
0x48f: {  	v33 =	vadd.f32 v34, v33;
	v51 =	vld.idx.msk [tilespmem:v51+s1+$0x0], $0xffff  }
0x490: {  	v37 =	vadd.f32 v38, v37;
	v52 =	vld.idx.msk [tilespmem:v52+s0+$0x0], $0xffff  }
0x491: {  	v34 =	vadd.f32 v42, v62;
	v33 =	vadd.f32 v35, v33;
	v35 =	vld.idx.msk [tilespmem:v32+s26+$0x0], $0xffff  }
0x492: {  	v38 =	vadd.f32 v46, v63;
	v37 =	vadd.f32 v39, v37;
	v39 =	vld.idx.msk [tilespmem:v57+s30+$0x0], $0xffff  }
0x493: {  	v62 =	vadd.f32 $0.0e+00, v53;
	v34 =	vadd.f32 v43, v34;
	v57 =	vld.idx.msk [tilespmem:v58+s30+$0x0], $0xffff  }
0x494: {  	v38 =	vadd.f32 v47, v38;
	v58 =	vld.idx.msk [tilespmem:v59+s31+$0x0], $0xffff;
	v33 =	vadd.f32 v36, v33  }
0x495: {  	v37 =	vadd.f32 v40, v37;
	v34 =	vadd.f32 v44, v34;
	v60 =	vld.idx.msk [tilespmem:v60+s31+$0x0], $0xffff  }
0x496: {  	v38 =	vadd.f32 v48, v38;
	v59 =	vadd.f32 $0.0e+00, v49;
	v63 =	vld.idx.msk [tilespmem:v61+s1+$0x0], $0xffff  }
0x497: {  	v44 =	vadd.f32 v54, v62;
	v41 =	vld.idx.msk [tilespmem:v41+s1+$0x0], $0xffff;
	v39 =	vadd.f32 $0.0e+00, v39  }
0x498: {  	v45 =	vld.idx.msk [tilespmem:v45+s0+$0x0], $0xffff;
	v36 =	vadd.f32 $0.0e+00, v57;
	v42 =	vadd.f32 v50, v59  }
0x499: {  	[tilespmem:s20+$0x12400] =	vst v33;
	v44 =	vadd.f32 v55, v44;
	v39 =	vadd.f32 v58, v39;
	v35 =	vld.idx.msk [tilespmem:v35+s0+$0x0], $0xffff  }
0x49a: {  	[tilespmem:s20+$0x12410] =	vst v37;
	v42 =	vadd.f32 v51, v42;
	v36 =	vadd.f32 v60, v36  }
0x49b: {  	[tilespmem:s20+$0x12420] =	vst v34;
	v37 =	vadd.f32 v56, v44;
	v47 =	vadd.f32 v63, v39  }
0x49c: {  	[tilespmem:s20+$0x12430] =	vst v38;
	v33 =	vadd.f32 v52, v42;
	v36 =	vadd.f32 v41, v36  }
0x49d: {  	[tilespmem:s20+$0x12450] =	vst v37;
	v48 =	vadd.f32 v45, v47  }
0x49e: {  	[tilespmem:s20+$0x12440] =	vst v33;
	v49 =	vadd.f32 v35, v36  }
0x49f: {  	[tilespmem:s20+$0x12460] =	vst v48  }
0x4a0: {  	[tilespmem:s20+$0x12470] =	vst v49  }
0x4a1: {  	v33 =	vld.idx.msk [tilespmem:v0+s8+$0x0], $0xffff  }
0x4a2: {  	v34 =	vld.idx.msk [tilespmem:v2+s8+$0x0], $0xffff  }
0x4a3: {  	v50 =	vld.idx.msk [tilespmem:v3+s8+$0x0], $0xffff  }
0x4a4: {  	v51 =	vld.idx.msk [tilespmem:v4+s8+$0x0], $0xffff  }
0x4a5: {  	v37 =	vld.idx.msk [tilespmem:v5+s8+$0x0], $0xffff  }
0x4a6: {  	v38 =	vld.idx.msk [tilespmem:v6+s8+$0x0], $0xffff  }
0x4a7: {  	v52 =	vld.idx.msk [tilespmem:v7+s8+$0x0], $0xffff  }
0x4a8: {  	v53 =	vld.idx.msk [tilespmem:v8+s8+$0x0], $0xffff  }
0x4a9: {  	v54 =	vld.idx.msk [tilespmem:v9+s8+$0x0], $0xffff  }
0x4aa: {  	v55 =	vld.idx.msk [tilespmem:v10+s8+$0x0], $0xffff  }
0x4ab: {  	v56 =	vld.idx.msk [tilespmem:v11+s8+$0x0], $0xffff  }
0x4ac: {  	v57 =	vld.idx.msk [tilespmem:v12+s8+$0x0], $0xffff  }
0x4ad: {  	v58 =	vld.idx.msk [tilespmem:v13+s8+$0x0], $0xffff  }
0x4ae: {  	v59 =	vld.idx.msk [tilespmem:v14+s8+$0x0], $0xffff  }
0x4af: {  	v60 =	vld.idx.msk [tilespmem:v15+s8+$0x0], $0xffff  }
0x4b0: {  	v61 =	vld.idx.msk [tilespmem:v16+s8+$0x0], $0xffff  }
0x4b1: {  	v49 =	vld.idx.msk [tilespmem:v17+s8+$0x0], $0xffff  }
0x4b2: {  	v62 =	vld.idx.msk [tilespmem:v21+s8+$0x0], $0xffff  }
0x4b3: {  	v63 =	vld.idx.msk [tilespmem:v22+s8+$0x0], $0xffff  }
0x4b4: {  	v33 =	vld.idx.msk [tilespmem:v33+s30+$0x0], $0xffff  }
0x4b5: {  	v34 =	vld.idx.msk [tilespmem:v34+s31+$0x0], $0xffff  }
0x4b6: {  	v35 =	vld.idx.msk [tilespmem:v50+s1+$0x0], $0xffff  }
0x4b7: {  	v36 =	vld.idx.msk [tilespmem:v51+s0+$0x0], $0xffff  }
0x4b8: {  	v37 =	vld.idx.msk [tilespmem:v37+s30+$0x0], $0xffff  }
0x4b9: {  	v38 =	vld.idx.msk [tilespmem:v38+s31+$0x0], $0xffff  }
0x4ba: {  	v39 =	vld.idx.msk [tilespmem:v52+s1+$0x0], $0xffff  }
0x4bb: {  	v40 =	vld.idx.msk [tilespmem:v53+s0+$0x0], $0xffff  }
0x4bc: {  	v41 =	vld.idx.msk [tilespmem:v54+s30+$0x0], $0xffff  }
0x4bd: {  	v42 =	vld.idx.msk [tilespmem:v55+s31+$0x0], $0xffff  }
0x4be: {  	v43 =	vld.idx.msk [tilespmem:v56+s1+$0x0], $0xffff  }
0x4bf: {  	v44 =	vld.idx.msk [tilespmem:v57+s0+$0x0], $0xffff  }
0x4c0: {  	v45 =	vld.idx.msk [tilespmem:v58+s30+$0x0], $0xffff  }
0x4c1: {  	v46 =	vld.idx.msk [tilespmem:v59+s31+$0x0], $0xffff  }
0x4c2: {  	v47 =	vld.idx.msk [tilespmem:v60+s1+$0x0], $0xffff  }
0x4c3: {  	v48 =	vld.idx.msk [tilespmem:v61+s0+$0x0], $0xffff  }
0x4c4: {  	v50 =	vld.idx.msk [tilespmem:v18+s8+$0x0], $0xffff  }
0x4c5: {  	v51 =	vld.idx.msk [tilespmem:v19+s8+$0x0], $0xffff  }
0x4c6: {  	v52 =	vld.idx.msk [tilespmem:v20+s8+$0x0], $0xffff  }
0x4c7: {  	v60 =	vld.idx.msk [tilespmem:v23+s8+$0x0], $0xffff  }
0x4c8: {  	v61 =	vld.idx.msk [tilespmem:v24+s8+$0x0], $0xffff  }
0x4c9: {  	v49 =	vld.idx.msk [tilespmem:v49+s30+$0x0], $0xffff  }
0x4ca: {  	v53 =	vld.idx.msk [tilespmem:v62+s30+$0x0], $0xffff  }
0x4cb: {  	v54 =	vld.idx.msk [tilespmem:v63+s31+$0x0], $0xffff  }
0x4cc: {  	v57 =	vld.idx.msk [tilespmem:v25+s8+$0x0], $0xffff  }
0x4cd: {  	v58 =	vld.idx.msk [tilespmem:v29+s8+$0x0], $0xffff  }
0x4ce: {  	v59 =	vld.idx.msk [tilespmem:v26+s8+$0x0], $0xffff  }
0x4cf: {  	v62 =	vadd.f32 $0.0e+00, v41;
	v41 =	vld.idx.msk [tilespmem:v31+s8+$0x0], $0xffff  }
0x4d0: {  	v63 =	vadd.f32 $0.0e+00, v45;
	v45 =	vld.idx.msk [tilespmem:v28+s8+$0x0], $0xffff  }
0x4d1: {  	v50 =	vld.idx.msk [tilespmem:v50+s31+$0x0], $0xffff  }
0x4d2: {  	v55 =	vld.idx.msk [tilespmem:v60+s1+$0x0], $0xffff  }
0x4d3: {  	v56 =	vld.idx.msk [tilespmem:v61+s0+$0x0], $0xffff  }
0x4d4: {  	v33 =	vadd.f32 $0.0e+00, v33;
	v60 =	vld.idx.msk [tilespmem:v30+s8+$0x0], $0xffff  }
0x4d5: {  	v37 =	vadd.f32 $0.0e+00, v37;
	v61 =	vld.idx.msk [tilespmem:v27+s8+$0x0], $0xffff  }
0x4d6: {  	v33 =	vadd.f32 v34, v33;
	v51 =	vld.idx.msk [tilespmem:v51+s1+$0x0], $0xffff  }
0x4d7: {  	v37 =	vadd.f32 v38, v37;
	v52 =	vld.idx.msk [tilespmem:v52+s0+$0x0], $0xffff  }
0x4d8: {  	v34 =	vadd.f32 v42, v62;
	v33 =	vadd.f32 v35, v33;
	v35 =	vld.idx.msk [tilespmem:v32+s8+$0x0], $0xffff  }
0x4d9: {  	v38 =	vadd.f32 v46, v63;
	v37 =	vadd.f32 v39, v37;
	v39 =	vld.idx.msk [tilespmem:v57+s30+$0x0], $0xffff  }
0x4da: {  	v63 =	vadd.f32 $0.0e+00, v49;
	v33 =	vadd.f32 v36, v33;
	v36 =	vld.idx.msk [tilespmem:v58+s30+$0x0], $0xffff  }
0x4db: {  	v62 =	vld.idx.msk [tilespmem:v59+s31+$0x0], $0xffff;
	v34 =	vadd.f32 v43, v34;
	v38 =	vadd.f32 v47, v38  }
0x4dc: {  	v57 =	vadd.f32 $0.0e+00, v53;
	v37 =	vadd.f32 v40, v37;
	v49 =	vld.idx.msk [tilespmem:v60+s31+$0x0], $0xffff  }
0x4dd: {  	v34 =	vadd.f32 v44, v34;
	v38 =	vadd.f32 v48, v38;
	v58 =	vld.idx.msk [tilespmem:v61+s1+$0x0], $0xffff  }
0x4de: {  	v42 =	vadd.f32 v50, v63;
	v41 =	vld.idx.msk [tilespmem:v41+s1+$0x0], $0xffff;
	v39 =	vadd.f32 $0.0e+00, v39  }
0x4df: {  	v44 =	vadd.f32 v54, v57;
	v45 =	vld.idx.msk [tilespmem:v45+s0+$0x0], $0xffff;
	v36 =	vadd.f32 $0.0e+00, v36  }
0x4e0: {  	[tilespmem:s20+$0x12600] =	vst v33;
	v59 =	vadd.f32 v51, v42;
	v39 =	vadd.f32 v62, v39;
	v35 =	vld.idx.msk [tilespmem:v35+s0+$0x0], $0xffff  }
0x4e1: {  	[tilespmem:s20+$0x12610] =	vst v37;
	v60 =	vadd.f32 v55, v44;
	v36 =	vadd.f32 v49, v36  }
0x4e2: {  	[tilespmem:s20+$0x12620] =	vst v34;
	v33 =	vadd.f32 v52, v59;
	v61 =	vadd.f32 v58, v39  }
0x4e3: {  	[tilespmem:s20+$0x12630] =	vst v38;
	v37 =	vadd.f32 v56, v60;
	v36 =	vadd.f32 v41, v36  }
0x4e4: {  	[tilespmem:s20+$0x12640] =	vst v33;
	v62 =	vadd.f32 v45, v61  }
0x4e5: {  	[tilespmem:s20+$0x12650] =	vst v37;
	v63 =	vadd.f32 v35, v36  }
0x4e6: {  	[tilespmem:s20+$0x12660] =	vst v62  }
0x4e7: {  	s12 =	simm.s32 $0x12400;
	[tilespmem:s20+$0x12670] =	vst v63  }
0x4e8: {  	[hbm4b:s24+s2] =	stream.linear.scatter [tilespmem:s12], [sflag:$0x4], $0x400, $0x38;
	[tilespmem:$0x12800] =	vst v63  }
0x4e9: {  	_ =	swait.ge [sflag:s9], $0x400  }
0x4ea: {  	[sflag:s9] =	ssyncset.done $0x0  }
0x4eb: {  	[sflag:s9] =	ssyncadd.s32 $0xFFFFFC00  }
0x4ec: {  	_ =	swait.ge [sflag:s9], $0x400  }
0x4ed: {  	[sflag:s9] =	ssyncset.done $0x0  }
0x4ee: {  	[sflag:s9] =	ssyncadd.s32 $0xFFFFFC00  }
0x4ef: {  	_ =	swait.ge [sflag:s9], $0x400  }
0x4f0: {  	[sflag:s9] =	ssyncset.done $0x0  }
0x4f1: {  	[sflag:s9] =	ssyncadd.s32 $0xFFFFFC00  }
0x4f2: {  	_ =	swait.ge [sflag:s9], $0x400  }
0x4f3: {  	[sflag:s9] =	ssyncset.done $0x0  }
0x4f4: {  	[sflag:s9] =	ssyncadd.s32 $0xFFFFFC00  }
0x4f5: {  	_ =	swait.ge [sflag:s9], $0x400  }
0x4f6: {  	[sflag:s9] =	ssyncset.done $0x0  }
0x4f7: {  	[sflag:s9] =	ssyncadd.s32 $0xFFFFFC00  }
0x4f8: {  	_ =	swait.ge [sflag:s9], $0x400  }
0x4f9: {  	[sflag:s9] =	ssyncset.done $0x0  }
0x4fa: {  	s10 =	sadd.s32 $0x1, s10;
	[sflag:s9] =	ssyncadd.s32 $0xFFFFFC00  }
0x4fb: {  	p0 =	sne.s32 s10, s25;
	_ =	swait.ge [sflag:s9], $0x400  }
.Ltmp1:
0x4fc: {  	[sflag:s9] =	ssyncset.done $0x0;
	(pc) =	sbr.rel @p0 .LBB2_1-.Ltmp1, $4  }
0x4fd: {  	[sflag:s9] =	ssyncadd.s32 $0xFFFFFC00  }
0x4fe: {  	_ =	swait.ge [sflag:s9], $0x400  }
0x4ff: {  	[sflag:s9] =	ssyncset.done $0x0  }
0x500: {  	[sflag:s9] =	ssyncadd.s32 $0xFFFFFC00  }
0x501: {  	_ =	sfence.sel $0x180000  }
0x502: {  	[bflag:$0x0] =	sbarrier.arrive $0xFFFF  }
0x503: {  	_ =	strace $0x90000047  }
0x504: {  	s0 =	stileid.u32;
	[bflag:$0x2] =	sbarrier.arrive $0xFFFF  }
0x505: {  	p0 =	sne.s32 s0, $0x0;
	s0 =	rddreg [dreg:$0x2]  }
0x506: {  	s0 =	sadd.s32 @!p0 $0x100000, s0  }
0x507: {  	[sflag:s0] =	ssyncadd.tile.s32 @!p0 $0x1;
	_ =	shalt  }
.Lfunc_end2:
_tile_overlayer_lowered:
.L_overlay_start_2:
0x508: {  	(tag) =	ssettag $0x2  }
0x509: {  	s0 =	rddreg [dreg:$0x0];
	s2 =	stileid.u32  }
0x50a: {  	s1 =	rddreg [dreg:$0x1];
	p0 =	sne.s32 s2, $0x0  }
0x50b: {  	s3 =	rddreg [dreg:$0x2];
	[bflag:$0x3] =	sbarrier.arrive $0xFFFF;
	s2 =	simm.s32 @!p0 $0x1C05  }
0x50c: {  	[timem:s3], [sflag:s2] =	dma.local @!p0 [hbm:s0], s1  }
0x50d: {  	s0 =	simm.s32 @!p0 $0x5  }
0x50e: {  	_ =	swait.ge @!p0 [sflag:s0], s1  }
0x50f: {  	s1 =	ssub.s32 @!p0 $0x0, s1;
	[sflag:s0] =	ssyncset.done @!p0 $0x0  }
0x510: {  	[sflag:s0] =	ssyncadd.s32 @!p0 s1  }
0x511: {  	[bflag:$0x3] =	sbarrier.arrive $0xFFFF  }
0x512: {  	_ =	shalt  }

</sc_bundles>
